<compile_context>
chip_gen: v7x
topology: tpu7x:2x2x1
jax: 0.10.2.dev20260603
libtpu: 0.0.44.dev20260713+nightly
codegen_flags: <defaults>
</compile_context>

<pallas_src>
import functools

import jax
import jax.numpy as jnp
from jax import lax
from jax.experimental import pallas as pl
from jax.experimental.pallas import tpu as pltpu
from jax.experimental.pallas import tpu_sc as plsc

_PAD = 1
_L = 16
_NC = 2
_NS = 16
_NW = _NC * _NS

_CHUNK = 32
_NBUF = 3


def _make_sc_kernel(B, Lseq, V, D):
    seg = (B * Lseq) // _NW
    segs_per_row = Lseq // seg
    n_chunks = seg // _CHUNK
    mesh = plsc.VectorSubcoreMesh(core_axis_name="c", subcore_axis_name="s")

    @functools.partial(
        pl.kernel,
        mesh=mesh,
        compiler_params=pltpu.CompilerParams(needs_layout_passes=False),
        out_type=jax.ShapeDtypeStruct((B * Lseq, D), jnp.float32),
        scratch_types=[
            pltpu.VMEM((Lseq,), jnp.int32),
            pltpu.VMEM((seg,), jnp.int32),
            pltpu.VMEM((_NBUF, _CHUNK, D), jnp.float32),
        ] + [pltpu.VMEM((_CHUNK,), jnp.int32) for _ in range(n_chunks)]
          + [pltpu.SemaphoreType.DMA] * (2 * _NBUF + 2),
    )
    def sc_kernel(pos_hbm, weight_hbm, out_hbm, row_v, seg_v, bufs,
                  *rest):
        idx_refs = rest[:n_chunks]
        sems = rest[n_chunks:]
        gsems = sems[:_NBUF]
        wsems = sems[_NBUF:2 * _NBUF]
        s0, s1 = sems[2 * _NBUF], sems[2 * _NBUF + 1]
        wid = lax.axis_index("s") * _NC + lax.axis_index("c")
        b = wid // segs_per_row
        s = wid % segs_per_row
        out_base = wid * seg

        c_row = pltpu.async_copy(pos_hbm.at[b], row_v, s0)
        c_seg = pltpu.async_copy(pos_hbm.at[b, pl.ds(s * seg, seg)], seg_v, s1)
        c_seg.wait()
        c_row.wait()

        s_chunks = s * (seg // _L)
        acc = jnp.zeros((_L,), jnp.int32)
        for j in range((segs_per_row - 1) * (seg // _L)):
            v = row_v[pl.ds(j * _L, _L)]
            pad = jnp.where(v != _PAD, 1, 0)
            gate = jnp.where(j < s_chunks, 1, 0)
            acc = acc + pad * gate
        offset = jnp.sum(acc)

        gathers = [None] * n_chunks
        writes = [None] * n_chunks
        carry = offset
        for c in range(n_chunks):
            for kk in range(_CHUNK // _L):
                k = c * (_CHUNK // _L) + kk
                v = seg_v[pl.ds(k * _L, _L)]
                m = v != _PAD
                mi = jnp.where(m, 1, 0)
                cs = plsc.cumsum(mi)
                pos = jnp.where(m, cs + carry, 0) + _PAD
                carry = carry + jnp.sum(mi)
                idx_refs[c][pl.ds(kk * _L, _L)] = pos
            bb = c % _NBUF
            if c >= _NBUF:
                writes[c - _NBUF].wait()
            gathers[c] = pltpu.async_copy(
                weight_hbm.at[idx_refs[c]], bufs.at[bb], gsems[bb])
            if c >= 1:
                gathers[c - 1].wait()
                writes[c - 1] = pltpu.async_copy(
                    bufs.at[(c - 1) % _NBUF],
                    out_hbm.at[pl.ds(out_base + (c - 1) * _CHUNK, _CHUNK)],
                    wsems[(c - 1) % _NBUF])
        last = n_chunks - 1
        gathers[last].wait()
        writes[last] = pltpu.async_copy(
            bufs.at[last % _NBUF],
            out_hbm.at[pl.ds(out_base + last * _CHUNK, _CHUNK)],
            wsems[last % _NBUF])
        for c in range(n_chunks - _NBUF, n_chunks):
            writes[c].wait()

    return sc_kernel


def kernel(position_ids, weight):
    B, Lseq = position_ids.shape
    V, D = weight.shape
    sc = _make_sc_kernel(B, Lseq, V, D)
    out = sc(position_ids, weight)
    return out.reshape(B, Lseq, D)

# --- scband reference (transcript-rebuilt; emitter-appended) ---
"""Pipeline reference for scband-sinusoidal-positional-embedding-8813272891910 (READ-ONLY COPY).

The authoritative reference and input builder live on the scoring server;
editing this copy changes nothing except your own understanding.
"""

import jax, jax.numpy as jnp
import numpy as np

EMBEDDING_DIM = 1024
PADDING_IDX = 1
INIT_SIZE = 4096


def _get_timestep_embedding(timesteps, embedding_dim, downscale_freq_shift=1.0, scale=1.0):
    # diffusers get_timestep_embedding with flip_sin_to_cos=False,
    # downscale_freq_shift=1 (fairseq / Kimi (half_dim - 1) normalization)
    half_dim = embedding_dim // 2
    exponent = -np.log(10000.0) * jnp.arange(half_dim, dtype=jnp.float32)
    exponent = exponent / (half_dim - downscale_freq_shift)
    emb = jnp.exp(exponent)
    emb = scale * (timesteps.astype(jnp.float32)[:, None] * emb[None, :])
    # flip_sin_to_cos=False -> [sin, cos]
    emb = jnp.concatenate([jnp.sin(emb), jnp.cos(emb)], axis=-1)
    return emb


def _build_table():
    table = _get_timestep_embedding(
        jnp.arange(INIT_SIZE, dtype=jnp.float32),
        EMBEDDING_DIM,
        downscale_freq_shift=1.0,
        scale=1.0,
    )
    # zero the padding_idx slot
    table = table.at[PADDING_IDX].set(0.0)
    return table


def setup_inputs(seed: int = 0) -> dict:
    key = jax.random.key(seed)
    position_ids = jax.random.randint(key, (4, 2048), 0, 4096, dtype=jnp.int32)
    weight = _build_table()  # frozen sincos buffer [INIT_SIZE, EMBEDDING_DIM]
    return {"position_ids": position_ids, "weight": weight}


def reference(position_ids, weight):
    # mask = position_ids.ne(padding_idx).int()
    mask = (position_ids != PADDING_IDX).astype(jnp.int32)
    # positions = (cumsum(mask, dim=1) * mask).long() + padding_idx
    positions = (jnp.cumsum(mask, axis=1) * mask).astype(jnp.int32) + PADDING_IDX
    # gather rows from frozen table -> [B, L, embedding_dim]
    return jnp.take(weight, positions, axis=0)

if __name__ == "__main__":
    import jax
    _d = setup_inputs()
    print(jax.jit(kernel)(*tuple(_d.values())))

</pallas_src>

<mosaic_0001>
#map = affine_map<(d0, d1) -> (0, 0)>
module attributes {stable_mosaic.version = 14 : i64} {
  func.func @sc_kernel(%arg0: i32, %arg1: i32, %arg2: memref<4x2048xi32, #tpu.memory_space<hbm>>, %arg3: memref<4096x1024xf32, #tpu.memory_space<hbm>>, %arg4: memref<8192x1024xf32, #tpu.memory_space<hbm>>, %arg5: memref<2048xi32, #tpu.memory_space<vmem>>, %arg6: memref<256xi32, #tpu.memory_space<vmem>>, %arg7: memref<3x32x1024xf32, #tpu.memory_space<vmem>>, %arg8: memref<32xi32, #tpu.memory_space<vmem>>, %arg9: memref<32xi32, #tpu.memory_space<vmem>>, %arg10: memref<32xi32, #tpu.memory_space<vmem>>, %arg11: memref<32xi32, #tpu.memory_space<vmem>>, %arg12: memref<32xi32, #tpu.memory_space<vmem>>, %arg13: memref<32xi32, #tpu.memory_space<vmem>>, %arg14: memref<32xi32, #tpu.memory_space<vmem>>, %arg15: memref<32xi32, #tpu.memory_space<vmem>>, %arg16: memref<!tpu.dma_semaphore, #tpu.memory_space<semaphore_mem>>, %arg17: memref<!tpu.dma_semaphore, #tpu.memory_space<semaphore_mem>>, %arg18: memref<!tpu.dma_semaphore, #tpu.memory_space<semaphore_mem>>, %arg19: memref<!tpu.dma_semaphore, #tpu.memory_space<semaphore_mem>>, %arg20: memref<!tpu.dma_semaphore, #tpu.memory_space<semaphore_mem>>, %arg21: memref<!tpu.dma_semaphore, #tpu.memory_space<semaphore_mem>>, %arg22: memref<!tpu.dma_semaphore, #tpu.memory_space<semaphore_mem>>, %arg23: memref<!tpu.dma_semaphore, #tpu.memory_space<semaphore_mem>>) attributes {dimension_semantics = [#tpu.dimension_semantics<core_parallel>, #tpu.dimension_semantics<subcore_parallel>], iteration_bounds = array<i64: 2, 16>, scalar_prefetch = 0 : i64, scratch_operands = 19 : i64, tpu.core_type = #tpu.core_type<sc_vector_subcore>, window_params = [{transform_indices = #map}, {transform_indices = #map}, {transform_indices = #map}]} {
    %mul3A = arith.constant 2 : i32
    %mul3A_0 = arith.muli %arg1, %mul3A : i32
    %add3A = arith.addi %mul3A_0, %arg0 : i32
    %jit3A = arith.constant 8 : i32
    %div3A = arith.divsi %add3A, %jit3A : i32
    %sign3A = arith.constant 0 : i32
    %sign3A_1 = arith.cmpi sgt, %add3A, %sign3A : i32
    %sign3A_2 = arith.extui %sign3A_1 : i1 to i32
    %sign3A_3 = arith.constant 0 : i32
    %sign3A_4 = arith.cmpi slt, %add3A, %sign3A_3 : i32
    %sign3A_5 = arith.extui %sign3A_4 : i1 to i32
    %sign3A_6 = arith.subi %sign3A_2, %sign3A_5 : i32
    %sign3A_7 = arith.constant 0 : i32
    %sign3A_8 = arith.cmpi sgt, %jit3A, %sign3A_7 : i32
    %sign3A_9 = arith.extui %sign3A_8 : i1 to i32
    %sign3A_10 = arith.constant 0 : i32
    %sign3A_11 = arith.cmpi slt, %jit3A, %sign3A_10 : i32
    %sign3A_12 = arith.extui %sign3A_11 : i1 to i32
    %sign3A_13 = arith.subi %sign3A_9, %sign3A_12 : i32
    %ne3A = arith.cmpi ne, %sign3A_6, %sign3A_13 : i32
    %rem3A = arith.remsi %add3A, %jit3A : i32
    %ne3A_14 = arith.constant 0 : i32
    %ne3A_15 = arith.cmpi ne, %rem3A, %ne3A_14 : i32
    %and3A = arith.andi %ne3A, %ne3A_15 : i1
    %sub3A = arith.constant 1 : i32
    %sub3A_16 = arith.subi %div3A, %sub3A : i32
    %select_n3A = arith.select %and3A, %sub3A_16, %div3A : i32
    %jit3A_17 = arith.constant 8 : i32
    %eq3A = arith.constant 0 : i32
    %eq3A_18 = arith.cmpi eq, %jit3A_17, %eq3A : i32
    %jit3A_19 = arith.constant 1 : i32
    %select_n3A_20 = arith.select %eq3A_18, %jit3A_19, %jit3A_17 : i32
    %rem3A_21 = arith.remsi %add3A, %select_n3A_20 : i32
    %ne3A_22 = arith.constant 0 : i32
    %ne3A_23 = arith.cmpi ne, %rem3A_21, %ne3A_22 : i32
    %lt3A = arith.constant 0 : i32
    %lt3A_24 = arith.cmpi slt, %rem3A_21, %lt3A : i32
    %lt3A_25 = arith.constant 0 : i32
    %lt3A_26 = arith.cmpi slt, %select_n3A_20, %lt3A_25 : i32
    %ne3A_27 = arith.xori %lt3A_24, %lt3A_26 : i1
    %and3A_28 = arith.andi %ne3A_27, %ne3A_23 : i1
    %add3A_29 = arith.addi %rem3A_21, %select_n3A_20 : i32
    %select_n3A_30 = arith.select %and3A_28, %add3A_29, %rem3A_21 : i32
    %mul3A_31 = arith.constant 256 : i32
    %mul3A_32 = arith.muli %add3A, %mul3A_31 : i32
    %dma_start3A = arith.constant 0 : i32
    %dma_start3A_33 = tpu.memref_slice %arg2[%select_n3A, %dma_start3A] : memref<4x2048xi32, #tpu.memory_space<hbm>> -> memref<1x2048xi32, #tpu.memory_space<hbm>>
    %dma_start3A_34 = tpu.memref_squeeze %dma_start3A_33 : memref<1x2048xi32, #tpu.memory_space<hbm>> -> memref<2048xi32, #tpu.memory_space<hbm>>
    %dma_start3A_35 = arith.constant 0 : i32
    %dma_start3A_36 = tpu.memref_slice %arg2[%select_n3A, %dma_start3A_35] : memref<4x2048xi32, #tpu.memory_space<hbm>> -> memref<1x2048xi32, #tpu.memory_space<hbm>>
    %dma_start3A_37 = tpu.memref_squeeze %dma_start3A_36 : memref<1x2048xi32, #tpu.memory_space<hbm>> -> memref<2048xi32, #tpu.memory_space<hbm>>
    tpu.enqueue_dma source(%dma_start3A_37 : memref<2048xi32, #tpu.memory_space<hbm>>) target(%arg5 : memref<2048xi32, #tpu.memory_space<vmem>>) target_semaphore(%arg22 : memref<!tpu.dma_semaphore, #tpu.memory_space<semaphore_mem>>)
    %mul3A_38 = arith.constant 256 : i32
    %mul3A_39 = arith.muli %select_n3A_30, %mul3A_38 : i32
    %dma_start3A_40 = tpu.memref_slice %arg2[%select_n3A, %mul3A_39] : memref<4x2048xi32, #tpu.memory_space<hbm>> -> memref<1x256xi32, #tpu.memory_space<hbm>>
    %dma_start3A_41 = tpu.memref_squeeze %dma_start3A_40 : memref<1x256xi32, #tpu.memory_space<hbm>> -> memref<256xi32, #tpu.memory_space<hbm>>
    %dma_start3A_42 = tpu.memref_slice %arg2[%select_n3A, %mul3A_39] : memref<4x2048xi32, #tpu.memory_space<hbm>> -> memref<1x256xi32, #tpu.memory_space<hbm>>
    %dma_start3A_43 = tpu.memref_squeeze %dma_start3A_42 : memref<1x256xi32, #tpu.memory_space<hbm>> -> memref<256xi32, #tpu.memory_space<hbm>>
    tpu.enqueue_dma source(%dma_start3A_43 : memref<256xi32, #tpu.memory_space<hbm>>) target(%arg6 : memref<256xi32, #tpu.memory_space<vmem>>) target_semaphore(%arg23 : memref<!tpu.dma_semaphore, #tpu.memory_space<semaphore_mem>>)
    %dma_wait3A = tpu.memref_slice %arg2[%select_n3A, %mul3A_39] : memref<4x2048xi32, #tpu.memory_space<hbm>> -> memref<1x256xi32, #tpu.memory_space<hbm>>
    %dma_wait3A_44 = tpu.memref_squeeze %dma_wait3A : memref<1x256xi32, #tpu.memory_space<hbm>> -> memref<256xi32, #tpu.memory_space<hbm>>
    %dma_wait3A_45 = tpu.memref_slice %arg2[%select_n3A, %mul3A_39] : memref<4x2048xi32, #tpu.memory_space<hbm>> -> memref<1x256xi32, #tpu.memory_space<hbm>>
    %dma_wait3A_46 = tpu.memref_squeeze %dma_wait3A_45 : memref<1x256xi32, #tpu.memory_space<hbm>> -> memref<256xi32, #tpu.memory_space<hbm>>
    tpu.wait_dma2 semaphore(%arg23 : memref<!tpu.dma_semaphore, #tpu.memory_space<semaphore_mem>>) src(%dma_wait3A_46 : memref<256xi32, #tpu.memory_space<hbm>>) dst(%arg6 : memref<256xi32, #tpu.memory_space<vmem>>)
    %dma_wait3A_47 = arith.constant 0 : i32
    %dma_wait3A_48 = tpu.memref_slice %arg2[%select_n3A, %dma_wait3A_47] : memref<4x2048xi32, #tpu.memory_space<hbm>> -> memref<1x2048xi32, #tpu.memory_space<hbm>>
    %dma_wait3A_49 = tpu.memref_squeeze %dma_wait3A_48 : memref<1x2048xi32, #tpu.memory_space<hbm>> -> memref<2048xi32, #tpu.memory_space<hbm>>
    %dma_wait3A_50 = arith.constant 0 : i32
    %dma_wait3A_51 = tpu.memref_slice %arg2[%select_n3A, %dma_wait3A_50] : memref<4x2048xi32, #tpu.memory_space<hbm>> -> memref<1x2048xi32, #tpu.memory_space<hbm>>
    %dma_wait3A_52 = tpu.memref_squeeze %dma_wait3A_51 : memref<1x2048xi32, #tpu.memory_space<hbm>> -> memref<2048xi32, #tpu.memory_space<hbm>>
    tpu.wait_dma2 semaphore(%arg22 : memref<!tpu.dma_semaphore, #tpu.memory_space<semaphore_mem>>) src(%dma_wait3A_52 : memref<2048xi32, #tpu.memory_space<hbm>>) dst(%arg5 : memref<2048xi32, #tpu.memory_space<vmem>>)
    %mul3A_53 = arith.constant 16 : i32
    %mul3A_54 = arith.muli %select_n3A_30, %mul3A_53 : i32
    %broadcast_in_dim3A = arith.constant 0 : i32
    %broadcast_in_dim3A_55 = vector.broadcast %broadcast_in_dim3A : i32 to vector<16xi32>
    %get3A = arith.constant 0 : index
    %get3A_56 = tpu.vector_load %arg5[%get3A] {strides = array<i32>} : memref<2048xi32, #tpu.memory_space<vmem>>, vector<16xi32>,
    %ne3A_57 = arith.constant 1 : i32
    %ne3A_58 = vector.broadcast %ne3A_57 : i32 to vector<16xi32>
    %ne3A_59 = arith.cmpi ne, %get3A_56, %ne3A_58 : vector<16xi32>
    %jit3A_60 = arith.constant 1 : i32
    %jit3A_61 = arith.constant 0 : i32
    %broadcast_in_dim3A_62 = vector.broadcast %jit3A_60 : i32 to vector<16xi32>
    %broadcast_in_dim3A_63 = vector.broadcast %jit3A_61 : i32 to vector<16xi32>
    %select_n3A_64 = arith.select %ne3A_59, %broadcast_in_dim3A_62, %broadcast_in_dim3A_63 : vector<16xi1>, vector<16xi32>
    %gt3A = arith.constant 0 : i32
    %gt3A_65 = arith.cmpi sgt, %mul3A_54, %gt3A : i32
    %jit3A_66 = arith.constant 1 : i32
    %jit3A_67 = arith.constant 0 : i32
    %select_n3A_68 = arith.select %gt3A_65, %jit3A_66, %jit3A_67 : i32
    %mul3A_69 = vector.broadcast %select_n3A_68 : i32 to vector<16xi32>
    %mul3A_70 = arith.muli %select_n3A_64, %mul3A_69 : vector<16xi32>
    %add3A_71 = arith.addi %broadcast_in_dim3A_55, %mul3A_70 : vector<16xi32>
    %get3A_72 = arith.constant 16 : index
    %get3A_73 = tpu.vector_load %arg5[%get3A_72] {strides = array<i32>} : memref<2048xi32, #tpu.memory_space<vmem>>, vector<16xi32>,
    %ne3A_74 = arith.constant 1 : i32
    %ne3A_75 = vector.broadcast %ne3A_74 : i32 to vector<16xi32>
    %ne3A_76 = arith.cmpi ne, %get3A_73, %ne3A_75 : vector<16xi32>
    %jit3A_77 = arith.constant 1 : i32
    %jit3A_78 = arith.constant 0 : i32
    %broadcast_in_dim3A_79 = vector.broadcast %jit3A_77 : i32 to vector<16xi32>
    %broadcast_in_dim3A_80 = vector.broadcast %jit3A_78 : i32 to vector<16xi32>
    %select_n3A_81 = arith.select %ne3A_76, %broadcast_in_dim3A_79, %broadcast_in_dim3A_80 : vector<16xi1>, vector<16xi32>
    %gt3A_82 = arith.constant 1 : i32
    %gt3A_83 = arith.cmpi sgt, %mul3A_54, %gt3A_82 : i32
    %jit3A_84 = arith.constant 1 : i32
    %jit3A_85 = arith.constant 0 : i32
    %select_n3A_86 = arith.select %gt3A_83, %jit3A_84, %jit3A_85 : i32
    %mul3A_87 = vector.broadcast %select_n3A_86 : i32 to vector<16xi32>
    %mul3A_88 = arith.muli %select_n3A_81, %mul3A_87 : vector<16xi32>
    %add3A_89 = arith.addi %add3A_71, %mul3A_88 : vector<16xi32>
    %get3A_90 = arith.constant 32 : index
    %get3A_91 = tpu.vector_load %arg5[%get3A_90] {strides = array<i32>} : memref<2048xi32, #tpu.memory_space<vmem>>, vector<16xi32>,
    %ne3A_92 = arith.constant 1 : i32
    %ne3A_93 = vector.broadcast %ne3A_92 : i32 to vector<16xi32>
    %ne3A_94 = arith.cmpi ne, %get3A_91, %ne3A_93 : vector<16xi32>
    %jit3A_95 = arith.constant 1 : i32
    %jit3A_96 = arith.constant 0 : i32
    %broadcast_in_dim3A_97 = vector.broadcast %jit3A_95 : i32 to vector<16xi32>
    %broadcast_in_dim3A_98 = vector.broadcast %jit3A_96 : i32 to vector<16xi32>
    %select_n3A_99 = arith.select %ne3A_94, %broadcast_in_dim3A_97, %broadcast_in_dim3A_98 : vector<16xi1>, vector<16xi32>
    %gt3A_100 = arith.constant 2 : i32
    %gt3A_101 = arith.cmpi sgt, %mul3A_54, %gt3A_100 : i32
    %jit3A_102 = arith.constant 1 : i32
    %jit3A_103 = arith.constant 0 : i32
    %select_n3A_104 = arith.select %gt3A_101, %jit3A_102, %jit3A_103 : i32
    %mul3A_105 = vector.broadcast %select_n3A_104 : i32 to vector<16xi32>
    %mul3A_106 = arith.muli %select_n3A_99, %mul3A_105 : vector<16xi32>
    %add3A_107 = arith.addi %add3A_89, %mul3A_106 : vector<16xi32>
    %get3A_108 = arith.constant 48 : index
    %get3A_109 = tpu.vector_load %arg5[%get3A_108] {strides = array<i32>} : memref<2048xi32, #tpu.memory_space<vmem>>, vector<16xi32>,
    %ne3A_110 = arith.constant 1 : i32
    %ne3A_111 = vector.broadcast %ne3A_110 : i32 to vector<16xi32>
    %ne3A_112 = arith.cmpi ne, %get3A_109, %ne3A_111 : vector<16xi32>
    %jit3A_113 = arith.constant 1 : i32
    %jit3A_114 = arith.constant 0 : i32
    %broadcast_in_dim3A_115 = vector.broadcast %jit3A_113 : i32 to vector<16xi32>
    %broadcast_in_dim3A_116 = vector.broadcast %jit3A_114 : i32 to vector<16xi32>
    %select_n3A_117 = arith.select %ne3A_112, %broadcast_in_dim3A_115, %broadcast_in_dim3A_116 : vector<16xi1>, vector<16xi32>
    %gt3A_118 = arith.constant 3 : i32
    %gt3A_119 = arith.cmpi sgt, %mul3A_54, %gt3A_118 : i32
    %jit3A_120 = arith.constant 1 : i32
    %jit3A_121 = arith.constant 0 : i32
    %select_n3A_122 = arith.select %gt3A_119, %jit3A_120, %jit3A_121 : i32
    %mul3A_123 = vector.broadcast %select_n3A_122 : i32 to vector<16xi32>
    %mul3A_124 = arith.muli %select_n3A_117, %mul3A_123 : vector<16xi32>
    %add3A_125 = arith.addi %add3A_107, %mul3A_124 : vector<16xi32>
    %get3A_126 = arith.constant 64 : index
    %get3A_127 = tpu.vector_load %arg5[%get3A_126] {strides = array<i32>} : memref<2048xi32, #tpu.memory_space<vmem>>, vector<16xi32>,
    %ne3A_128 = arith.constant 1 : i32
    %ne3A_129 = vector.broadcast %ne3A_128 : i32 to vector<16xi32>
    %ne3A_130 = arith.cmpi ne, %get3A_127, %ne3A_129 : vector<16xi32>
    %jit3A_131 = arith.constant 1 : i32
    %jit3A_132 = arith.constant 0 : i32
    %broadcast_in_dim3A_133 = vector.broadcast %jit3A_131 : i32 to vector<16xi32>
    %broadcast_in_dim3A_134 = vector.broadcast %jit3A_132 : i32 to vector<16xi32>
    %select_n3A_135 = arith.select %ne3A_130, %broadcast_in_dim3A_133, %broadcast_in_dim3A_134 : vector<16xi1>, vector<16xi32>
    %gt3A_136 = arith.constant 4 : i32
    %gt3A_137 = arith.cmpi sgt, %mul3A_54, %gt3A_136 : i32
    %jit3A_138 = arith.constant 1 : i32
    %jit3A_139 = arith.constant 0 : i32
    %select_n3A_140 = arith.select %gt3A_137, %jit3A_138, %jit3A_139 : i32
    %mul3A_141 = vector.broadcast %select_n3A_140 : i32 to vector<16xi32>
    %mul3A_142 = arith.muli %select_n3A_135, %mul3A_141 : vector<16xi32>
    %add3A_143 = arith.addi %add3A_125, %mul3A_142 : vector<16xi32>
    %get3A_144 = arith.constant 80 : index
    %get3A_145 = tpu.vector_load %arg5[%get3A_144] {strides = array<i32>} : memref<2048xi32, #tpu.memory_space<vmem>>, vector<16xi32>,
    %ne3A_146 = arith.constant 1 : i32
    %ne3A_147 = vector.broadcast %ne3A_146 : i32 to vector<16xi32>
    %ne3A_148 = arith.cmpi ne, %get3A_145, %ne3A_147 : vector<16xi32>
    %jit3A_149 = arith.constant 1 : i32
    %jit3A_150 = arith.constant 0 : i32
    %broadcast_in_dim3A_151 = vector.broadcast %jit3A_149 : i32 to vector<16xi32>
    %broadcast_in_dim3A_152 = vector.broadcast %jit3A_150 : i32 to vector<16xi32>
    %select_n3A_153 = arith.select %ne3A_148, %broadcast_in_dim3A_151, %broadcast_in_dim3A_152 : vector<16xi1>, vector<16xi32>
    %gt3A_154 = arith.constant 5 : i32
    %gt3A_155 = arith.cmpi sgt, %mul3A_54, %gt3A_154 : i32
    %jit3A_156 = arith.constant 1 : i32
    %jit3A_157 = arith.constant 0 : i32
    %select_n3A_158 = arith.select %gt3A_155, %jit3A_156, %jit3A_157 : i32
    %mul3A_159 = vector.broadcast %select_n3A_158 : i32 to vector<16xi32>
    %mul3A_160 = arith.muli %select_n3A_153, %mul3A_159 : vector<16xi32>
    %add3A_161 = arith.addi %add3A_143, %mul3A_160 : vector<16xi32>
    %get3A_162 = arith.constant 96 : index
    %get3A_163 = tpu.vector_load %arg5[%get3A_162] {strides = array<i32>} : memref<2048xi32, #tpu.memory_space<vmem>>, vector<16xi32>,
    %ne3A_164 = arith.constant 1 : i32
    %ne3A_165 = vector.broadcast %ne3A_164 : i32 to vector<16xi32>
    %ne3A_166 = arith.cmpi ne, %get3A_163, %ne3A_165 : vector<16xi32>
    %jit3A_167 = arith.constant 1 : i32
    %jit3A_168 = arith.constant 0 : i32
    %broadcast_in_dim3A_169 = vector.broadcast %jit3A_167 : i32 to vector<16xi32>
    %broadcast_in_dim3A_170 = vector.broadcast %jit3A_168 : i32 to vector<16xi32>
    %select_n3A_171 = arith.select %ne3A_166, %broadcast_in_dim3A_169, %broadcast_in_dim3A_170 : vector<16xi1>, vector<16xi32>
    %gt3A_172 = arith.constant 6 : i32
    %gt3A_173 = arith.cmpi sgt, %mul3A_54, %gt3A_172 : i32
    %jit3A_174 = arith.constant 1 : i32
    %jit3A_175 = arith.constant 0 : i32
    %select_n3A_176 = arith.select %gt3A_173, %jit3A_174, %jit3A_175 : i32
    %mul3A_177 = vector.broadcast %select_n3A_176 : i32 to vector<16xi32>
    %mul3A_178 = arith.muli %select_n3A_171, %mul3A_177 : vector<16xi32>
    %add3A_179 = arith.addi %add3A_161, %mul3A_178 : vector<16xi32>
    %get3A_180 = arith.constant 112 : index
    %get3A_181 = tpu.vector_load %arg5[%get3A_180] {strides = array<i32>} : memref<2048xi32, #tpu.memory_space<vmem>>, vector<16xi32>,
    %ne3A_182 = arith.constant 1 : i32
    %ne3A_183 = vector.broadcast %ne3A_182 : i32 to vector<16xi32>
    %ne3A_184 = arith.cmpi ne, %get3A_181, %ne3A_183 : vector<16xi32>
    %jit3A_185 = arith.constant 1 : i32
    %jit3A_186 = arith.constant 0 : i32
    %broadcast_in_dim3A_187 = vector.broadcast %jit3A_185 : i32 to vector<16xi32>
    %broadcast_in_dim3A_188 = vector.broadcast %jit3A_186 : i32 to vector<16xi32>
    %select_n3A_189 = arith.select %ne3A_184, %broadcast_in_dim3A_187, %broadcast_in_dim3A_188 : vector<16xi1>, vector<16xi32>
    %gt3A_190 = arith.constant 7 : i32
    %gt3A_191 = arith.cmpi sgt, %mul3A_54, %gt3A_190 : i32
    %jit3A_192 = arith.constant 1 : i32
    %jit3A_193 = arith.constant 0 : i32
    %select_n3A_194 = arith.select %gt3A_191, %jit3A_192, %jit3A_193 : i32
    %mul3A_195 = vector.broadcast %select_n3A_194 : i32 to vector<16xi32>
    %mul3A_196 = arith.muli %select_n3A_189, %mul3A_195 : vector<16xi32>
    %add3A_197 = arith.addi %add3A_179, %mul3A_196 : vector<16xi32>
    %get3A_198 = arith.constant 128 : index
    %get3A_199 = tpu.vector_load %arg5[%get3A_198] {strides = array<i32>} : memref<2048xi32, #tpu.memory_space<vmem>>, vector<16xi32>,
    %ne3A_200 = arith.constant 1 : i32
    %ne3A_201 = vector.broadcast %ne3A_200 : i32 to vector<16xi32>
    %ne3A_202 = arith.cmpi ne, %get3A_199, %ne3A_201 : vector<16xi32>
    %jit3A_203 = arith.constant 1 : i32
    %jit3A_204 = arith.constant 0 : i32
    %broadcast_in_dim3A_205 = vector.broadcast %jit3A_203 : i32 to vector<16xi32>
    %broadcast_in_dim3A_206 = vector.broadcast %jit3A_204 : i32 to vector<16xi32>
    %select_n3A_207 = arith.select %ne3A_202, %broadcast_in_dim3A_205, %broadcast_in_dim3A_206 : vector<16xi1>, vector<16xi32>
    %gt3A_208 = arith.constant 8 : i32
    %gt3A_209 = arith.cmpi sgt, %mul3A_54, %gt3A_208 : i32
    %jit3A_210 = arith.constant 1 : i32
    %jit3A_211 = arith.constant 0 : i32
    %select_n3A_212 = arith.select %gt3A_209, %jit3A_210, %jit3A_211 : i32
    %mul3A_213 = vector.broadcast %select_n3A_212 : i32 to vector<16xi32>
    %mul3A_214 = arith.muli %select_n3A_207, %mul3A_213 : vector<16xi32>
    %add3A_215 = arith.addi %add3A_197, %mul3A_214 : vector<16xi32>
    %get3A_216 = arith.constant 144 : index
    %get3A_217 = tpu.vector_load %arg5[%get3A_216] {strides = array<i32>} : memref<2048xi32, #tpu.memory_space<vmem>>, vector<16xi32>,
    %ne3A_218 = arith.constant 1 : i32
    %ne3A_219 = vector.broadcast %ne3A_218 : i32 to vector<16xi32>
    %ne3A_220 = arith.cmpi ne, %get3A_217, %ne3A_219 : vector<16xi32>
    %jit3A_221 = arith.constant 1 : i32
    %jit3A_222 = arith.constant 0 : i32
    %broadcast_in_dim3A_223 = vector.broadcast %jit3A_221 : i32 to vector<16xi32>
    %broadcast_in_dim3A_224 = vector.broadcast %jit3A_222 : i32 to vector<16xi32>
    %select_n3A_225 = arith.select %ne3A_220, %broadcast_in_dim3A_223, %broadcast_in_dim3A_224 : vector<16xi1>, vector<16xi32>
    %gt3A_226 = arith.constant 9 : i32
    %gt3A_227 = arith.cmpi sgt, %mul3A_54, %gt3A_226 : i32
    %jit3A_228 = arith.constant 1 : i32
    %jit3A_229 = arith.constant 0 : i32
    %select_n3A_230 = arith.select %gt3A_227, %jit3A_228, %jit3A_229 : i32
    %mul3A_231 = vector.broadcast %select_n3A_230 : i32 to vector<16xi32>
    %mul3A_232 = arith.muli %select_n3A_225, %mul3A_231 : vector<16xi32>
    %add3A_233 = arith.addi %add3A_215, %mul3A_232 : vector<16xi32>
    %get3A_234 = arith.constant 160 : index
    %get3A_235 = tpu.vector_load %arg5[%get3A_234] {strides = array<i32>} : memref<2048xi32, #tpu.memory_space<vmem>>, vector<16xi32>,
    %ne3A_236 = arith.constant 1 : i32
    %ne3A_237 = vector.broadcast %ne3A_236 : i32 to vector<16xi32>
    %ne3A_238 = arith.cmpi ne, %get3A_235, %ne3A_237 : vector<16xi32>
    %jit3A_239 = arith.constant 1 : i32
    %jit3A_240 = arith.constant 0 : i32
    %broadcast_in_dim3A_241 = vector.broadcast %jit3A_239 : i32 to vector<16xi32>
    %broadcast_in_dim3A_242 = vector.broadcast %jit3A_240 : i32 to vector<16xi32>
    %select_n3A_243 = arith.select %ne3A_238, %broadcast_in_dim3A_241, %broadcast_in_dim3A_242 : vector<16xi1>, vector<16xi32>
    %gt3A_244 = arith.constant 10 : i32
    %gt3A_245 = arith.cmpi sgt, %mul3A_54, %gt3A_244 : i32
    %jit3A_246 = arith.constant 1 : i32
    %jit3A_247 = arith.constant 0 : i32
    %select_n3A_248 = arith.select %gt3A_245, %jit3A_246, %jit3A_247 : i32
    %mul3A_249 = vector.broadcast %select_n3A_248 : i32 to vector<16xi32>
    %mul3A_250 = arith.muli %select_n3A_243, %mul3A_249 : vector<16xi32>
    %add3A_251 = arith.addi %add3A_233, %mul3A_250 : vector<16xi32>
    %get3A_252 = arith.constant 176 : index
    %get3A_253 = tpu.vector_load %arg5[%get3A_252] {strides = array<i32>} : memref<2048xi32, #tpu.memory_space<vmem>>, vector<16xi32>,
    %ne3A_254 = arith.constant 1 : i32
    %ne3A_255 = vector.broadcast %ne3A_254 : i32 to vector<16xi32>
    %ne3A_256 = arith.cmpi ne, %get3A_253, %ne3A_255 : vector<16xi32>
    %jit3A_257 = arith.constant 1 : i32
    %jit3A_258 = arith.constant 0 : i32
    %broadcast_in_dim3A_259 = vector.broadcast %jit3A_257 : i32 to vector<16xi32>
    %broadcast_in_dim3A_260 = vector.broadcast %jit3A_258 : i32 to vector<16xi32>
    %select_n3A_261 = arith.select %ne3A_256, %broadcast_in_dim3A_259, %broadcast_in_dim3A_260 : vector<16xi1>, vector<16xi32>
    %gt3A_262 = arith.constant 11 : i32
    %gt3A_263 = arith.cmpi sgt, %mul3A_54, %gt3A_262 : i32
    %jit3A_264 = arith.constant 1 : i32
    %jit3A_265 = arith.constant 0 : i32
    %select_n3A_266 = arith.select %gt3A_263, %jit3A_264, %jit3A_265 : i32
    %mul3A_267 = vector.broadcast %select_n3A_266 : i32 to vector<16xi32>
    %mul3A_268 = arith.muli %select_n3A_261, %mul3A_267 : vector<16xi32>
    %add3A_269 = arith.addi %add3A_251, %mul3A_268 : vector<16xi32>
    %get3A_270 = arith.constant 192 : index
    %get3A_271 = tpu.vector_load %arg5[%get3A_270] {strides = array<i32>} : memref<2048xi32, #tpu.memory_space<vmem>>, vector<16xi32>,
    %ne3A_272 = arith.constant 1 : i32
    %ne3A_273 = vector.broadcast %ne3A_272 : i32 to vector<16xi32>
    %ne3A_274 = arith.cmpi ne, %get3A_271, %ne3A_273 : vector<16xi32>
    %jit3A_275 = arith.constant 1 : i32
    %jit3A_276 = arith.constant 0 : i32
    %broadcast_in_dim3A_277 = vector.broadcast %jit3A_275 : i32 to vector<16xi32>
    %broadcast_in_dim3A_278 = vector.broadcast %jit3A_276 : i32 to vector<16xi32>
    %select_n3A_279 = arith.select %ne3A_274, %broadcast_in_dim3A_277, %broadcast_in_dim3A_278 : vector<16xi1>, vector<16xi32>
    %gt3A_280 = arith.constant 12 : i32
    %gt3A_281 = arith.cmpi sgt, %mul3A_54, %gt3A_280 : i32
    %jit3A_282 = arith.constant 1 : i32
    %jit3A_283 = arith.constant 0 : i32
    %select_n3A_284 = arith.select %gt3A_281, %jit3A_282, %jit3A_283 : i32
    %mul3A_285 = vector.broadcast %select_n3A_284 : i32 to vector<16xi32>
    %mul3A_286 = arith.muli %select_n3A_279, %mul3A_285 : vector<16xi32>
    %add3A_287 = arith.addi %add3A_269, %mul3A_286 : vector<16xi32>
    %get3A_288 = arith.constant 208 : index
    %get3A_289 = tpu.vector_load %arg5[%get3A_288] {strides = array<i32>} : memref<2048xi32, #tpu.memory_space<vmem>>, vector<16xi32>,
    %ne3A_290 = arith.constant 1 : i32
    %ne3A_291 = vector.broadcast %ne3A_290 : i32 to vector<16xi32>
    %ne3A_292 = arith.cmpi ne, %get3A_289, %ne3A_291 : vector<16xi32>
    %jit3A_293 = arith.constant 1 : i32
    %jit3A_294 = arith.constant 0 : i32
    %broadcast_in_dim3A_295 = vector.broadcast %jit3A_293 : i32 to vector<16xi32>
    %broadcast_in_dim3A_296 = vector.broadcast %jit3A_294 : i32 to vector<16xi32>
    %select_n3A_297 = arith.select %ne3A_292, %broadcast_in_dim3A_295, %broadcast_in_dim3A_296 : vector<16xi1>, vector<16xi32>
    %gt3A_298 = arith.constant 13 : i32
    %gt3A_299 = arith.cmpi sgt, %mul3A_54, %gt3A_298 : i32
    %jit3A_300 = arith.constant 1 : i32
    %jit3A_301 = arith.constant 0 : i32
    %select_n3A_302 = arith.select %gt3A_299, %jit3A_300, %jit3A_301 : i32
    %mul3A_303 = vector.broadcast %select_n3A_302 : i32 to vector<16xi32>
    %mul3A_304 = arith.muli %select_n3A_297, %mul3A_303 : vector<16xi32>
    %add3A_305 = arith.addi %add3A_287, %mul3A_304 : vector<16xi32>
    %get3A_306 = arith.constant 224 : index
    %get3A_307 = tpu.vector_load %arg5[%get3A_306] {strides = array<i32>} : memref<2048xi32, #tpu.memory_space<vmem>>, vector<16xi32>,
    %ne3A_308 = arith.constant 1 : i32
    %ne3A_309 = vector.broadcast %ne3A_308 : i32 to vector<16xi32>
    %ne3A_310 = arith.cmpi ne, %get3A_307, %ne3A_309 : vector<16xi32>
    %jit3A_311 = arith.constant 1 : i32
    %jit3A_312 = arith.constant 0 : i32
    %broadcast_in_dim3A_313 = vector.broadcast %jit3A_311 : i32 to vector<16xi32>
    %broadcast_in_dim3A_314 = vector.broadcast %jit3A_312 : i32 to vector<16xi32>
    %select_n3A_315 = arith.select %ne3A_310, %broadcast_in_dim3A_313, %broadcast_in_dim3A_314 : vector<16xi1>, vector<16xi32>
    %gt3A_316 = arith.constant 14 : i32
    %gt3A_317 = arith.cmpi sgt, %mul3A_54, %gt3A_316 : i32
    %jit3A_318 = arith.constant 1 : i32
    %jit3A_319 = arith.constant 0 : i32
    %select_n3A_320 = arith.select %gt3A_317, %jit3A_318, %jit3A_319 : i32
    %mul3A_321 = vector.broadcast %select_n3A_320 : i32 to vector<16xi32>
    %mul3A_322 = arith.muli %select_n3A_315, %mul3A_321 : vector<16xi32>
    %add3A_323 = arith.addi %add3A_305, %mul3A_322 : vector<16xi32>
    %get3A_324 = arith.constant 240 : index
    %get3A_325 = tpu.vector_load %arg5[%get3A_324] {strides = array<i32>} : memref<2048xi32, #tpu.memory_space<vmem>>, vector<16xi32>,
    %ne3A_326 = arith.constant 1 : i32
    %ne3A_327 = vector.broadcast %ne3A_326 : i32 to vector<16xi32>
    %ne3A_328 = arith.cmpi ne, %get3A_325, %ne3A_327 : vector<16xi32>
    %jit3A_329 = arith.constant 1 : i32
    %jit3A_330 = arith.constant 0 : i32
    %broadcast_in_dim3A_331 = vector.broadcast %jit3A_329 : i32 to vector<16xi32>
    %broadcast_in_dim3A_332 = vector.broadcast %jit3A_330 : i32 to vector<16xi32>
    %select_n3A_333 = arith.select %ne3A_328, %broadcast_in_dim3A_331, %broadcast_in_dim3A_332 : vector<16xi1>, vector<16xi32>
    %gt3A_334 = arith.constant 15 : i32
    %gt3A_335 = arith.cmpi sgt, %mul3A_54, %gt3A_334 : i32
    %jit3A_336 = arith.constant 1 : i32
    %jit3A_337 = arith.constant 0 : i32
    %select_n3A_338 = arith.select %gt3A_335, %jit3A_336, %jit3A_337 : i32
    %mul3A_339 = vector.broadcast %select_n3A_338 : i32 to vector<16xi32>
    %mul3A_340 = arith.muli %select_n3A_333, %mul3A_339 : vector<16xi32>
    %add3A_341 = arith.addi %add3A_323, %mul3A_340 : vector<16xi32>
    %get3A_342 = arith.constant 256 : index
    %get3A_343 = tpu.vector_load %arg5[%get3A_342] {strides = array<i32>} : memref<2048xi32, #tpu.memory_space<vmem>>, vector<16xi32>,
    %ne3A_344 = arith.constant 1 : i32
    %ne3A_345 = vector.broadcast %ne3A_344 : i32 to vector<16xi32>
    %ne3A_346 = arith.cmpi ne, %get3A_343, %ne3A_345 : vector<16xi32>
    %jit3A_347 = arith.constant 1 : i32
    %jit3A_348 = arith.constant 0 : i32
    %broadcast_in_dim3A_349 = vector.broadcast %jit3A_347 : i32 to vector<16xi32>
    %broadcast_in_dim3A_350 = vector.broadcast %jit3A_348 : i32 to vector<16xi32>
    %select_n3A_351 = arith.select %ne3A_346, %broadcast_in_dim3A_349, %broadcast_in_dim3A_350 : vector<16xi1>, vector<16xi32>
    %gt3A_352 = arith.constant 16 : i32
    %gt3A_353 = arith.cmpi sgt, %mul3A_54, %gt3A_352 : i32
    %jit3A_354 = arith.constant 1 : i32
    %jit3A_355 = arith.constant 0 : i32
    %select_n3A_356 = arith.select %gt3A_353, %jit3A_354, %jit3A_355 : i32
    %mul3A_357 = vector.broadcast %select_n3A_356 : i32 to vector<16xi32>
    %mul3A_358 = arith.muli %select_n3A_351, %mul3A_357 : vector<16xi32>
    %add3A_359 = arith.addi %add3A_341, %mul3A_358 : vector<16xi32>
    %get3A_360 = arith.constant 272 : index
    %get3A_361 = tpu.vector_load %arg5[%get3A_360] {strides = array<i32>} : memref<2048xi32, #tpu.memory_space<vmem>>, vector<16xi32>,
    %ne3A_362 = arith.constant 1 : i32
    %ne3A_363 = vector.broadcast %ne3A_362 : i32 to vector<16xi32>
    %ne3A_364 = arith.cmpi ne, %get3A_361, %ne3A_363 : vector<16xi32>
    %jit3A_365 = arith.constant 1 : i32
    %jit3A_366 = arith.constant 0 : i32
    %broadcast_in_dim3A_367 = vector.broadcast %jit3A_365 : i32 to vector<16xi32>
    %broadcast_in_dim3A_368 = vector.broadcast %jit3A_366 : i32 to vector<16xi32>
    %select_n3A_369 = arith.select %ne3A_364, %broadcast_in_dim3A_367, %broadcast_in_dim3A_368 : vector<16xi1>, vector<16xi32>
    %gt3A_370 = arith.constant 17 : i32
    %gt3A_371 = arith.cmpi sgt, %mul3A_54, %gt3A_370 : i32
    %jit3A_372 = arith.constant 1 : i32
    %jit3A_373 = arith.constant 0 : i32
    %select_n3A_374 = arith.select %gt3A_371, %jit3A_372, %jit3A_373 : i32
    %mul3A_375 = vector.broadcast %select_n3A_374 : i32 to vector<16xi32>
    %mul3A_376 = arith.muli %select_n3A_369, %mul3A_375 : vector<16xi32>
    %add3A_377 = arith.addi %add3A_359, %mul3A_376 : vector<16xi32>
    %get3A_378 = arith.constant 288 : index
    %get3A_379 = tpu.vector_load %arg5[%get3A_378] {strides = array<i32>} : memref<2048xi32, #tpu.memory_space<vmem>>, vector<16xi32>,
    %ne3A_380 = arith.constant 1 : i32
    %ne3A_381 = vector.broadcast %ne3A_380 : i32 to vector<16xi32>
    %ne3A_382 = arith.cmpi ne, %get3A_379, %ne3A_381 : vector<16xi32>
    %jit3A_383 = arith.constant 1 : i32
    %jit3A_384 = arith.constant 0 : i32
    %broadcast_in_dim3A_385 = vector.broadcast %jit3A_383 : i32 to vector<16xi32>
    %broadcast_in_dim3A_386 = vector.broadcast %jit3A_384 : i32 to vector<16xi32>
    %select_n3A_387 = arith.select %ne3A_382, %broadcast_in_dim3A_385, %broadcast_in_dim3A_386 : vector<16xi1>, vector<16xi32>
    %gt3A_388 = arith.constant 18 : i32
    %gt3A_389 = arith.cmpi sgt, %mul3A_54, %gt3A_388 : i32
    %jit3A_390 = arith.constant 1 : i32
    %jit3A_391 = arith.constant 0 : i32
    %select_n3A_392 = arith.select %gt3A_389, %jit3A_390, %jit3A_391 : i32
    %mul3A_393 = vector.broadcast %select_n3A_392 : i32 to vector<16xi32>
    %mul3A_394 = arith.muli %select_n3A_387, %mul3A_393 : vector<16xi32>
    %add3A_395 = arith.addi %add3A_377, %mul3A_394 : vector<16xi32>
    %get3A_396 = arith.constant 304 : index
    %get3A_397 = tpu.vector_load %arg5[%get3A_396] {strides = array<i32>} : memref<2048xi32, #tpu.memory_space<vmem>>, vector<16xi32>,
    %ne3A_398 = arith.constant 1 : i32
    %ne3A_399 = vector.broadcast %ne3A_398 : i32 to vector<16xi32>
    %ne3A_400 = arith.cmpi ne, %get3A_397, %ne3A_399 : vector<16xi32>
    %jit3A_401 = arith.constant 1 : i32
    %jit3A_402 = arith.constant 0 : i32
    %broadcast_in_dim3A_403 = vector.broadcast %jit3A_401 : i32 to vector<16xi32>
    %broadcast_in_dim3A_404 = vector.broadcast %jit3A_402 : i32 to vector<16xi32>
    %select_n3A_405 = arith.select %ne3A_400, %broadcast_in_dim3A_403, %broadcast_in_dim3A_404 : vector<16xi1>, vector<16xi32>
    %gt3A_406 = arith.constant 19 : i32
    %gt3A_407 = arith.cmpi sgt, %mul3A_54, %gt3A_406 : i32
    %jit3A_408 = arith.constant 1 : i32
    %jit3A_409 = arith.constant 0 : i32
    %select_n3A_410 = arith.select %gt3A_407, %jit3A_408, %jit3A_409 : i32
    %mul3A_411 = vector.broadcast %select_n3A_410 : i32 to vector<16xi32>
    %mul3A_412 = arith.muli %select_n3A_405, %mul3A_411 : vector<16xi32>
    %add3A_413 = arith.addi %add3A_395, %mul3A_412 : vector<16xi32>
    %get3A_414 = arith.constant 320 : index
    %get3A_415 = tpu.vector_load %arg5[%get3A_414] {strides = array<i32>} : memref<2048xi32, #tpu.memory_space<vmem>>, vector<16xi32>,
    %ne3A_416 = arith.constant 1 : i32
    %ne3A_417 = vector.broadcast %ne3A_416 : i32 to vector<16xi32>
    %ne3A_418 = arith.cmpi ne, %get3A_415, %ne3A_417 : vector<16xi32>
    %jit3A_419 = arith.constant 1 : i32
    %jit3A_420 = arith.constant 0 : i32
    %broadcast_in_dim3A_421 = vector.broadcast %jit3A_419 : i32 to vector<16xi32>
    %broadcast_in_dim3A_422 = vector.broadcast %jit3A_420 : i32 to vector<16xi32>
    %select_n3A_423 = arith.select %ne3A_418, %broadcast_in_dim3A_421, %broadcast_in_dim3A_422 : vector<16xi1>, vector<16xi32>
    %gt3A_424 = arith.constant 20 : i32
    %gt3A_425 = arith.cmpi sgt, %mul3A_54, %gt3A_424 : i32
    %jit3A_426 = arith.constant 1 : i32
    %jit3A_427 = arith.constant 0 : i32
    %select_n3A_428 = arith.select %gt3A_425, %jit3A_426, %jit3A_427 : i32
    %mul3A_429 = vector.broadcast %select_n3A_428 : i32 to vector<16xi32>
    %mul3A_430 = arith.muli %select_n3A_423, %mul3A_429 : vector<16xi32>
    %add3A_431 = arith.addi %add3A_413, %mul3A_430 : vector<16xi32>
    %get3A_432 = arith.constant 336 : index
    %get3A_433 = tpu.vector_load %arg5[%get3A_432] {strides = array<i32>} : memref<2048xi32, #tpu.memory_space<vmem>>, vector<16xi32>,
    %ne3A_434 = arith.constant 1 : i32
    %ne3A_435 = vector.broadcast %ne3A_434 : i32 to vector<16xi32>
    %ne3A_436 = arith.cmpi ne, %get3A_433, %ne3A_435 : vector<16xi32>
    %jit3A_437 = arith.constant 1 : i32
    %jit3A_438 = arith.constant 0 : i32
    %broadcast_in_dim3A_439 = vector.broadcast %jit3A_437 : i32 to vector<16xi32>
    %broadcast_in_dim3A_440 = vector.broadcast %jit3A_438 : i32 to vector<16xi32>
    %select_n3A_441 = arith.select %ne3A_436, %broadcast_in_dim3A_439, %broadcast_in_dim3A_440 : vector<16xi1>, vector<16xi32>
    %gt3A_442 = arith.constant 21 : i32
    %gt3A_443 = arith.cmpi sgt, %mul3A_54, %gt3A_442 : i32
    %jit3A_444 = arith.constant 1 : i32
    %jit3A_445 = arith.constant 0 : i32
    %select_n3A_446 = arith.select %gt3A_443, %jit3A_444, %jit3A_445 : i32
    %mul3A_447 = vector.broadcast %select_n3A_446 : i32 to vector<16xi32>
    %mul3A_448 = arith.muli %select_n3A_441, %mul3A_447 : vector<16xi32>
    %add3A_449 = arith.addi %add3A_431, %mul3A_448 : vector<16xi32>
    %get3A_450 = arith.constant 352 : index
    %get3A_451 = tpu.vector_load %arg5[%get3A_450] {strides = array<i32>} : memref<2048xi32, #tpu.memory_space<vmem>>, vector<16xi32>,
    %ne3A_452 = arith.constant 1 : i32
    %ne3A_453 = vector.broadcast %ne3A_452 : i32 to vector<16xi32>
    %ne3A_454 = arith.cmpi ne, %get3A_451, %ne3A_453 : vector<16xi32>
    %jit3A_455 = arith.constant 1 : i32
    %jit3A_456 = arith.constant 0 : i32
    %broadcast_in_dim3A_457 = vector.broadcast %jit3A_455 : i32 to vector<16xi32>
    %broadcast_in_dim3A_458 = vector.broadcast %jit3A_456 : i32 to vector<16xi32>
    %select_n3A_459 = arith.select %ne3A_454, %broadcast_in_dim3A_457, %broadcast_in_dim3A_458 : vector<16xi1>, vector<16xi32>
    %gt3A_460 = arith.constant 22 : i32
    %gt3A_461 = arith.cmpi sgt, %mul3A_54, %gt3A_460 : i32
    %jit3A_462 = arith.constant 1 : i32
    %jit3A_463 = arith.constant 0 : i32
    %select_n3A_464 = arith.select %gt3A_461, %jit3A_462, %jit3A_463 : i32
    %mul3A_465 = vector.broadcast %select_n3A_464 : i32 to vector<16xi32>
    %mul3A_466 = arith.muli %select_n3A_459, %mul3A_465 : vector<16xi32>
    %add3A_467 = arith.addi %add3A_449, %mul3A_466 : vector<16xi32>
    %get3A_468 = arith.constant 368 : index
    %get3A_469 = tpu.vector_load %arg5[%get3A_468] {strides = array<i32>} : memref<2048xi32, #tpu.memory_space<vmem>>, vector<16xi32>,
    %ne3A_470 = arith.constant 1 : i32
    %ne3A_471 = vector.broadcast %ne3A_470 : i32 to vector<16xi32>
    %ne3A_472 = arith.cmpi ne, %get3A_469, %ne3A_471 : vector<16xi32>
    %jit3A_473 = arith.constant 1 : i32
    %jit3A_474 = arith.constant 0 : i32
    %broadcast_in_dim3A_475 = vector.broadcast %jit3A_473 : i32 to vector<16xi32>
    %broadcast_in_dim3A_476 = vector.broadcast %jit3A_474 : i32 to vector<16xi32>
    %select_n3A_477 = arith.select %ne3A_472, %broadcast_in_dim3A_475, %broadcast_in_dim3A_476 : vector<16xi1>, vector<16xi32>
    %gt3A_478 = arith.constant 23 : i32
    %gt3A_479 = arith.cmpi sgt, %mul3A_54, %gt3A_478 : i32
    %jit3A_480 = arith.constant 1 : i32
    %jit3A_481 = arith.constant 0 : i32
    %select_n3A_482 = arith.select %gt3A_479, %jit3A_480, %jit3A_481 : i32
    %mul3A_483 = vector.broadcast %select_n3A_482 : i32 to vector<16xi32>
    %mul3A_484 = arith.muli %select_n3A_477, %mul3A_483 : vector<16xi32>
    %add3A_485 = arith.addi %add3A_467, %mul3A_484 : vector<16xi32>
    %get3A_486 = arith.constant 384 : index
    %get3A_487 = tpu.vector_load %arg5[%get3A_486] {strides = array<i32>} : memref<2048xi32, #tpu.memory_space<vmem>>, vector<16xi32>,
    %ne3A_488 = arith.constant 1 : i32
    %ne3A_489 = vector.broadcast %ne3A_488 : i32 to vector<16xi32>
    %ne3A_490 = arith.cmpi ne, %get3A_487, %ne3A_489 : vector<16xi32>
    %jit3A_491 = arith.constant 1 : i32
    %jit3A_492 = arith.constant 0 : i32
    %broadcast_in_dim3A_493 = vector.broadcast %jit3A_491 : i32 to vector<16xi32>
    %broadcast_in_dim3A_494 = vector.broadcast %jit3A_492 : i32 to vector<16xi32>
    %select_n3A_495 = arith.select %ne3A_490, %broadcast_in_dim3A_493, %broadcast_in_dim3A_494 : vector<16xi1>, vector<16xi32>
    %gt3A_496 = arith.constant 24 : i32
    %gt3A_497 = arith.cmpi sgt, %mul3A_54, %gt3A_496 : i32
    %jit3A_498 = arith.constant 1 : i32
    %jit3A_499 = arith.constant 0 : i32
    %select_n3A_500 = arith.select %gt3A_497, %jit3A_498, %jit3A_499 : i32
    %mul3A_501 = vector.broadcast %select_n3A_500 : i32 to vector<16xi32>
    %mul3A_502 = arith.muli %select_n3A_495, %mul3A_501 : vector<16xi32>
    %add3A_503 = arith.addi %add3A_485, %mul3A_502 : vector<16xi32>
    %get3A_504 = arith.constant 400 : index
    %get3A_505 = tpu.vector_load %arg5[%get3A_504] {strides = array<i32>} : memref<2048xi32, #tpu.memory_space<vmem>>, vector<16xi32>,
    %ne3A_506 = arith.constant 1 : i32
    %ne3A_507 = vector.broadcast %ne3A_506 : i32 to vector<16xi32>
    %ne3A_508 = arith.cmpi ne, %get3A_505, %ne3A_507 : vector<16xi32>
    %jit3A_509 = arith.constant 1 : i32
    %jit3A_510 = arith.constant 0 : i32
    %broadcast_in_dim3A_511 = vector.broadcast %jit3A_509 : i32 to vector<16xi32>
    %broadcast_in_dim3A_512 = vector.broadcast %jit3A_510 : i32 to vector<16xi32>
    %select_n3A_513 = arith.select %ne3A_508, %broadcast_in_dim3A_511, %broadcast_in_dim3A_512 : vector<16xi1>, vector<16xi32>
    %gt3A_514 = arith.constant 25 : i32
    %gt3A_515 = arith.cmpi sgt, %mul3A_54, %gt3A_514 : i32
    %jit3A_516 = arith.constant 1 : i32
    %jit3A_517 = arith.constant 0 : i32
    %select_n3A_518 = arith.select %gt3A_515, %jit3A_516, %jit3A_517 : i32
    %mul3A_519 = vector.broadcast %select_n3A_518 : i32 to vector<16xi32>
    %mul3A_520 = arith.muli %select_n3A_513, %mul3A_519 : vector<16xi32>
    %add3A_521 = arith.addi %add3A_503, %mul3A_520 : vector<16xi32>
    %get3A_522 = arith.constant 416 : index
    %get3A_523 = tpu.vector_load %arg5[%get3A_522] {strides = array<i32>} : memref<2048xi32, #tpu.memory_space<vmem>>, vector<16xi32>,
    %ne3A_524 = arith.constant 1 : i32
    %ne3A_525 = vector.broadcast %ne3A_524 : i32 to vector<16xi32>
    %ne3A_526 = arith.cmpi ne, %get3A_523, %ne3A_525 : vector<16xi32>
    %jit3A_527 = arith.constant 1 : i32
    %jit3A_528 = arith.constant 0 : i32
    %broadcast_in_dim3A_529 = vector.broadcast %jit3A_527 : i32 to vector<16xi32>
    %broadcast_in_dim3A_530 = vector.broadcast %jit3A_528 : i32 to vector<16xi32>
    %select_n3A_531 = arith.select %ne3A_526, %broadcast_in_dim3A_529, %broadcast_in_dim3A_530 : vector<16xi1>, vector<16xi32>
    %gt3A_532 = arith.constant 26 : i32
    %gt3A_533 = arith.cmpi sgt, %mul3A_54, %gt3A_532 : i32
    %jit3A_534 = arith.constant 1 : i32
    %jit3A_535 = arith.constant 0 : i32
    %select_n3A_536 = arith.select %gt3A_533, %jit3A_534, %jit3A_535 : i32
    %mul3A_537 = vector.broadcast %select_n3A_536 : i32 to vector<16xi32>
    %mul3A_538 = arith.muli %select_n3A_531, %mul3A_537 : vector<16xi32>
    %add3A_539 = arith.addi %add3A_521, %mul3A_538 : vector<16xi32>
    %get3A_540 = arith.constant 432 : index
    %get3A_541 = tpu.vector_load %arg5[%get3A_540] {strides = array<i32>} : memref<2048xi32, #tpu.memory_space<vmem>>, vector<16xi32>,
    %ne3A_542 = arith.constant 1 : i32
    %ne3A_543 = vector.broadcast %ne3A_542 : i32 to vector<16xi32>
    %ne3A_544 = arith.cmpi ne, %get3A_541, %ne3A_543 : vector<16xi32>
    %jit3A_545 = arith.constant 1 : i32
    %jit3A_546 = arith.constant 0 : i32
    %broadcast_in_dim3A_547 = vector.broadcast %jit3A_545 : i32 to vector<16xi32>
    %broadcast_in_dim3A_548 = vector.broadcast %jit3A_546 : i32 to vector<16xi32>
    %select_n3A_549 = arith.select %ne3A_544, %broadcast_in_dim3A_547, %broadcast_in_dim3A_548 : vector<16xi1>, vector<16xi32>
    %gt3A_550 = arith.constant 27 : i32
    %gt3A_551 = arith.cmpi sgt, %mul3A_54, %gt3A_550 : i32
    %jit3A_552 = arith.constant 1 : i32
    %jit3A_553 = arith.constant 0 : i32
    %select_n3A_554 = arith.select %gt3A_551, %jit3A_552, %jit3A_553 : i32
    %mul3A_555 = vector.broadcast %select_n3A_554 : i32 to vector<16xi32>
    %mul3A_556 = arith.muli %select_n3A_549, %mul3A_555 : vector<16xi32>
    %add3A_557 = arith.addi %add3A_539, %mul3A_556 : vector<16xi32>
    %get3A_558 = arith.constant 448 : index
    %get3A_559 = tpu.vector_load %arg5[%get3A_558] {strides = array<i32>} : memref<2048xi32, #tpu.memory_space<vmem>>, vector<16xi32>,
    %ne3A_560 = arith.constant 1 : i32
    %ne3A_561 = vector.broadcast %ne3A_560 : i32 to vector<16xi32>
    %ne3A_562 = arith.cmpi ne, %get3A_559, %ne3A_561 : vector<16xi32>
    %jit3A_563 = arith.constant 1 : i32
    %jit3A_564 = arith.constant 0 : i32
    %broadcast_in_dim3A_565 = vector.broadcast %jit3A_563 : i32 to vector<16xi32>
    %broadcast_in_dim3A_566 = vector.broadcast %jit3A_564 : i32 to vector<16xi32>
    %select_n3A_567 = arith.select %ne3A_562, %broadcast_in_dim3A_565, %broadcast_in_dim3A_566 : vector<16xi1>, vector<16xi32>
    %gt3A_568 = arith.constant 28 : i32
    %gt3A_569 = arith.cmpi sgt, %mul3A_54, %gt3A_568 : i32
    %jit3A_570 = arith.constant 1 : i32
    %jit3A_571 = arith.constant 0 : i32
    %select_n3A_572 = arith.select %gt3A_569, %jit3A_570, %jit3A_571 : i32
    %mul3A_573 = vector.broadcast %select_n3A_572 : i32 to vector<16xi32>
    %mul3A_574 = arith.muli %select_n3A_567, %mul3A_573 : vector<16xi32>
    %add3A_575 = arith.addi %add3A_557, %mul3A_574 : vector<16xi32>
    %get3A_576 = arith.constant 464 : index
    %get3A_577 = tpu.vector_load %arg5[%get3A_576] {strides = array<i32>} : memref<2048xi32, #tpu.memory_space<vmem>>, vector<16xi32>,
    %ne3A_578 = arith.constant 1 : i32
    %ne3A_579 = vector.broadcast %ne3A_578 : i32 to vector<16xi32>
    %ne3A_580 = arith.cmpi ne, %get3A_577, %ne3A_579 : vector<16xi32>
    %jit3A_581 = arith.constant 1 : i32
    %jit3A_582 = arith.constant 0 : i32
    %broadcast_in_dim3A_583 = vector.broadcast %jit3A_581 : i32 to vector<16xi32>
    %broadcast_in_dim3A_584 = vector.broadcast %jit3A_582 : i32 to vector<16xi32>
    %select_n3A_585 = arith.select %ne3A_580, %broadcast_in_dim3A_583, %broadcast_in_dim3A_584 : vector<16xi1>, vector<16xi32>
    %gt3A_586 = arith.constant 29 : i32
    %gt3A_587 = arith.cmpi sgt, %mul3A_54, %gt3A_586 : i32
    %jit3A_588 = arith.constant 1 : i32
    %jit3A_589 = arith.constant 0 : i32
    %select_n3A_590 = arith.select %gt3A_587, %jit3A_588, %jit3A_589 : i32
    %mul3A_591 = vector.broadcast %select_n3A_590 : i32 to vector<16xi32>
    %mul3A_592 = arith.muli %select_n3A_585, %mul3A_591 : vector<16xi32>
    %add3A_593 = arith.addi %add3A_575, %mul3A_592 : vector<16xi32>
    %get3A_594 = arith.constant 480 : index
    %get3A_595 = tpu.vector_load %arg5[%get3A_594] {strides = array<i32>} : memref<2048xi32, #tpu.memory_space<vmem>>, vector<16xi32>,
    %ne3A_596 = arith.constant 1 : i32
    %ne3A_597 = vector.broadcast %ne3A_596 : i32 to vector<16xi32>
    %ne3A_598 = arith.cmpi ne, %get3A_595, %ne3A_597 : vector<16xi32>
    %jit3A_599 = arith.constant 1 : i32
    %jit3A_600 = arith.constant 0 : i32
    %broadcast_in_dim3A_601 = vector.broadcast %jit3A_599 : i32 to vector<16xi32>
    %broadcast_in_dim3A_602 = vector.broadcast %jit3A_600 : i32 to vector<16xi32>
    %select_n3A_603 = arith.select %ne3A_598, %broadcast_in_dim3A_601, %broadcast_in_dim3A_602 : vector<16xi1>, vector<16xi32>
    %gt3A_604 = arith.constant 30 : i32
    %gt3A_605 = arith.cmpi sgt, %mul3A_54, %gt3A_604 : i32
    %jit3A_606 = arith.constant 1 : i32
    %jit3A_607 = arith.constant 0 : i32
    %select_n3A_608 = arith.select %gt3A_605, %jit3A_606, %jit3A_607 : i32
    %mul3A_609 = vector.broadcast %select_n3A_608 : i32 to vector<16xi32>
    %mul3A_610 = arith.muli %select_n3A_603, %mul3A_609 : vector<16xi32>
    %add3A_611 = arith.addi %add3A_593, %mul3A_610 : vector<16xi32>
    %get3A_612 = arith.constant 496 : index
    %get3A_613 = tpu.vector_load %arg5[%get3A_612] {strides = array<i32>} : memref<2048xi32, #tpu.memory_space<vmem>>, vector<16xi32>,
    %ne3A_614 = arith.constant 1 : i32
    %ne3A_615 = vector.broadcast %ne3A_614 : i32 to vector<16xi32>
    %ne3A_616 = arith.cmpi ne, %get3A_613, %ne3A_615 : vector<16xi32>
    %jit3A_617 = arith.constant 1 : i32
    %jit3A_618 = arith.constant 0 : i32
    %broadcast_in_dim3A_619 = vector.broadcast %jit3A_617 : i32 to vector<16xi32>
    %broadcast_in_dim3A_620 = vector.broadcast %jit3A_618 : i32 to vector<16xi32>
    %select_n3A_621 = arith.select %ne3A_616, %broadcast_in_dim3A_619, %broadcast_in_dim3A_620 : vector<16xi1>, vector<16xi32>
    %gt3A_622 = arith.constant 31 : i32
    %gt3A_623 = arith.cmpi sgt, %mul3A_54, %gt3A_622 : i32
    %jit3A_624 = arith.constant 1 : i32
    %jit3A_625 = arith.constant 0 : i32
    %select_n3A_626 = arith.select %gt3A_623, %jit3A_624, %jit3A_625 : i32
    %mul3A_627 = vector.broadcast %select_n3A_626 : i32 to vector<16xi32>
    %mul3A_628 = arith.muli %select_n3A_621, %mul3A_627 : vector<16xi32>
    %add3A_629 = arith.addi %add3A_611, %mul3A_628 : vector<16xi32>
    %get3A_630 = arith.constant 512 : index
    %get3A_631 = tpu.vector_load %arg5[%get3A_630] {strides = array<i32>} : memref<2048xi32, #tpu.memory_space<vmem>>, vector<16xi32>,
    %ne3A_632 = arith.constant 1 : i32
    %ne3A_633 = vector.broadcast %ne3A_632 : i32 to vector<16xi32>
    %ne3A_634 = arith.cmpi ne, %get3A_631, %ne3A_633 : vector<16xi32>
    %jit3A_635 = arith.constant 1 : i32
    %jit3A_636 = arith.constant 0 : i32
    %broadcast_in_dim3A_637 = vector.broadcast %jit3A_635 : i32 to vector<16xi32>
    %broadcast_in_dim3A_638 = vector.broadcast %jit3A_636 : i32 to vector<16xi32>
    %select_n3A_639 = arith.select %ne3A_634, %broadcast_in_dim3A_637, %broadcast_in_dim3A_638 : vector<16xi1>, vector<16xi32>
    %gt3A_640 = arith.constant 32 : i32
    %gt3A_641 = arith.cmpi sgt, %mul3A_54, %gt3A_640 : i32
    %jit3A_642 = arith.constant 1 : i32
    %jit3A_643 = arith.constant 0 : i32
    %select_n3A_644 = arith.select %gt3A_641, %jit3A_642, %jit3A_643 : i32
    %mul3A_645 = vector.broadcast %select_n3A_644 : i32 to vector<16xi32>
    %mul3A_646 = arith.muli %select_n3A_639, %mul3A_645 : vector<16xi32>
    %add3A_647 = arith.addi %add3A_629, %mul3A_646 : vector<16xi32>
    %get3A_648 = arith.constant 528 : index
    %get3A_649 = tpu.vector_load %arg5[%get3A_648] {strides = array<i32>} : memref<2048xi32, #tpu.memory_space<vmem>>, vector<16xi32>,
    %ne3A_650 = arith.constant 1 : i32
    %ne3A_651 = vector.broadcast %ne3A_650 : i32 to vector<16xi32>
    %ne3A_652 = arith.cmpi ne, %get3A_649, %ne3A_651 : vector<16xi32>
    %jit3A_653 = arith.constant 1 : i32
    %jit3A_654 = arith.constant 0 : i32
    %broadcast_in_dim3A_655 = vector.broadcast %jit3A_653 : i32 to vector<16xi32>
    %broadcast_in_dim3A_656 = vector.broadcast %jit3A_654 : i32 to vector<16xi32>
    %select_n3A_657 = arith.select %ne3A_652, %broadcast_in_dim3A_655, %broadcast_in_dim3A_656 : vector<16xi1>, vector<16xi32>
    %gt3A_658 = arith.constant 33 : i32
    %gt3A_659 = arith.cmpi sgt, %mul3A_54, %gt3A_658 : i32
    %jit3A_660 = arith.constant 1 : i32
    %jit3A_661 = arith.constant 0 : i32
    %select_n3A_662 = arith.select %gt3A_659, %jit3A_660, %jit3A_661 : i32
    %mul3A_663 = vector.broadcast %select_n3A_662 : i32 to vector<16xi32>
    %mul3A_664 = arith.muli %select_n3A_657, %mul3A_663 : vector<16xi32>
    %add3A_665 = arith.addi %add3A_647, %mul3A_664 : vector<16xi32>
    %get3A_666 = arith.constant 544 : index
    %get3A_667 = tpu.vector_load %arg5[%get3A_666] {strides = array<i32>} : memref<2048xi32, #tpu.memory_space<vmem>>, vector<16xi32>,
    %ne3A_668 = arith.constant 1 : i32
    %ne3A_669 = vector.broadcast %ne3A_668 : i32 to vector<16xi32>
    %ne3A_670 = arith.cmpi ne, %get3A_667, %ne3A_669 : vector<16xi32>
    %jit3A_671 = arith.constant 1 : i32
    %jit3A_672 = arith.constant 0 : i32
    %broadcast_in_dim3A_673 = vector.broadcast %jit3A_671 : i32 to vector<16xi32>
    %broadcast_in_dim3A_674 = vector.broadcast %jit3A_672 : i32 to vector<16xi32>
    %select_n3A_675 = arith.select %ne3A_670, %broadcast_in_dim3A_673, %broadcast_in_dim3A_674 : vector<16xi1>, vector<16xi32>
    %gt3A_676 = arith.constant 34 : i32
    %gt3A_677 = arith.cmpi sgt, %mul3A_54, %gt3A_676 : i32
    %jit3A_678 = arith.constant 1 : i32
    %jit3A_679 = arith.constant 0 : i32
    %select_n3A_680 = arith.select %gt3A_677, %jit3A_678, %jit3A_679 : i32
    %mul3A_681 = vector.broadcast %select_n3A_680 : i32 to vector<16xi32>
    %mul3A_682 = arith.muli %select_n3A_675, %mul3A_681 : vector<16xi32>
    %add3A_683 = arith.addi %add3A_665, %mul3A_682 : vector<16xi32>
    %get3A_684 = arith.constant 560 : index
    %get3A_685 = tpu.vector_load %arg5[%get3A_684] {strides = array<i32>} : memref<2048xi32, #tpu.memory_space<vmem>>, vector<16xi32>,
    %ne3A_686 = arith.constant 1 : i32
    %ne3A_687 = vector.broadcast %ne3A_686 : i32 to vector<16xi32>
    %ne3A_688 = arith.cmpi ne, %get3A_685, %ne3A_687 : vector<16xi32>
    %jit3A_689 = arith.constant 1 : i32
    %jit3A_690 = arith.constant 0 : i32
    %broadcast_in_dim3A_691 = vector.broadcast %jit3A_689 : i32 to vector<16xi32>
    %broadcast_in_dim3A_692 = vector.broadcast %jit3A_690 : i32 to vector<16xi32>
    %select_n3A_693 = arith.select %ne3A_688, %broadcast_in_dim3A_691, %broadcast_in_dim3A_692 : vector<16xi1>, vector<16xi32>
    %gt3A_694 = arith.constant 35 : i32
    %gt3A_695 = arith.cmpi sgt, %mul3A_54, %gt3A_694 : i32
    %jit3A_696 = arith.constant 1 : i32
    %jit3A_697 = arith.constant 0 : i32
    %select_n3A_698 = arith.select %gt3A_695, %jit3A_696, %jit3A_697 : i32
    %mul3A_699 = vector.broadcast %select_n3A_698 : i32 to vector<16xi32>
    %mul3A_700 = arith.muli %select_n3A_693, %mul3A_699 : vector<16xi32>
    %add3A_701 = arith.addi %add3A_683, %mul3A_700 : vector<16xi32>
    %get3A_702 = arith.constant 576 : index
    %get3A_703 = tpu.vector_load %arg5[%get3A_702] {strides = array<i32>} : memref<2048xi32, #tpu.memory_space<vmem>>, vector<16xi32>,
    %ne3A_704 = arith.constant 1 : i32
    %ne3A_705 = vector.broadcast %ne3A_704 : i32 to vector<16xi32>
    %ne3A_706 = arith.cmpi ne, %get3A_703, %ne3A_705 : vector<16xi32>
    %jit3A_707 = arith.constant 1 : i32
    %jit3A_708 = arith.constant 0 : i32
    %broadcast_in_dim3A_709 = vector.broadcast %jit3A_707 : i32 to vector<16xi32>
    %broadcast_in_dim3A_710 = vector.broadcast %jit3A_708 : i32 to vector<16xi32>
    %select_n3A_711 = arith.select %ne3A_706, %broadcast_in_dim3A_709, %broadcast_in_dim3A_710 : vector<16xi1>, vector<16xi32>
    %gt3A_712 = arith.constant 36 : i32
    %gt3A_713 = arith.cmpi sgt, %mul3A_54, %gt3A_712 : i32
    %jit3A_714 = arith.constant 1 : i32
    %jit3A_715 = arith.constant 0 : i32
    %select_n3A_716 = arith.select %gt3A_713, %jit3A_714, %jit3A_715 : i32
    %mul3A_717 = vector.broadcast %select_n3A_716 : i32 to vector<16xi32>
    %mul3A_718 = arith.muli %select_n3A_711, %mul3A_717 : vector<16xi32>
    %add3A_719 = arith.addi %add3A_701, %mul3A_718 : vector<16xi32>
    %get3A_720 = arith.constant 592 : index
    %get3A_721 = tpu.vector_load %arg5[%get3A_720] {strides = array<i32>} : memref<2048xi32, #tpu.memory_space<vmem>>, vector<16xi32>,
    %ne3A_722 = arith.constant 1 : i32
    %ne3A_723 = vector.broadcast %ne3A_722 : i32 to vector<16xi32>
    %ne3A_724 = arith.cmpi ne, %get3A_721, %ne3A_723 : vector<16xi32>
    %jit3A_725 = arith.constant 1 : i32
    %jit3A_726 = arith.constant 0 : i32
    %broadcast_in_dim3A_727 = vector.broadcast %jit3A_725 : i32 to vector<16xi32>
    %broadcast_in_dim3A_728 = vector.broadcast %jit3A_726 : i32 to vector<16xi32>
    %select_n3A_729 = arith.select %ne3A_724, %broadcast_in_dim3A_727, %broadcast_in_dim3A_728 : vector<16xi1>, vector<16xi32>
    %gt3A_730 = arith.constant 37 : i32
    %gt3A_731 = arith.cmpi sgt, %mul3A_54, %gt3A_730 : i32
    %jit3A_732 = arith.constant 1 : i32
    %jit3A_733 = arith.constant 0 : i32
    %select_n3A_734 = arith.select %gt3A_731, %jit3A_732, %jit3A_733 : i32
    %mul3A_735 = vector.broadcast %select_n3A_734 : i32 to vector<16xi32>
    %mul3A_736 = arith.muli %select_n3A_729, %mul3A_735 : vector<16xi32>
    %add3A_737 = arith.addi %add3A_719, %mul3A_736 : vector<16xi32>
    %get3A_738 = arith.constant 608 : index
    %get3A_739 = tpu.vector_load %arg5[%get3A_738] {strides = array<i32>} : memref<2048xi32, #tpu.memory_space<vmem>>, vector<16xi32>,
    %ne3A_740 = arith.constant 1 : i32
    %ne3A_741 = vector.broadcast %ne3A_740 : i32 to vector<16xi32>
    %ne3A_742 = arith.cmpi ne, %get3A_739, %ne3A_741 : vector<16xi32>
    %jit3A_743 = arith.constant 1 : i32
    %jit3A_744 = arith.constant 0 : i32
    %broadcast_in_dim3A_745 = vector.broadcast %jit3A_743 : i32 to vector<16xi32>
    %broadcast_in_dim3A_746 = vector.broadcast %jit3A_744 : i32 to vector<16xi32>
    %select_n3A_747 = arith.select %ne3A_742, %broadcast_in_dim3A_745, %broadcast_in_dim3A_746 : vector<16xi1>, vector<16xi32>
    %gt3A_748 = arith.constant 38 : i32
    %gt3A_749 = arith.cmpi sgt, %mul3A_54, %gt3A_748 : i32
    %jit3A_750 = arith.constant 1 : i32
    %jit3A_751 = arith.constant 0 : i32
    %select_n3A_752 = arith.select %gt3A_749, %jit3A_750, %jit3A_751 : i32
    %mul3A_753 = vector.broadcast %select_n3A_752 : i32 to vector<16xi32>
    %mul3A_754 = arith.muli %select_n3A_747, %mul3A_753 : vector<16xi32>
    %add3A_755 = arith.addi %add3A_737, %mul3A_754 : vector<16xi32>
    %get3A_756 = arith.constant 624 : index
    %get3A_757 = tpu.vector_load %arg5[%get3A_756] {strides = array<i32>} : memref<2048xi32, #tpu.memory_space<vmem>>, vector<16xi32>,
    %ne3A_758 = arith.constant 1 : i32
    %ne3A_759 = vector.broadcast %ne3A_758 : i32 to vector<16xi32>
    %ne3A_760 = arith.cmpi ne, %get3A_757, %ne3A_759 : vector<16xi32>
    %jit3A_761 = arith.constant 1 : i32
    %jit3A_762 = arith.constant 0 : i32
    %broadcast_in_dim3A_763 = vector.broadcast %jit3A_761 : i32 to vector<16xi32>
    %broadcast_in_dim3A_764 = vector.broadcast %jit3A_762 : i32 to vector<16xi32>
    %select_n3A_765 = arith.select %ne3A_760, %broadcast_in_dim3A_763, %broadcast_in_dim3A_764 : vector<16xi1>, vector<16xi32>
    %gt3A_766 = arith.constant 39 : i32
    %gt3A_767 = arith.cmpi sgt, %mul3A_54, %gt3A_766 : i32
    %jit3A_768 = arith.constant 1 : i32
    %jit3A_769 = arith.constant 0 : i32
    %select_n3A_770 = arith.select %gt3A_767, %jit3A_768, %jit3A_769 : i32
    %mul3A_771 = vector.broadcast %select_n3A_770 : i32 to vector<16xi32>
    %mul3A_772 = arith.muli %select_n3A_765, %mul3A_771 : vector<16xi32>
    %add3A_773 = arith.addi %add3A_755, %mul3A_772 : vector<16xi32>
    %get3A_774 = arith.constant 640 : index
    %get3A_775 = tpu.vector_load %arg5[%get3A_774] {strides = array<i32>} : memref<2048xi32, #tpu.memory_space<vmem>>, vector<16xi32>,
    %ne3A_776 = arith.constant 1 : i32
    %ne3A_777 = vector.broadcast %ne3A_776 : i32 to vector<16xi32>
    %ne3A_778 = arith.cmpi ne, %get3A_775, %ne3A_777 : vector<16xi32>
    %jit3A_779 = arith.constant 1 : i32
    %jit3A_780 = arith.constant 0 : i32
    %broadcast_in_dim3A_781 = vector.broadcast %jit3A_779 : i32 to vector<16xi32>
    %broadcast_in_dim3A_782 = vector.broadcast %jit3A_780 : i32 to vector<16xi32>
    %select_n3A_783 = arith.select %ne3A_778, %broadcast_in_dim3A_781, %broadcast_in_dim3A_782 : vector<16xi1>, vector<16xi32>
    %gt3A_784 = arith.constant 40 : i32
    %gt3A_785 = arith.cmpi sgt, %mul3A_54, %gt3A_784 : i32
    %jit3A_786 = arith.constant 1 : i32
    %jit3A_787 = arith.constant 0 : i32
    %select_n3A_788 = arith.select %gt3A_785, %jit3A_786, %jit3A_787 : i32
    %mul3A_789 = vector.broadcast %select_n3A_788 : i32 to vector<16xi32>
    %mul3A_790 = arith.muli %select_n3A_783, %mul3A_789 : vector<16xi32>
    %add3A_791 = arith.addi %add3A_773, %mul3A_790 : vector<16xi32>
    %get3A_792 = arith.constant 656 : index
    %get3A_793 = tpu.vector_load %arg5[%get3A_792] {strides = array<i32>} : memref<2048xi32, #tpu.memory_space<vmem>>, vector<16xi32>,
    %ne3A_794 = arith.constant 1 : i32
    %ne3A_795 = vector.broadcast %ne3A_794 : i32 to vector<16xi32>
    %ne3A_796 = arith.cmpi ne, %get3A_793, %ne3A_795 : vector<16xi32>
    %jit3A_797 = arith.constant 1 : i32
    %jit3A_798 = arith.constant 0 : i32
    %broadcast_in_dim3A_799 = vector.broadcast %jit3A_797 : i32 to vector<16xi32>
    %broadcast_in_dim3A_800 = vector.broadcast %jit3A_798 : i32 to vector<16xi32>
    %select_n3A_801 = arith.select %ne3A_796, %broadcast_in_dim3A_799, %broadcast_in_dim3A_800 : vector<16xi1>, vector<16xi32>
    %gt3A_802 = arith.constant 41 : i32
    %gt3A_803 = arith.cmpi sgt, %mul3A_54, %gt3A_802 : i32
    %jit3A_804 = arith.constant 1 : i32
    %jit3A_805 = arith.constant 0 : i32
    %select_n3A_806 = arith.select %gt3A_803, %jit3A_804, %jit3A_805 : i32
    %mul3A_807 = vector.broadcast %select_n3A_806 : i32 to vector<16xi32>
    %mul3A_808 = arith.muli %select_n3A_801, %mul3A_807 : vector<16xi32>
    %add3A_809 = arith.addi %add3A_791, %mul3A_808 : vector<16xi32>
    %get3A_810 = arith.constant 672 : index
    %get3A_811 = tpu.vector_load %arg5[%get3A_810] {strides = array<i32>} : memref<2048xi32, #tpu.memory_space<vmem>>, vector<16xi32>,
    %ne3A_812 = arith.constant 1 : i32
    %ne3A_813 = vector.broadcast %ne3A_812 : i32 to vector<16xi32>
    %ne3A_814 = arith.cmpi ne, %get3A_811, %ne3A_813 : vector<16xi32>
    %jit3A_815 = arith.constant 1 : i32
    %jit3A_816 = arith.constant 0 : i32
    %broadcast_in_dim3A_817 = vector.broadcast %jit3A_815 : i32 to vector<16xi32>
    %broadcast_in_dim3A_818 = vector.broadcast %jit3A_816 : i32 to vector<16xi32>
    %select_n3A_819 = arith.select %ne3A_814, %broadcast_in_dim3A_817, %broadcast_in_dim3A_818 : vector<16xi1>, vector<16xi32>
    %gt3A_820 = arith.constant 42 : i32
    %gt3A_821 = arith.cmpi sgt, %mul3A_54, %gt3A_820 : i32
    %jit3A_822 = arith.constant 1 : i32
    %jit3A_823 = arith.constant 0 : i32
    %select_n3A_824 = arith.select %gt3A_821, %jit3A_822, %jit3A_823 : i32
    %mul3A_825 = vector.broadcast %select_n3A_824 : i32 to vector<16xi32>
    %mul3A_826 = arith.muli %select_n3A_819, %mul3A_825 : vector<16xi32>
    %add3A_827 = arith.addi %add3A_809, %mul3A_826 : vector<16xi32>
    %get3A_828 = arith.constant 688 : index
    %get3A_829 = tpu.vector_load %arg5[%get3A_828] {strides = array<i32>} : memref<2048xi32, #tpu.memory_space<vmem>>, vector<16xi32>,
    %ne3A_830 = arith.constant 1 : i32
    %ne3A_831 = vector.broadcast %ne3A_830 : i32 to vector<16xi32>
    %ne3A_832 = arith.cmpi ne, %get3A_829, %ne3A_831 : vector<16xi32>
    %jit3A_833 = arith.constant 1 : i32
    %jit3A_834 = arith.constant 0 : i32
    %broadcast_in_dim3A_835 = vector.broadcast %jit3A_833 : i32 to vector<16xi32>
    %broadcast_in_dim3A_836 = vector.broadcast %jit3A_834 : i32 to vector<16xi32>
    %select_n3A_837 = arith.select %ne3A_832, %broadcast_in_dim3A_835, %broadcast_in_dim3A_836 : vector<16xi1>, vector<16xi32>
    %gt3A_838 = arith.constant 43 : i32
    %gt3A_839 = arith.cmpi sgt, %mul3A_54, %gt3A_838 : i32
    %jit3A_840 = arith.constant 1 : i32
    %jit3A_841 = arith.constant 0 : i32
    %select_n3A_842 = arith.select %gt3A_839, %jit3A_840, %jit3A_841 : i32
    %mul3A_843 = vector.broadcast %select_n3A_842 : i32 to vector<16xi32>
    %mul3A_844 = arith.muli %select_n3A_837, %mul3A_843 : vector<16xi32>
    %add3A_845 = arith.addi %add3A_827, %mul3A_844 : vector<16xi32>
    %get3A_846 = arith.constant 704 : index
    %get3A_847 = tpu.vector_load %arg5[%get3A_846] {strides = array<i32>} : memref<2048xi32, #tpu.memory_space<vmem>>, vector<16xi32>,
    %ne3A_848 = arith.constant 1 : i32
    %ne3A_849 = vector.broadcast %ne3A_848 : i32 to vector<16xi32>
    %ne3A_850 = arith.cmpi ne, %get3A_847, %ne3A_849 : vector<16xi32>
    %jit3A_851 = arith.constant 1 : i32
    %jit3A_852 = arith.constant 0 : i32
    %broadcast_in_dim3A_853 = vector.broadcast %jit3A_851 : i32 to vector<16xi32>
    %broadcast_in_dim3A_854 = vector.broadcast %jit3A_852 : i32 to vector<16xi32>
    %select_n3A_855 = arith.select %ne3A_850, %broadcast_in_dim3A_853, %broadcast_in_dim3A_854 : vector<16xi1>, vector<16xi32>
    %gt3A_856 = arith.constant 44 : i32
    %gt3A_857 = arith.cmpi sgt, %mul3A_54, %gt3A_856 : i32
    %jit3A_858 = arith.constant 1 : i32
    %jit3A_859 = arith.constant 0 : i32
    %select_n3A_860 = arith.select %gt3A_857, %jit3A_858, %jit3A_859 : i32
    %mul3A_861 = vector.broadcast %select_n3A_860 : i32 to vector<16xi32>
    %mul3A_862 = arith.muli %select_n3A_855, %mul3A_861 : vector<16xi32>
    %add3A_863 = arith.addi %add3A_845, %mul3A_862 : vector<16xi32>
    %get3A_864 = arith.constant 720 : index
    %get3A_865 = tpu.vector_load %arg5[%get3A_864] {strides = array<i32>} : memref<2048xi32, #tpu.memory_space<vmem>>, vector<16xi32>,
    %ne3A_866 = arith.constant 1 : i32
    %ne3A_867 = vector.broadcast %ne3A_866 : i32 to vector<16xi32>
    %ne3A_868 = arith.cmpi ne, %get3A_865, %ne3A_867 : vector<16xi32>
    %jit3A_869 = arith.constant 1 : i32
    %jit3A_870 = arith.constant 0 : i32
    %broadcast_in_dim3A_871 = vector.broadcast %jit3A_869 : i32 to vector<16xi32>
    %broadcast_in_dim3A_872 = vector.broadcast %jit3A_870 : i32 to vector<16xi32>
    %select_n3A_873 = arith.select %ne3A_868, %broadcast_in_dim3A_871, %broadcast_in_dim3A_872 : vector<16xi1>, vector<16xi32>
    %gt3A_874 = arith.constant 45 : i32
    %gt3A_875 = arith.cmpi sgt, %mul3A_54, %gt3A_874 : i32
    %jit3A_876 = arith.constant 1 : i32
    %jit3A_877 = arith.constant 0 : i32
    %select_n3A_878 = arith.select %gt3A_875, %jit3A_876, %jit3A_877 : i32
    %mul3A_879 = vector.broadcast %select_n3A_878 : i32 to vector<16xi32>
    %mul3A_880 = arith.muli %select_n3A_873, %mul3A_879 : vector<16xi32>
    %add3A_881 = arith.addi %add3A_863, %mul3A_880 : vector<16xi32>
    %get3A_882 = arith.constant 736 : index
    %get3A_883 = tpu.vector_load %arg5[%get3A_882] {strides = array<i32>} : memref<2048xi32, #tpu.memory_space<vmem>>, vector<16xi32>,
    %ne3A_884 = arith.constant 1 : i32
    %ne3A_885 = vector.broadcast %ne3A_884 : i32 to vector<16xi32>
    %ne3A_886 = arith.cmpi ne, %get3A_883, %ne3A_885 : vector<16xi32>
    %jit3A_887 = arith.constant 1 : i32
    %jit3A_888 = arith.constant 0 : i32
    %broadcast_in_dim3A_889 = vector.broadcast %jit3A_887 : i32 to vector<16xi32>
    %broadcast_in_dim3A_890 = vector.broadcast %jit3A_888 : i32 to vector<16xi32>
    %select_n3A_891 = arith.select %ne3A_886, %broadcast_in_dim3A_889, %broadcast_in_dim3A_890 : vector<16xi1>, vector<16xi32>
    %gt3A_892 = arith.constant 46 : i32
    %gt3A_893 = arith.cmpi sgt, %mul3A_54, %gt3A_892 : i32
    %jit3A_894 = arith.constant 1 : i32
    %jit3A_895 = arith.constant 0 : i32
    %select_n3A_896 = arith.select %gt3A_893, %jit3A_894, %jit3A_895 : i32
    %mul3A_897 = vector.broadcast %select_n3A_896 : i32 to vector<16xi32>
    %mul3A_898 = arith.muli %select_n3A_891, %mul3A_897 : vector<16xi32>
    %add3A_899 = arith.addi %add3A_881, %mul3A_898 : vector<16xi32>
    %get3A_900 = arith.constant 752 : index
    %get3A_901 = tpu.vector_load %arg5[%get3A_900] {strides = array<i32>} : memref<2048xi32, #tpu.memory_space<vmem>>, vector<16xi32>,
    %ne3A_902 = arith.constant 1 : i32
    %ne3A_903 = vector.broadcast %ne3A_902 : i32 to vector<16xi32>
    %ne3A_904 = arith.cmpi ne, %get3A_901, %ne3A_903 : vector<16xi32>
    %jit3A_905 = arith.constant 1 : i32
    %jit3A_906 = arith.constant 0 : i32
    %broadcast_in_dim3A_907 = vector.broadcast %jit3A_905 : i32 to vector<16xi32>
    %broadcast_in_dim3A_908 = vector.broadcast %jit3A_906 : i32 to vector<16xi32>
    %select_n3A_909 = arith.select %ne3A_904, %broadcast_in_dim3A_907, %broadcast_in_dim3A_908 : vector<16xi1>, vector<16xi32>
    %gt3A_910 = arith.constant 47 : i32
    %gt3A_911 = arith.cmpi sgt, %mul3A_54, %gt3A_910 : i32
    %jit3A_912 = arith.constant 1 : i32
    %jit3A_913 = arith.constant 0 : i32
    %select_n3A_914 = arith.select %gt3A_911, %jit3A_912, %jit3A_913 : i32
    %mul3A_915 = vector.broadcast %select_n3A_914 : i32 to vector<16xi32>
    %mul3A_916 = arith.muli %select_n3A_909, %mul3A_915 : vector<16xi32>
    %add3A_917 = arith.addi %add3A_899, %mul3A_916 : vector<16xi32>
    %get3A_918 = arith.constant 768 : index
    %get3A_919 = tpu.vector_load %arg5[%get3A_918] {strides = array<i32>} : memref<2048xi32, #tpu.memory_space<vmem>>, vector<16xi32>,
    %ne3A_920 = arith.constant 1 : i32
    %ne3A_921 = vector.broadcast %ne3A_920 : i32 to vector<16xi32>
    %ne3A_922 = arith.cmpi ne, %get3A_919, %ne3A_921 : vector<16xi32>
    %jit3A_923 = arith.constant 1 : i32
    %jit3A_924 = arith.constant 0 : i32
    %broadcast_in_dim3A_925 = vector.broadcast %jit3A_923 : i32 to vector<16xi32>
    %broadcast_in_dim3A_926 = vector.broadcast %jit3A_924 : i32 to vector<16xi32>
    %select_n3A_927 = arith.select %ne3A_922, %broadcast_in_dim3A_925, %broadcast_in_dim3A_926 : vector<16xi1>, vector<16xi32>
    %gt3A_928 = arith.constant 48 : i32
    %gt3A_929 = arith.cmpi sgt, %mul3A_54, %gt3A_928 : i32
    %jit3A_930 = arith.constant 1 : i32
    %jit3A_931 = arith.constant 0 : i32
    %select_n3A_932 = arith.select %gt3A_929, %jit3A_930, %jit3A_931 : i32
    %mul3A_933 = vector.broadcast %select_n3A_932 : i32 to vector<16xi32>
    %mul3A_934 = arith.muli %select_n3A_927, %mul3A_933 : vector<16xi32>
    %add3A_935 = arith.addi %add3A_917, %mul3A_934 : vector<16xi32>
    %get3A_936 = arith.constant 784 : index
    %get3A_937 = tpu.vector_load %arg5[%get3A_936] {strides = array<i32>} : memref<2048xi32, #tpu.memory_space<vmem>>, vector<16xi32>,
    %ne3A_938 = arith.constant 1 : i32
    %ne3A_939 = vector.broadcast %ne3A_938 : i32 to vector<16xi32>
    %ne3A_940 = arith.cmpi ne, %get3A_937, %ne3A_939 : vector<16xi32>
    %jit3A_941 = arith.constant 1 : i32
    %jit3A_942 = arith.constant 0 : i32
    %broadcast_in_dim3A_943 = vector.broadcast %jit3A_941 : i32 to vector<16xi32>
    %broadcast_in_dim3A_944 = vector.broadcast %jit3A_942 : i32 to vector<16xi32>
    %select_n3A_945 = arith.select %ne3A_940, %broadcast_in_dim3A_943, %broadcast_in_dim3A_944 : vector<16xi1>, vector<16xi32>
    %gt3A_946 = arith.constant 49 : i32
    %gt3A_947 = arith.cmpi sgt, %mul3A_54, %gt3A_946 : i32
    %jit3A_948 = arith.constant 1 : i32
    %jit3A_949 = arith.constant 0 : i32
    %select_n3A_950 = arith.select %gt3A_947, %jit3A_948, %jit3A_949 : i32
    %mul3A_951 = vector.broadcast %select_n3A_950 : i32 to vector<16xi32>
    %mul3A_952 = arith.muli %select_n3A_945, %mul3A_951 : vector<16xi32>
    %add3A_953 = arith.addi %add3A_935, %mul3A_952 : vector<16xi32>
    %get3A_954 = arith.constant 800 : index
    %get3A_955 = tpu.vector_load %arg5[%get3A_954] {strides = array<i32>} : memref<2048xi32, #tpu.memory_space<vmem>>, vector<16xi32>,
    %ne3A_956 = arith.constant 1 : i32
    %ne3A_957 = vector.broadcast %ne3A_956 : i32 to vector<16xi32>
    %ne3A_958 = arith.cmpi ne, %get3A_955, %ne3A_957 : vector<16xi32>
    %jit3A_959 = arith.constant 1 : i32
    %jit3A_960 = arith.constant 0 : i32
    %broadcast_in_dim3A_961 = vector.broadcast %jit3A_959 : i32 to vector<16xi32>
    %broadcast_in_dim3A_962 = vector.broadcast %jit3A_960 : i32 to vector<16xi32>
    %select_n3A_963 = arith.select %ne3A_958, %broadcast_in_dim3A_961, %broadcast_in_dim3A_962 : vector<16xi1>, vector<16xi32>
    %gt3A_964 = arith.constant 50 : i32
    %gt3A_965 = arith.cmpi sgt, %mul3A_54, %gt3A_964 : i32
    %jit3A_966 = arith.constant 1 : i32
    %jit3A_967 = arith.constant 0 : i32
    %select_n3A_968 = arith.select %gt3A_965, %jit3A_966, %jit3A_967 : i32
    %mul3A_969 = vector.broadcast %select_n3A_968 : i32 to vector<16xi32>
    %mul3A_970 = arith.muli %select_n3A_963, %mul3A_969 : vector<16xi32>
    %add3A_971 = arith.addi %add3A_953, %mul3A_970 : vector<16xi32>
    %get3A_972 = arith.constant 816 : index
    %get3A_973 = tpu.vector_load %arg5[%get3A_972] {strides = array<i32>} : memref<2048xi32, #tpu.memory_space<vmem>>, vector<16xi32>,
    %ne3A_974 = arith.constant 1 : i32
    %ne3A_975 = vector.broadcast %ne3A_974 : i32 to vector<16xi32>
    %ne3A_976 = arith.cmpi ne, %get3A_973, %ne3A_975 : vector<16xi32>
    %jit3A_977 = arith.constant 1 : i32
    %jit3A_978 = arith.constant 0 : i32
    %broadcast_in_dim3A_979 = vector.broadcast %jit3A_977 : i32 to vector<16xi32>
    %broadcast_in_dim3A_980 = vector.broadcast %jit3A_978 : i32 to vector<16xi32>
    %select_n3A_981 = arith.select %ne3A_976, %broadcast_in_dim3A_979, %broadcast_in_dim3A_980 : vector<16xi1>, vector<16xi32>
    %gt3A_982 = arith.constant 51 : i32
    %gt3A_983 = arith.cmpi sgt, %mul3A_54, %gt3A_982 : i32
    %jit3A_984 = arith.constant 1 : i32
    %jit3A_985 = arith.constant 0 : i32
    %select_n3A_986 = arith.select %gt3A_983, %jit3A_984, %jit3A_985 : i32
    %mul3A_987 = vector.broadcast %select_n3A_986 : i32 to vector<16xi32>
    %mul3A_988 = arith.muli %select_n3A_981, %mul3A_987 : vector<16xi32>
    %add3A_989 = arith.addi %add3A_971, %mul3A_988 : vector<16xi32>
    %get3A_990 = arith.constant 832 : index
    %get3A_991 = tpu.vector_load %arg5[%get3A_990] {strides = array<i32>} : memref<2048xi32, #tpu.memory_space<vmem>>, vector<16xi32>,
    %ne3A_992 = arith.constant 1 : i32
    %ne3A_993 = vector.broadcast %ne3A_992 : i32 to vector<16xi32>
    %ne3A_994 = arith.cmpi ne, %get3A_991, %ne3A_993 : vector<16xi32>
    %jit3A_995 = arith.constant 1 : i32
    %jit3A_996 = arith.constant 0 : i32
    %broadcast_in_dim3A_997 = vector.broadcast %jit3A_995 : i32 to vector<16xi32>
    %broadcast_in_dim3A_998 = vector.broadcast %jit3A_996 : i32 to vector<16xi32>
    %select_n3A_999 = arith.select %ne3A_994, %broadcast_in_dim3A_997, %broadcast_in_dim3A_998 : vector<16xi1>, vector<16xi32>
    %gt3A_1000 = arith.constant 52 : i32
    %gt3A_1001 = arith.cmpi sgt, %mul3A_54, %gt3A_1000 : i32
    %jit3A_1002 = arith.constant 1 : i32
    %jit3A_1003 = arith.constant 0 : i32
    %select_n3A_1004 = arith.select %gt3A_1001, %jit3A_1002, %jit3A_1003 : i32
    %mul3A_1005 = vector.broadcast %select_n3A_1004 : i32 to vector<16xi32>
    %mul3A_1006 = arith.muli %select_n3A_999, %mul3A_1005 : vector<16xi32>
    %add3A_1007 = arith.addi %add3A_989, %mul3A_1006 : vector<16xi32>
    %get3A_1008 = arith.constant 848 : index
    %get3A_1009 = tpu.vector_load %arg5[%get3A_1008] {strides = array<i32>} : memref<2048xi32, #tpu.memory_space<vmem>>, vector<16xi32>,
    %ne3A_1010 = arith.constant 1 : i32
    %ne3A_1011 = vector.broadcast %ne3A_1010 : i32 to vector<16xi32>
    %ne3A_1012 = arith.cmpi ne, %get3A_1009, %ne3A_1011 : vector<16xi32>
    %jit3A_1013 = arith.constant 1 : i32
    %jit3A_1014 = arith.constant 0 : i32
    %broadcast_in_dim3A_1015 = vector.broadcast %jit3A_1013 : i32 to vector<16xi32>
    %broadcast_in_dim3A_1016 = vector.broadcast %jit3A_1014 : i32 to vector<16xi32>
    %select_n3A_1017 = arith.select %ne3A_1012, %broadcast_in_dim3A_1015, %broadcast_in_dim3A_1016 : vector<16xi1>, vector<16xi32>
    %gt3A_1018 = arith.constant 53 : i32
    %gt3A_1019 = arith.cmpi sgt, %mul3A_54, %gt3A_1018 : i32
    %jit3A_1020 = arith.constant 1 : i32
    %jit3A_1021 = arith.constant 0 : i32
    %select_n3A_1022 = arith.select %gt3A_1019, %jit3A_1020, %jit3A_1021 : i32
    %mul3A_1023 = vector.broadcast %select_n3A_1022 : i32 to vector<16xi32>
    %mul3A_1024 = arith.muli %select_n3A_1017, %mul3A_1023 : vector<16xi32>
    %add3A_1025 = arith.addi %add3A_1007, %mul3A_1024 : vector<16xi32>
    %get3A_1026 = arith.constant 864 : index
    %get3A_1027 = tpu.vector_load %arg5[%get3A_1026] {strides = array<i32>} : memref<2048xi32, #tpu.memory_space<vmem>>, vector<16xi32>,
    %ne3A_1028 = arith.constant 1 : i32
    %ne3A_1029 = vector.broadcast %ne3A_1028 : i32 to vector<16xi32>
    %ne3A_1030 = arith.cmpi ne, %get3A_1027, %ne3A_1029 : vector<16xi32>
    %jit3A_1031 = arith.constant 1 : i32
    %jit3A_1032 = arith.constant 0 : i32
    %broadcast_in_dim3A_1033 = vector.broadcast %jit3A_1031 : i32 to vector<16xi32>
    %broadcast_in_dim3A_1034 = vector.broadcast %jit3A_1032 : i32 to vector<16xi32>
    %select_n3A_1035 = arith.select %ne3A_1030, %broadcast_in_dim3A_1033, %broadcast_in_dim3A_1034 : vector<16xi1>, vector<16xi32>
    %gt3A_1036 = arith.constant 54 : i32
    %gt3A_1037 = arith.cmpi sgt, %mul3A_54, %gt3A_1036 : i32
    %jit3A_1038 = arith.constant 1 : i32
    %jit3A_1039 = arith.constant 0 : i32
    %select_n3A_1040 = arith.select %gt3A_1037, %jit3A_1038, %jit3A_1039 : i32
    %mul3A_1041 = vector.broadcast %select_n3A_1040 : i32 to vector<16xi32>
    %mul3A_1042 = arith.muli %select_n3A_1035, %mul3A_1041 : vector<16xi32>
    %add3A_1043 = arith.addi %add3A_1025, %mul3A_1042 : vector<16xi32>
    %get3A_1044 = arith.constant 880 : index
    %get3A_1045 = tpu.vector_load %arg5[%get3A_1044] {strides = array<i32>} : memref<2048xi32, #tpu.memory_space<vmem>>, vector<16xi32>,
    %ne3A_1046 = arith.constant 1 : i32
    %ne3A_1047 = vector.broadcast %ne3A_1046 : i32 to vector<16xi32>
    %ne3A_1048 = arith.cmpi ne, %get3A_1045, %ne3A_1047 : vector<16xi32>
    %jit3A_1049 = arith.constant 1 : i32
    %jit3A_1050 = arith.constant 0 : i32
    %broadcast_in_dim3A_1051 = vector.broadcast %jit3A_1049 : i32 to vector<16xi32>
    %broadcast_in_dim3A_1052 = vector.broadcast %jit3A_1050 : i32 to vector<16xi32>
    %select_n3A_1053 = arith.select %ne3A_1048, %broadcast_in_dim3A_1051, %broadcast_in_dim3A_1052 : vector<16xi1>, vector<16xi32>
    %gt3A_1054 = arith.constant 55 : i32
    %gt3A_1055 = arith.cmpi sgt, %mul3A_54, %gt3A_1054 : i32
    %jit3A_1056 = arith.constant 1 : i32
    %jit3A_1057 = arith.constant 0 : i32
    %select_n3A_1058 = arith.select %gt3A_1055, %jit3A_1056, %jit3A_1057 : i32
    %mul3A_1059 = vector.broadcast %select_n3A_1058 : i32 to vector<16xi32>
    %mul3A_1060 = arith.muli %select_n3A_1053, %mul3A_1059 : vector<16xi32>
    %add3A_1061 = arith.addi %add3A_1043, %mul3A_1060 : vector<16xi32>
    %get3A_1062 = arith.constant 896 : index
    %get3A_1063 = tpu.vector_load %arg5[%get3A_1062] {strides = array<i32>} : memref<2048xi32, #tpu.memory_space<vmem>>, vector<16xi32>,
    %ne3A_1064 = arith.constant 1 : i32
    %ne3A_1065 = vector.broadcast %ne3A_1064 : i32 to vector<16xi32>
    %ne3A_1066 = arith.cmpi ne, %get3A_1063, %ne3A_1065 : vector<16xi32>
    %jit3A_1067 = arith.constant 1 : i32
    %jit3A_1068 = arith.constant 0 : i32
    %broadcast_in_dim3A_1069 = vector.broadcast %jit3A_1067 : i32 to vector<16xi32>
    %broadcast_in_dim3A_1070 = vector.broadcast %jit3A_1068 : i32 to vector<16xi32>
    %select_n3A_1071 = arith.select %ne3A_1066, %broadcast_in_dim3A_1069, %broadcast_in_dim3A_1070 : vector<16xi1>, vector<16xi32>
    %gt3A_1072 = arith.constant 56 : i32
    %gt3A_1073 = arith.cmpi sgt, %mul3A_54, %gt3A_1072 : i32
    %jit3A_1074 = arith.constant 1 : i32
    %jit3A_1075 = arith.constant 0 : i32
    %select_n3A_1076 = arith.select %gt3A_1073, %jit3A_1074, %jit3A_1075 : i32
    %mul3A_1077 = vector.broadcast %select_n3A_1076 : i32 to vector<16xi32>
    %mul3A_1078 = arith.muli %select_n3A_1071, %mul3A_1077 : vector<16xi32>
    %add3A_1079 = arith.addi %add3A_1061, %mul3A_1078 : vector<16xi32>
    %get3A_1080 = arith.constant 912 : index
    %get3A_1081 = tpu.vector_load %arg5[%get3A_1080] {strides = array<i32>} : memref<2048xi32, #tpu.memory_space<vmem>>, vector<16xi32>,
    %ne3A_1082 = arith.constant 1 : i32
    %ne3A_1083 = vector.broadcast %ne3A_1082 : i32 to vector<16xi32>
    %ne3A_1084 = arith.cmpi ne, %get3A_1081, %ne3A_1083 : vector<16xi32>
    %jit3A_1085 = arith.constant 1 : i32
    %jit3A_1086 = arith.constant 0 : i32
    %broadcast_in_dim3A_1087 = vector.broadcast %jit3A_1085 : i32 to vector<16xi32>
    %broadcast_in_dim3A_1088 = vector.broadcast %jit3A_1086 : i32 to vector<16xi32>
    %select_n3A_1089 = arith.select %ne3A_1084, %broadcast_in_dim3A_1087, %broadcast_in_dim3A_1088 : vector<16xi1>, vector<16xi32>
    %gt3A_1090 = arith.constant 57 : i32
    %gt3A_1091 = arith.cmpi sgt, %mul3A_54, %gt3A_1090 : i32
    %jit3A_1092 = arith.constant 1 : i32
    %jit3A_1093 = arith.constant 0 : i32
    %select_n3A_1094 = arith.select %gt3A_1091, %jit3A_1092, %jit3A_1093 : i32
    %mul3A_1095 = vector.broadcast %select_n3A_1094 : i32 to vector<16xi32>
    %mul3A_1096 = arith.muli %select_n3A_1089, %mul3A_1095 : vector<16xi32>
    %add3A_1097 = arith.addi %add3A_1079, %mul3A_1096 : vector<16xi32>
    %get3A_1098 = arith.constant 928 : index
    %get3A_1099 = tpu.vector_load %arg5[%get3A_1098] {strides = array<i32>} : memref<2048xi32, #tpu.memory_space<vmem>>, vector<16xi32>,
    %ne3A_1100 = arith.constant 1 : i32
    %ne3A_1101 = vector.broadcast %ne3A_1100 : i32 to vector<16xi32>
    %ne3A_1102 = arith.cmpi ne, %get3A_1099, %ne3A_1101 : vector<16xi32>
    %jit3A_1103 = arith.constant 1 : i32
    %jit3A_1104 = arith.constant 0 : i32
    %broadcast_in_dim3A_1105 = vector.broadcast %jit3A_1103 : i32 to vector<16xi32>
    %broadcast_in_dim3A_1106 = vector.broadcast %jit3A_1104 : i32 to vector<16xi32>
    %select_n3A_1107 = arith.select %ne3A_1102, %broadcast_in_dim3A_1105, %broadcast_in_dim3A_1106 : vector<16xi1>, vector<16xi32>
    %gt3A_1108 = arith.constant 58 : i32
    %gt3A_1109 = arith.cmpi sgt, %mul3A_54, %gt3A_1108 : i32
    %jit3A_1110 = arith.constant 1 : i32
    %jit3A_1111 = arith.constant 0 : i32
    %select_n3A_1112 = arith.select %gt3A_1109, %jit3A_1110, %jit3A_1111 : i32
    %mul3A_1113 = vector.broadcast %select_n3A_1112 : i32 to vector<16xi32>
    %mul3A_1114 = arith.muli %select_n3A_1107, %mul3A_1113 : vector<16xi32>
    %add3A_1115 = arith.addi %add3A_1097, %mul3A_1114 : vector<16xi32>
    %get3A_1116 = arith.constant 944 : index
    %get3A_1117 = tpu.vector_load %arg5[%get3A_1116] {strides = array<i32>} : memref<2048xi32, #tpu.memory_space<vmem>>, vector<16xi32>,
    %ne3A_1118 = arith.constant 1 : i32
    %ne3A_1119 = vector.broadcast %ne3A_1118 : i32 to vector<16xi32>
    %ne3A_1120 = arith.cmpi ne, %get3A_1117, %ne3A_1119 : vector<16xi32>
    %jit3A_1121 = arith.constant 1 : i32
    %jit3A_1122 = arith.constant 0 : i32
    %broadcast_in_dim3A_1123 = vector.broadcast %jit3A_1121 : i32 to vector<16xi32>
    %broadcast_in_dim3A_1124 = vector.broadcast %jit3A_1122 : i32 to vector<16xi32>
    %select_n3A_1125 = arith.select %ne3A_1120, %broadcast_in_dim3A_1123, %broadcast_in_dim3A_1124 : vector<16xi1>, vector<16xi32>
    %gt3A_1126 = arith.constant 59 : i32
    %gt3A_1127 = arith.cmpi sgt, %mul3A_54, %gt3A_1126 : i32
    %jit3A_1128 = arith.constant 1 : i32
    %jit3A_1129 = arith.constant 0 : i32
    %select_n3A_1130 = arith.select %gt3A_1127, %jit3A_1128, %jit3A_1129 : i32
    %mul3A_1131 = vector.broadcast %select_n3A_1130 : i32 to vector<16xi32>
    %mul3A_1132 = arith.muli %select_n3A_1125, %mul3A_1131 : vector<16xi32>
    %add3A_1133 = arith.addi %add3A_1115, %mul3A_1132 : vector<16xi32>
    %get3A_1134 = arith.constant 960 : index
    %get3A_1135 = tpu.vector_load %arg5[%get3A_1134] {strides = array<i32>} : memref<2048xi32, #tpu.memory_space<vmem>>, vector<16xi32>,
    %ne3A_1136 = arith.constant 1 : i32
    %ne3A_1137 = vector.broadcast %ne3A_1136 : i32 to vector<16xi32>
    %ne3A_1138 = arith.cmpi ne, %get3A_1135, %ne3A_1137 : vector<16xi32>
    %jit3A_1139 = arith.constant 1 : i32
    %jit3A_1140 = arith.constant 0 : i32
    %broadcast_in_dim3A_1141 = vector.broadcast %jit3A_1139 : i32 to vector<16xi32>
    %broadcast_in_dim3A_1142 = vector.broadcast %jit3A_1140 : i32 to vector<16xi32>
    %select_n3A_1143 = arith.select %ne3A_1138, %broadcast_in_dim3A_1141, %broadcast_in_dim3A_1142 : vector<16xi1>, vector<16xi32>
    %gt3A_1144 = arith.constant 60 : i32
    %gt3A_1145 = arith.cmpi sgt, %mul3A_54, %gt3A_1144 : i32
    %jit3A_1146 = arith.constant 1 : i32
    %jit3A_1147 = arith.constant 0 : i32
    %select_n3A_1148 = arith.select %gt3A_1145, %jit3A_1146, %jit3A_1147 : i32
    %mul3A_1149 = vector.broadcast %select_n3A_1148 : i32 to vector<16xi32>
    %mul3A_1150 = arith.muli %select_n3A_1143, %mul3A_1149 : vector<16xi32>
    %add3A_1151 = arith.addi %add3A_1133, %mul3A_1150 : vector<16xi32>
    %get3A_1152 = arith.constant 976 : index
    %get3A_1153 = tpu.vector_load %arg5[%get3A_1152] {strides = array<i32>} : memref<2048xi32, #tpu.memory_space<vmem>>, vector<16xi32>,
    %ne3A_1154 = arith.constant 1 : i32
    %ne3A_1155 = vector.broadcast %ne3A_1154 : i32 to vector<16xi32>
    %ne3A_1156 = arith.cmpi ne, %get3A_1153, %ne3A_1155 : vector<16xi32>
    %jit3A_1157 = arith.constant 1 : i32
    %jit3A_1158 = arith.constant 0 : i32
    %broadcast_in_dim3A_1159 = vector.broadcast %jit3A_1157 : i32 to vector<16xi32>
    %broadcast_in_dim3A_1160 = vector.broadcast %jit3A_1158 : i32 to vector<16xi32>
    %select_n3A_1161 = arith.select %ne3A_1156, %broadcast_in_dim3A_1159, %broadcast_in_dim3A_1160 : vector<16xi1>, vector<16xi32>
    %gt3A_1162 = arith.constant 61 : i32
    %gt3A_1163 = arith.cmpi sgt, %mul3A_54, %gt3A_1162 : i32
    %jit3A_1164 = arith.constant 1 : i32
    %jit3A_1165 = arith.constant 0 : i32
    %select_n3A_1166 = arith.select %gt3A_1163, %jit3A_1164, %jit3A_1165 : i32
    %mul3A_1167 = vector.broadcast %select_n3A_1166 : i32 to vector<16xi32>
    %mul3A_1168 = arith.muli %select_n3A_1161, %mul3A_1167 : vector<16xi32>
    %add3A_1169 = arith.addi %add3A_1151, %mul3A_1168 : vector<16xi32>
    %get3A_1170 = arith.constant 992 : index
    %get3A_1171 = tpu.vector_load %arg5[%get3A_1170] {strides = array<i32>} : memref<2048xi32, #tpu.memory_space<vmem>>, vector<16xi32>,
    %ne3A_1172 = arith.constant 1 : i32
    %ne3A_1173 = vector.broadcast %ne3A_1172 : i32 to vector<16xi32>
    %ne3A_1174 = arith.cmpi ne, %get3A_1171, %ne3A_1173 : vector<16xi32>
    %jit3A_1175 = arith.constant 1 : i32
    %jit3A_1176 = arith.constant 0 : i32
    %broadcast_in_dim3A_1177 = vector.broadcast %jit3A_1175 : i32 to vector<16xi32>
    %broadcast_in_dim3A_1178 = vector.broadcast %jit3A_1176 : i32 to vector<16xi32>
    %select_n3A_1179 = arith.select %ne3A_1174, %broadcast_in_dim3A_1177, %broadcast_in_dim3A_1178 : vector<16xi1>, vector<16xi32>
    %gt3A_1180 = arith.constant 62 : i32
    %gt3A_1181 = arith.cmpi sgt, %mul3A_54, %gt3A_1180 : i32
    %jit3A_1182 = arith.constant 1 : i32
    %jit3A_1183 = arith.constant 0 : i32
    %select_n3A_1184 = arith.select %gt3A_1181, %jit3A_1182, %jit3A_1183 : i32
    %mul3A_1185 = vector.broadcast %select_n3A_1184 : i32 to vector<16xi32>
    %mul3A_1186 = arith.muli %select_n3A_1179, %mul3A_1185 : vector<16xi32>
    %add3A_1187 = arith.addi %add3A_1169, %mul3A_1186 : vector<16xi32>
    %get3A_1188 = arith.constant 1008 : index
    %get3A_1189 = tpu.vector_load %arg5[%get3A_1188] {strides = array<i32>} : memref<2048xi32, #tpu.memory_space<vmem>>, vector<16xi32>,
    %ne3A_1190 = arith.constant 1 : i32
    %ne3A_1191 = vector.broadcast %ne3A_1190 : i32 to vector<16xi32>
    %ne3A_1192 = arith.cmpi ne, %get3A_1189, %ne3A_1191 : vector<16xi32>
    %jit3A_1193 = arith.constant 1 : i32
    %jit3A_1194 = arith.constant 0 : i32
    %broadcast_in_dim3A_1195 = vector.broadcast %jit3A_1193 : i32 to vector<16xi32>
    %broadcast_in_dim3A_1196 = vector.broadcast %jit3A_1194 : i32 to vector<16xi32>
    %select_n3A_1197 = arith.select %ne3A_1192, %broadcast_in_dim3A_1195, %broadcast_in_dim3A_1196 : vector<16xi1>, vector<16xi32>
    %gt3A_1198 = arith.constant 63 : i32
    %gt3A_1199 = arith.cmpi sgt, %mul3A_54, %gt3A_1198 : i32
    %jit3A_1200 = arith.constant 1 : i32
    %jit3A_1201 = arith.constant 0 : i32
    %select_n3A_1202 = arith.select %gt3A_1199, %jit3A_1200, %jit3A_1201 : i32
    %mul3A_1203 = vector.broadcast %select_n3A_1202 : i32 to vector<16xi32>
    %mul3A_1204 = arith.muli %select_n3A_1197, %mul3A_1203 : vector<16xi32>
    %add3A_1205 = arith.addi %add3A_1187, %mul3A_1204 : vector<16xi32>
    %get3A_1206 = arith.constant 1024 : index
    %get3A_1207 = tpu.vector_load %arg5[%get3A_1206] {strides = array<i32>} : memref<2048xi32, #tpu.memory_space<vmem>>, vector<16xi32>,
    %ne3A_1208 = arith.constant 1 : i32
    %ne3A_1209 = vector.broadcast %ne3A_1208 : i32 to vector<16xi32>
    %ne3A_1210 = arith.cmpi ne, %get3A_1207, %ne3A_1209 : vector<16xi32>
    %jit3A_1211 = arith.constant 1 : i32
    %jit3A_1212 = arith.constant 0 : i32
    %broadcast_in_dim3A_1213 = vector.broadcast %jit3A_1211 : i32 to vector<16xi32>
    %broadcast_in_dim3A_1214 = vector.broadcast %jit3A_1212 : i32 to vector<16xi32>
    %select_n3A_1215 = arith.select %ne3A_1210, %broadcast_in_dim3A_1213, %broadcast_in_dim3A_1214 : vector<16xi1>, vector<16xi32>
    %gt3A_1216 = arith.constant 64 : i32
    %gt3A_1217 = arith.cmpi sgt, %mul3A_54, %gt3A_1216 : i32
    %jit3A_1218 = arith.constant 1 : i32
    %jit3A_1219 = arith.constant 0 : i32
    %select_n3A_1220 = arith.select %gt3A_1217, %jit3A_1218, %jit3A_1219 : i32
    %mul3A_1221 = vector.broadcast %select_n3A_1220 : i32 to vector<16xi32>
    %mul3A_1222 = arith.muli %select_n3A_1215, %mul3A_1221 : vector<16xi32>
    %add3A_1223 = arith.addi %add3A_1205, %mul3A_1222 : vector<16xi32>
    %get3A_1224 = arith.constant 1040 : index
    %get3A_1225 = tpu.vector_load %arg5[%get3A_1224] {strides = array<i32>} : memref<2048xi32, #tpu.memory_space<vmem>>, vector<16xi32>,
    %ne3A_1226 = arith.constant 1 : i32
    %ne3A_1227 = vector.broadcast %ne3A_1226 : i32 to vector<16xi32>
    %ne3A_1228 = arith.cmpi ne, %get3A_1225, %ne3A_1227 : vector<16xi32>
    %jit3A_1229 = arith.constant 1 : i32
    %jit3A_1230 = arith.constant 0 : i32
    %broadcast_in_dim3A_1231 = vector.broadcast %jit3A_1229 : i32 to vector<16xi32>
    %broadcast_in_dim3A_1232 = vector.broadcast %jit3A_1230 : i32 to vector<16xi32>
    %select_n3A_1233 = arith.select %ne3A_1228, %broadcast_in_dim3A_1231, %broadcast_in_dim3A_1232 : vector<16xi1>, vector<16xi32>
    %gt3A_1234 = arith.constant 65 : i32
    %gt3A_1235 = arith.cmpi sgt, %mul3A_54, %gt3A_1234 : i32
    %jit3A_1236 = arith.constant 1 : i32
    %jit3A_1237 = arith.constant 0 : i32
    %select_n3A_1238 = arith.select %gt3A_1235, %jit3A_1236, %jit3A_1237 : i32
    %mul3A_1239 = vector.broadcast %select_n3A_1238 : i32 to vector<16xi32>
    %mul3A_1240 = arith.muli %select_n3A_1233, %mul3A_1239 : vector<16xi32>
    %add3A_1241 = arith.addi %add3A_1223, %mul3A_1240 : vector<16xi32>
    %get3A_1242 = arith.constant 1056 : index
    %get3A_1243 = tpu.vector_load %arg5[%get3A_1242] {strides = array<i32>} : memref<2048xi32, #tpu.memory_space<vmem>>, vector<16xi32>,
    %ne3A_1244 = arith.constant 1 : i32
    %ne3A_1245 = vector.broadcast %ne3A_1244 : i32 to vector<16xi32>
    %ne3A_1246 = arith.cmpi ne, %get3A_1243, %ne3A_1245 : vector<16xi32>
    %jit3A_1247 = arith.constant 1 : i32
    %jit3A_1248 = arith.constant 0 : i32
    %broadcast_in_dim3A_1249 = vector.broadcast %jit3A_1247 : i32 to vector<16xi32>
    %broadcast_in_dim3A_1250 = vector.broadcast %jit3A_1248 : i32 to vector<16xi32>
    %select_n3A_1251 = arith.select %ne3A_1246, %broadcast_in_dim3A_1249, %broadcast_in_dim3A_1250 : vector<16xi1>, vector<16xi32>
    %gt3A_1252 = arith.constant 66 : i32
    %gt3A_1253 = arith.cmpi sgt, %mul3A_54, %gt3A_1252 : i32
    %jit3A_1254 = arith.constant 1 : i32
    %jit3A_1255 = arith.constant 0 : i32
    %select_n3A_1256 = arith.select %gt3A_1253, %jit3A_1254, %jit3A_1255 : i32
    %mul3A_1257 = vector.broadcast %select_n3A_1256 : i32 to vector<16xi32>
    %mul3A_1258 = arith.muli %select_n3A_1251, %mul3A_1257 : vector<16xi32>
    %add3A_1259 = arith.addi %add3A_1241, %mul3A_1258 : vector<16xi32>
    %get3A_1260 = arith.constant 1072 : index
    %get3A_1261 = tpu.vector_load %arg5[%get3A_1260] {strides = array<i32>} : memref<2048xi32, #tpu.memory_space<vmem>>, vector<16xi32>,
    %ne3A_1262 = arith.constant 1 : i32
    %ne3A_1263 = vector.broadcast %ne3A_1262 : i32 to vector<16xi32>
    %ne3A_1264 = arith.cmpi ne, %get3A_1261, %ne3A_1263 : vector<16xi32>
    %jit3A_1265 = arith.constant 1 : i32
    %jit3A_1266 = arith.constant 0 : i32
    %broadcast_in_dim3A_1267 = vector.broadcast %jit3A_1265 : i32 to vector<16xi32>
    %broadcast_in_dim3A_1268 = vector.broadcast %jit3A_1266 : i32 to vector<16xi32>
    %select_n3A_1269 = arith.select %ne3A_1264, %broadcast_in_dim3A_1267, %broadcast_in_dim3A_1268 : vector<16xi1>, vector<16xi32>
    %gt3A_1270 = arith.constant 67 : i32
    %gt3A_1271 = arith.cmpi sgt, %mul3A_54, %gt3A_1270 : i32
    %jit3A_1272 = arith.constant 1 : i32
    %jit3A_1273 = arith.constant 0 : i32
    %select_n3A_1274 = arith.select %gt3A_1271, %jit3A_1272, %jit3A_1273 : i32
    %mul3A_1275 = vector.broadcast %select_n3A_1274 : i32 to vector<16xi32>
    %mul3A_1276 = arith.muli %select_n3A_1269, %mul3A_1275 : vector<16xi32>
    %add3A_1277 = arith.addi %add3A_1259, %mul3A_1276 : vector<16xi32>
    %get3A_1278 = arith.constant 1088 : index
    %get3A_1279 = tpu.vector_load %arg5[%get3A_1278] {strides = array<i32>} : memref<2048xi32, #tpu.memory_space<vmem>>, vector<16xi32>,
    %ne3A_1280 = arith.constant 1 : i32
    %ne3A_1281 = vector.broadcast %ne3A_1280 : i32 to vector<16xi32>
    %ne3A_1282 = arith.cmpi ne, %get3A_1279, %ne3A_1281 : vector<16xi32>
    %jit3A_1283 = arith.constant 1 : i32
    %jit3A_1284 = arith.constant 0 : i32
    %broadcast_in_dim3A_1285 = vector.broadcast %jit3A_1283 : i32 to vector<16xi32>
    %broadcast_in_dim3A_1286 = vector.broadcast %jit3A_1284 : i32 to vector<16xi32>
    %select_n3A_1287 = arith.select %ne3A_1282, %broadcast_in_dim3A_1285, %broadcast_in_dim3A_1286 : vector<16xi1>, vector<16xi32>
    %gt3A_1288 = arith.constant 68 : i32
    %gt3A_1289 = arith.cmpi sgt, %mul3A_54, %gt3A_1288 : i32
    %jit3A_1290 = arith.constant 1 : i32
    %jit3A_1291 = arith.constant 0 : i32
    %select_n3A_1292 = arith.select %gt3A_1289, %jit3A_1290, %jit3A_1291 : i32
    %mul3A_1293 = vector.broadcast %select_n3A_1292 : i32 to vector<16xi32>
    %mul3A_1294 = arith.muli %select_n3A_1287, %mul3A_1293 : vector<16xi32>
    %add3A_1295 = arith.addi %add3A_1277, %mul3A_1294 : vector<16xi32>
    %get3A_1296 = arith.constant 1104 : index
    %get3A_1297 = tpu.vector_load %arg5[%get3A_1296] {strides = array<i32>} : memref<2048xi32, #tpu.memory_space<vmem>>, vector<16xi32>,
    %ne3A_1298 = arith.constant 1 : i32
    %ne3A_1299 = vector.broadcast %ne3A_1298 : i32 to vector<16xi32>
    %ne3A_1300 = arith.cmpi ne, %get3A_1297, %ne3A_1299 : vector<16xi32>
    %jit3A_1301 = arith.constant 1 : i32
    %jit3A_1302 = arith.constant 0 : i32
    %broadcast_in_dim3A_1303 = vector.broadcast %jit3A_1301 : i32 to vector<16xi32>
    %broadcast_in_dim3A_1304 = vector.broadcast %jit3A_1302 : i32 to vector<16xi32>
    %select_n3A_1305 = arith.select %ne3A_1300, %broadcast_in_dim3A_1303, %broadcast_in_dim3A_1304 : vector<16xi1>, vector<16xi32>
    %gt3A_1306 = arith.constant 69 : i32
    %gt3A_1307 = arith.cmpi sgt, %mul3A_54, %gt3A_1306 : i32
    %jit3A_1308 = arith.constant 1 : i32
    %jit3A_1309 = arith.constant 0 : i32
    %select_n3A_1310 = arith.select %gt3A_1307, %jit3A_1308, %jit3A_1309 : i32
    %mul3A_1311 = vector.broadcast %select_n3A_1310 : i32 to vector<16xi32>
    %mul3A_1312 = arith.muli %select_n3A_1305, %mul3A_1311 : vector<16xi32>
    %add3A_1313 = arith.addi %add3A_1295, %mul3A_1312 : vector<16xi32>
    %get3A_1314 = arith.constant 1120 : index
    %get3A_1315 = tpu.vector_load %arg5[%get3A_1314] {strides = array<i32>} : memref<2048xi32, #tpu.memory_space<vmem>>, vector<16xi32>,
    %ne3A_1316 = arith.constant 1 : i32
    %ne3A_1317 = vector.broadcast %ne3A_1316 : i32 to vector<16xi32>
    %ne3A_1318 = arith.cmpi ne, %get3A_1315, %ne3A_1317 : vector<16xi32>
    %jit3A_1319 = arith.constant 1 : i32
    %jit3A_1320 = arith.constant 0 : i32
    %broadcast_in_dim3A_1321 = vector.broadcast %jit3A_1319 : i32 to vector<16xi32>
    %broadcast_in_dim3A_1322 = vector.broadcast %jit3A_1320 : i32 to vector<16xi32>
    %select_n3A_1323 = arith.select %ne3A_1318, %broadcast_in_dim3A_1321, %broadcast_in_dim3A_1322 : vector<16xi1>, vector<16xi32>
    %gt3A_1324 = arith.constant 70 : i32
    %gt3A_1325 = arith.cmpi sgt, %mul3A_54, %gt3A_1324 : i32
    %jit3A_1326 = arith.constant 1 : i32
    %jit3A_1327 = arith.constant 0 : i32
    %select_n3A_1328 = arith.select %gt3A_1325, %jit3A_1326, %jit3A_1327 : i32
    %mul3A_1329 = vector.broadcast %select_n3A_1328 : i32 to vector<16xi32>
    %mul3A_1330 = arith.muli %select_n3A_1323, %mul3A_1329 : vector<16xi32>
    %add3A_1331 = arith.addi %add3A_1313, %mul3A_1330 : vector<16xi32>
    %get3A_1332 = arith.constant 1136 : index
    %get3A_1333 = tpu.vector_load %arg5[%get3A_1332] {strides = array<i32>} : memref<2048xi32, #tpu.memory_space<vmem>>, vector<16xi32>,
    %ne3A_1334 = arith.constant 1 : i32
    %ne3A_1335 = vector.broadcast %ne3A_1334 : i32 to vector<16xi32>
    %ne3A_1336 = arith.cmpi ne, %get3A_1333, %ne3A_1335 : vector<16xi32>
    %jit3A_1337 = arith.constant 1 : i32
    %jit3A_1338 = arith.constant 0 : i32
    %broadcast_in_dim3A_1339 = vector.broadcast %jit3A_1337 : i32 to vector<16xi32>
    %broadcast_in_dim3A_1340 = vector.broadcast %jit3A_1338 : i32 to vector<16xi32>
    %select_n3A_1341 = arith.select %ne3A_1336, %broadcast_in_dim3A_1339, %broadcast_in_dim3A_1340 : vector<16xi1>, vector<16xi32>
    %gt3A_1342 = arith.constant 71 : i32
    %gt3A_1343 = arith.cmpi sgt, %mul3A_54, %gt3A_1342 : i32
    %jit3A_1344 = arith.constant 1 : i32
    %jit3A_1345 = arith.constant 0 : i32
    %select_n3A_1346 = arith.select %gt3A_1343, %jit3A_1344, %jit3A_1345 : i32
    %mul3A_1347 = vector.broadcast %select_n3A_1346 : i32 to vector<16xi32>
    %mul3A_1348 = arith.muli %select_n3A_1341, %mul3A_1347 : vector<16xi32>
    %add3A_1349 = arith.addi %add3A_1331, %mul3A_1348 : vector<16xi32>
    %get3A_1350 = arith.constant 1152 : index
    %get3A_1351 = tpu.vector_load %arg5[%get3A_1350] {strides = array<i32>} : memref<2048xi32, #tpu.memory_space<vmem>>, vector<16xi32>,
    %ne3A_1352 = arith.constant 1 : i32
    %ne3A_1353 = vector.broadcast %ne3A_1352 : i32 to vector<16xi32>
    %ne3A_1354 = arith.cmpi ne, %get3A_1351, %ne3A_1353 : vector<16xi32>
    %jit3A_1355 = arith.constant 1 : i32
    %jit3A_1356 = arith.constant 0 : i32
    %broadcast_in_dim3A_1357 = vector.broadcast %jit3A_1355 : i32 to vector<16xi32>
    %broadcast_in_dim3A_1358 = vector.broadcast %jit3A_1356 : i32 to vector<16xi32>
    %select_n3A_1359 = arith.select %ne3A_1354, %broadcast_in_dim3A_1357, %broadcast_in_dim3A_1358 : vector<16xi1>, vector<16xi32>
    %gt3A_1360 = arith.constant 72 : i32
    %gt3A_1361 = arith.cmpi sgt, %mul3A_54, %gt3A_1360 : i32
    %jit3A_1362 = arith.constant 1 : i32
    %jit3A_1363 = arith.constant 0 : i32
    %select_n3A_1364 = arith.select %gt3A_1361, %jit3A_1362, %jit3A_1363 : i32
    %mul3A_1365 = vector.broadcast %select_n3A_1364 : i32 to vector<16xi32>
    %mul3A_1366 = arith.muli %select_n3A_1359, %mul3A_1365 : vector<16xi32>
    %add3A_1367 = arith.addi %add3A_1349, %mul3A_1366 : vector<16xi32>
    %get3A_1368 = arith.constant 1168 : index
    %get3A_1369 = tpu.vector_load %arg5[%get3A_1368] {strides = array<i32>} : memref<2048xi32, #tpu.memory_space<vmem>>, vector<16xi32>,
    %ne3A_1370 = arith.constant 1 : i32
    %ne3A_1371 = vector.broadcast %ne3A_1370 : i32 to vector<16xi32>
    %ne3A_1372 = arith.cmpi ne, %get3A_1369, %ne3A_1371 : vector<16xi32>
    %jit3A_1373 = arith.constant 1 : i32
    %jit3A_1374 = arith.constant 0 : i32
    %broadcast_in_dim3A_1375 = vector.broadcast %jit3A_1373 : i32 to vector<16xi32>
    %broadcast_in_dim3A_1376 = vector.broadcast %jit3A_1374 : i32 to vector<16xi32>
    %select_n3A_1377 = arith.select %ne3A_1372, %broadcast_in_dim3A_1375, %broadcast_in_dim3A_1376 : vector<16xi1>, vector<16xi32>
    %gt3A_1378 = arith.constant 73 : i32
    %gt3A_1379 = arith.cmpi sgt, %mul3A_54, %gt3A_1378 : i32
    %jit3A_1380 = arith.constant 1 : i32
    %jit3A_1381 = arith.constant 0 : i32
    %select_n3A_1382 = arith.select %gt3A_1379, %jit3A_1380, %jit3A_1381 : i32
    %mul3A_1383 = vector.broadcast %select_n3A_1382 : i32 to vector<16xi32>
    %mul3A_1384 = arith.muli %select_n3A_1377, %mul3A_1383 : vector<16xi32>
    %add3A_1385 = arith.addi %add3A_1367, %mul3A_1384 : vector<16xi32>
    %get3A_1386 = arith.constant 1184 : index
    %get3A_1387 = tpu.vector_load %arg5[%get3A_1386] {strides = array<i32>} : memref<2048xi32, #tpu.memory_space<vmem>>, vector<16xi32>,
    %ne3A_1388 = arith.constant 1 : i32
    %ne3A_1389 = vector.broadcast %ne3A_1388 : i32 to vector<16xi32>
    %ne3A_1390 = arith.cmpi ne, %get3A_1387, %ne3A_1389 : vector<16xi32>
    %jit3A_1391 = arith.constant 1 : i32
    %jit3A_1392 = arith.constant 0 : i32
    %broadcast_in_dim3A_1393 = vector.broadcast %jit3A_1391 : i32 to vector<16xi32>
    %broadcast_in_dim3A_1394 = vector.broadcast %jit3A_1392 : i32 to vector<16xi32>
    %select_n3A_1395 = arith.select %ne3A_1390, %broadcast_in_dim3A_1393, %broadcast_in_dim3A_1394 : vector<16xi1>, vector<16xi32>
    %gt3A_1396 = arith.constant 74 : i32
    %gt3A_1397 = arith.cmpi sgt, %mul3A_54, %gt3A_1396 : i32
    %jit3A_1398 = arith.constant 1 : i32
    %jit3A_1399 = arith.constant 0 : i32
    %select_n3A_1400 = arith.select %gt3A_1397, %jit3A_1398, %jit3A_1399 : i32
    %mul3A_1401 = vector.broadcast %select_n3A_1400 : i32 to vector<16xi32>
    %mul3A_1402 = arith.muli %select_n3A_1395, %mul3A_1401 : vector<16xi32>
    %add3A_1403 = arith.addi %add3A_1385, %mul3A_1402 : vector<16xi32>
    %get3A_1404 = arith.constant 1200 : index
    %get3A_1405 = tpu.vector_load %arg5[%get3A_1404] {strides = array<i32>} : memref<2048xi32, #tpu.memory_space<vmem>>, vector<16xi32>,
    %ne3A_1406 = arith.constant 1 : i32
    %ne3A_1407 = vector.broadcast %ne3A_1406 : i32 to vector<16xi32>
    %ne3A_1408 = arith.cmpi ne, %get3A_1405, %ne3A_1407 : vector<16xi32>
    %jit3A_1409 = arith.constant 1 : i32
    %jit3A_1410 = arith.constant 0 : i32
    %broadcast_in_dim3A_1411 = vector.broadcast %jit3A_1409 : i32 to vector<16xi32>
    %broadcast_in_dim3A_1412 = vector.broadcast %jit3A_1410 : i32 to vector<16xi32>
    %select_n3A_1413 = arith.select %ne3A_1408, %broadcast_in_dim3A_1411, %broadcast_in_dim3A_1412 : vector<16xi1>, vector<16xi32>
    %gt3A_1414 = arith.constant 75 : i32
    %gt3A_1415 = arith.cmpi sgt, %mul3A_54, %gt3A_1414 : i32
    %jit3A_1416 = arith.constant 1 : i32
    %jit3A_1417 = arith.constant 0 : i32
    %select_n3A_1418 = arith.select %gt3A_1415, %jit3A_1416, %jit3A_1417 : i32
    %mul3A_1419 = vector.broadcast %select_n3A_1418 : i32 to vector<16xi32>
    %mul3A_1420 = arith.muli %select_n3A_1413, %mul3A_1419 : vector<16xi32>
    %add3A_1421 = arith.addi %add3A_1403, %mul3A_1420 : vector<16xi32>
    %get3A_1422 = arith.constant 1216 : index
    %get3A_1423 = tpu.vector_load %arg5[%get3A_1422] {strides = array<i32>} : memref<2048xi32, #tpu.memory_space<vmem>>, vector<16xi32>,
    %ne3A_1424 = arith.constant 1 : i32
    %ne3A_1425 = vector.broadcast %ne3A_1424 : i32 to vector<16xi32>
    %ne3A_1426 = arith.cmpi ne, %get3A_1423, %ne3A_1425 : vector<16xi32>
    %jit3A_1427 = arith.constant 1 : i32
    %jit3A_1428 = arith.constant 0 : i32
    %broadcast_in_dim3A_1429 = vector.broadcast %jit3A_1427 : i32 to vector<16xi32>
    %broadcast_in_dim3A_1430 = vector.broadcast %jit3A_1428 : i32 to vector<16xi32>
    %select_n3A_1431 = arith.select %ne3A_1426, %broadcast_in_dim3A_1429, %broadcast_in_dim3A_1430 : vector<16xi1>, vector<16xi32>
    %gt3A_1432 = arith.constant 76 : i32
    %gt3A_1433 = arith.cmpi sgt, %mul3A_54, %gt3A_1432 : i32
    %jit3A_1434 = arith.constant 1 : i32
    %jit3A_1435 = arith.constant 0 : i32
    %select_n3A_1436 = arith.select %gt3A_1433, %jit3A_1434, %jit3A_1435 : i32
    %mul3A_1437 = vector.broadcast %select_n3A_1436 : i32 to vector<16xi32>
    %mul3A_1438 = arith.muli %select_n3A_1431, %mul3A_1437 : vector<16xi32>
    %add3A_1439 = arith.addi %add3A_1421, %mul3A_1438 : vector<16xi32>
    %get3A_1440 = arith.constant 1232 : index
    %get3A_1441 = tpu.vector_load %arg5[%get3A_1440] {strides = array<i32>} : memref<2048xi32, #tpu.memory_space<vmem>>, vector<16xi32>,
    %ne3A_1442 = arith.constant 1 : i32
    %ne3A_1443 = vector.broadcast %ne3A_1442 : i32 to vector<16xi32>
    %ne3A_1444 = arith.cmpi ne, %get3A_1441, %ne3A_1443 : vector<16xi32>
    %jit3A_1445 = arith.constant 1 : i32
    %jit3A_1446 = arith.constant 0 : i32
    %broadcast_in_dim3A_1447 = vector.broadcast %jit3A_1445 : i32 to vector<16xi32>
    %broadcast_in_dim3A_1448 = vector.broadcast %jit3A_1446 : i32 to vector<16xi32>
    %select_n3A_1449 = arith.select %ne3A_1444, %broadcast_in_dim3A_1447, %broadcast_in_dim3A_1448 : vector<16xi1>, vector<16xi32>
    %gt3A_1450 = arith.constant 77 : i32
    %gt3A_1451 = arith.cmpi sgt, %mul3A_54, %gt3A_1450 : i32
    %jit3A_1452 = arith.constant 1 : i32
    %jit3A_1453 = arith.constant 0 : i32
    %select_n3A_1454 = arith.select %gt3A_1451, %jit3A_1452, %jit3A_1453 : i32
    %mul3A_1455 = vector.broadcast %select_n3A_1454 : i32 to vector<16xi32>
    %mul3A_1456 = arith.muli %select_n3A_1449, %mul3A_1455 : vector<16xi32>
    %add3A_1457 = arith.addi %add3A_1439, %mul3A_1456 : vector<16xi32>
    %get3A_1458 = arith.constant 1248 : index
    %get3A_1459 = tpu.vector_load %arg5[%get3A_1458] {strides = array<i32>} : memref<2048xi32, #tpu.memory_space<vmem>>, vector<16xi32>,
    %ne3A_1460 = arith.constant 1 : i32
    %ne3A_1461 = vector.broadcast %ne3A_1460 : i32 to vector<16xi32>
    %ne3A_1462 = arith.cmpi ne, %get3A_1459, %ne3A_1461 : vector<16xi32>
    %jit3A_1463 = arith.constant 1 : i32
    %jit3A_1464 = arith.constant 0 : i32
    %broadcast_in_dim3A_1465 = vector.broadcast %jit3A_1463 : i32 to vector<16xi32>
    %broadcast_in_dim3A_1466 = vector.broadcast %jit3A_1464 : i32 to vector<16xi32>
    %select_n3A_1467 = arith.select %ne3A_1462, %broadcast_in_dim3A_1465, %broadcast_in_dim3A_1466 : vector<16xi1>, vector<16xi32>
    %gt3A_1468 = arith.constant 78 : i32
    %gt3A_1469 = arith.cmpi sgt, %mul3A_54, %gt3A_1468 : i32
    %jit3A_1470 = arith.constant 1 : i32
    %jit3A_1471 = arith.constant 0 : i32
    %select_n3A_1472 = arith.select %gt3A_1469, %jit3A_1470, %jit3A_1471 : i32
    %mul3A_1473 = vector.broadcast %select_n3A_1472 : i32 to vector<16xi32>
    %mul3A_1474 = arith.muli %select_n3A_1467, %mul3A_1473 : vector<16xi32>
    %add3A_1475 = arith.addi %add3A_1457, %mul3A_1474 : vector<16xi32>
    %get3A_1476 = arith.constant 1264 : index
    %get3A_1477 = tpu.vector_load %arg5[%get3A_1476] {strides = array<i32>} : memref<2048xi32, #tpu.memory_space<vmem>>, vector<16xi32>,
    %ne3A_1478 = arith.constant 1 : i32
    %ne3A_1479 = vector.broadcast %ne3A_1478 : i32 to vector<16xi32>
    %ne3A_1480 = arith.cmpi ne, %get3A_1477, %ne3A_1479 : vector<16xi32>
    %jit3A_1481 = arith.constant 1 : i32
    %jit3A_1482 = arith.constant 0 : i32
    %broadcast_in_dim3A_1483 = vector.broadcast %jit3A_1481 : i32 to vector<16xi32>
    %broadcast_in_dim3A_1484 = vector.broadcast %jit3A_1482 : i32 to vector<16xi32>
    %select_n3A_1485 = arith.select %ne3A_1480, %broadcast_in_dim3A_1483, %broadcast_in_dim3A_1484 : vector<16xi1>, vector<16xi32>
    %gt3A_1486 = arith.constant 79 : i32
    %gt3A_1487 = arith.cmpi sgt, %mul3A_54, %gt3A_1486 : i32
    %jit3A_1488 = arith.constant 1 : i32
    %jit3A_1489 = arith.constant 0 : i32
    %select_n3A_1490 = arith.select %gt3A_1487, %jit3A_1488, %jit3A_1489 : i32
    %mul3A_1491 = vector.broadcast %select_n3A_1490 : i32 to vector<16xi32>
    %mul3A_1492 = arith.muli %select_n3A_1485, %mul3A_1491 : vector<16xi32>
    %add3A_1493 = arith.addi %add3A_1475, %mul3A_1492 : vector<16xi32>
    %get3A_1494 = arith.constant 1280 : index
    %get3A_1495 = tpu.vector_load %arg5[%get3A_1494] {strides = array<i32>} : memref<2048xi32, #tpu.memory_space<vmem>>, vector<16xi32>,
    %ne3A_1496 = arith.constant 1 : i32
    %ne3A_1497 = vector.broadcast %ne3A_1496 : i32 to vector<16xi32>
    %ne3A_1498 = arith.cmpi ne, %get3A_1495, %ne3A_1497 : vector<16xi32>
    %jit3A_1499 = arith.constant 1 : i32
    %jit3A_1500 = arith.constant 0 : i32
    %broadcast_in_dim3A_1501 = vector.broadcast %jit3A_1499 : i32 to vector<16xi32>
    %broadcast_in_dim3A_1502 = vector.broadcast %jit3A_1500 : i32 to vector<16xi32>
    %select_n3A_1503 = arith.select %ne3A_1498, %broadcast_in_dim3A_1501, %broadcast_in_dim3A_1502 : vector<16xi1>, vector<16xi32>
    %gt3A_1504 = arith.constant 80 : i32
    %gt3A_1505 = arith.cmpi sgt, %mul3A_54, %gt3A_1504 : i32
    %jit3A_1506 = arith.constant 1 : i32
    %jit3A_1507 = arith.constant 0 : i32
    %select_n3A_1508 = arith.select %gt3A_1505, %jit3A_1506, %jit3A_1507 : i32
    %mul3A_1509 = vector.broadcast %select_n3A_1508 : i32 to vector<16xi32>
    %mul3A_1510 = arith.muli %select_n3A_1503, %mul3A_1509 : vector<16xi32>
    %add3A_1511 = arith.addi %add3A_1493, %mul3A_1510 : vector<16xi32>
    %get3A_1512 = arith.constant 1296 : index
    %get3A_1513 = tpu.vector_load %arg5[%get3A_1512] {strides = array<i32>} : memref<2048xi32, #tpu.memory_space<vmem>>, vector<16xi32>,
    %ne3A_1514 = arith.constant 1 : i32
    %ne3A_1515 = vector.broadcast %ne3A_1514 : i32 to vector<16xi32>
    %ne3A_1516 = arith.cmpi ne, %get3A_1513, %ne3A_1515 : vector<16xi32>
    %jit3A_1517 = arith.constant 1 : i32
    %jit3A_1518 = arith.constant 0 : i32
    %broadcast_in_dim3A_1519 = vector.broadcast %jit3A_1517 : i32 to vector<16xi32>
    %broadcast_in_dim3A_1520 = vector.broadcast %jit3A_1518 : i32 to vector<16xi32>
    %select_n3A_1521 = arith.select %ne3A_1516, %broadcast_in_dim3A_1519, %broadcast_in_dim3A_1520 : vector<16xi1>, vector<16xi32>
    %gt3A_1522 = arith.constant 81 : i32
    %gt3A_1523 = arith.cmpi sgt, %mul3A_54, %gt3A_1522 : i32
    %jit3A_1524 = arith.constant 1 : i32
    %jit3A_1525 = arith.constant 0 : i32
    %select_n3A_1526 = arith.select %gt3A_1523, %jit3A_1524, %jit3A_1525 : i32
    %mul3A_1527 = vector.broadcast %select_n3A_1526 : i32 to vector<16xi32>
    %mul3A_1528 = arith.muli %select_n3A_1521, %mul3A_1527 : vector<16xi32>
    %add3A_1529 = arith.addi %add3A_1511, %mul3A_1528 : vector<16xi32>
    %get3A_1530 = arith.constant 1312 : index
    %get3A_1531 = tpu.vector_load %arg5[%get3A_1530] {strides = array<i32>} : memref<2048xi32, #tpu.memory_space<vmem>>, vector<16xi32>,
    %ne3A_1532 = arith.constant 1 : i32
    %ne3A_1533 = vector.broadcast %ne3A_1532 : i32 to vector<16xi32>
    %ne3A_1534 = arith.cmpi ne, %get3A_1531, %ne3A_1533 : vector<16xi32>
    %jit3A_1535 = arith.constant 1 : i32
    %jit3A_1536 = arith.constant 0 : i32
    %broadcast_in_dim3A_1537 = vector.broadcast %jit3A_1535 : i32 to vector<16xi32>
    %broadcast_in_dim3A_1538 = vector.broadcast %jit3A_1536 : i32 to vector<16xi32>
    %select_n3A_1539 = arith.select %ne3A_1534, %broadcast_in_dim3A_1537, %broadcast_in_dim3A_1538 : vector<16xi1>, vector<16xi32>
    %gt3A_1540 = arith.constant 82 : i32
    %gt3A_1541 = arith.cmpi sgt, %mul3A_54, %gt3A_1540 : i32
    %jit3A_1542 = arith.constant 1 : i32
    %jit3A_1543 = arith.constant 0 : i32
    %select_n3A_1544 = arith.select %gt3A_1541, %jit3A_1542, %jit3A_1543 : i32
    %mul3A_1545 = vector.broadcast %select_n3A_1544 : i32 to vector<16xi32>
    %mul3A_1546 = arith.muli %select_n3A_1539, %mul3A_1545 : vector<16xi32>
    %add3A_1547 = arith.addi %add3A_1529, %mul3A_1546 : vector<16xi32>
    %get3A_1548 = arith.constant 1328 : index
    %get3A_1549 = tpu.vector_load %arg5[%get3A_1548] {strides = array<i32>} : memref<2048xi32, #tpu.memory_space<vmem>>, vector<16xi32>,
    %ne3A_1550 = arith.constant 1 : i32
    %ne3A_1551 = vector.broadcast %ne3A_1550 : i32 to vector<16xi32>
    %ne3A_1552 = arith.cmpi ne, %get3A_1549, %ne3A_1551 : vector<16xi32>
    %jit3A_1553 = arith.constant 1 : i32
    %jit3A_1554 = arith.constant 0 : i32
    %broadcast_in_dim3A_1555 = vector.broadcast %jit3A_1553 : i32 to vector<16xi32>
    %broadcast_in_dim3A_1556 = vector.broadcast %jit3A_1554 : i32 to vector<16xi32>
    %select_n3A_1557 = arith.select %ne3A_1552, %broadcast_in_dim3A_1555, %broadcast_in_dim3A_1556 : vector<16xi1>, vector<16xi32>
    %gt3A_1558 = arith.constant 83 : i32
    %gt3A_1559 = arith.cmpi sgt, %mul3A_54, %gt3A_1558 : i32
    %jit3A_1560 = arith.constant 1 : i32
    %jit3A_1561 = arith.constant 0 : i32
    %select_n3A_1562 = arith.select %gt3A_1559, %jit3A_1560, %jit3A_1561 : i32
    %mul3A_1563 = vector.broadcast %select_n3A_1562 : i32 to vector<16xi32>
    %mul3A_1564 = arith.muli %select_n3A_1557, %mul3A_1563 : vector<16xi32>
    %add3A_1565 = arith.addi %add3A_1547, %mul3A_1564 : vector<16xi32>
    %get3A_1566 = arith.constant 1344 : index
    %get3A_1567 = tpu.vector_load %arg5[%get3A_1566] {strides = array<i32>} : memref<2048xi32, #tpu.memory_space<vmem>>, vector<16xi32>,
    %ne3A_1568 = arith.constant 1 : i32
    %ne3A_1569 = vector.broadcast %ne3A_1568 : i32 to vector<16xi32>
    %ne3A_1570 = arith.cmpi ne, %get3A_1567, %ne3A_1569 : vector<16xi32>
    %jit3A_1571 = arith.constant 1 : i32
    %jit3A_1572 = arith.constant 0 : i32
    %broadcast_in_dim3A_1573 = vector.broadcast %jit3A_1571 : i32 to vector<16xi32>
    %broadcast_in_dim3A_1574 = vector.broadcast %jit3A_1572 : i32 to vector<16xi32>
    %select_n3A_1575 = arith.select %ne3A_1570, %broadcast_in_dim3A_1573, %broadcast_in_dim3A_1574 : vector<16xi1>, vector<16xi32>
    %gt3A_1576 = arith.constant 84 : i32
    %gt3A_1577 = arith.cmpi sgt, %mul3A_54, %gt3A_1576 : i32
    %jit3A_1578 = arith.constant 1 : i32
    %jit3A_1579 = arith.constant 0 : i32
    %select_n3A_1580 = arith.select %gt3A_1577, %jit3A_1578, %jit3A_1579 : i32
    %mul3A_1581 = vector.broadcast %select_n3A_1580 : i32 to vector<16xi32>
    %mul3A_1582 = arith.muli %select_n3A_1575, %mul3A_1581 : vector<16xi32>
    %add3A_1583 = arith.addi %add3A_1565, %mul3A_1582 : vector<16xi32>
    %get3A_1584 = arith.constant 1360 : index
    %get3A_1585 = tpu.vector_load %arg5[%get3A_1584] {strides = array<i32>} : memref<2048xi32, #tpu.memory_space<vmem>>, vector<16xi32>,
    %ne3A_1586 = arith.constant 1 : i32
    %ne3A_1587 = vector.broadcast %ne3A_1586 : i32 to vector<16xi32>
    %ne3A_1588 = arith.cmpi ne, %get3A_1585, %ne3A_1587 : vector<16xi32>
    %jit3A_1589 = arith.constant 1 : i32
    %jit3A_1590 = arith.constant 0 : i32
    %broadcast_in_dim3A_1591 = vector.broadcast %jit3A_1589 : i32 to vector<16xi32>
    %broadcast_in_dim3A_1592 = vector.broadcast %jit3A_1590 : i32 to vector<16xi32>
    %select_n3A_1593 = arith.select %ne3A_1588, %broadcast_in_dim3A_1591, %broadcast_in_dim3A_1592 : vector<16xi1>, vector<16xi32>
    %gt3A_1594 = arith.constant 85 : i32
    %gt3A_1595 = arith.cmpi sgt, %mul3A_54, %gt3A_1594 : i32
    %jit3A_1596 = arith.constant 1 : i32
    %jit3A_1597 = arith.constant 0 : i32
    %select_n3A_1598 = arith.select %gt3A_1595, %jit3A_1596, %jit3A_1597 : i32
    %mul3A_1599 = vector.broadcast %select_n3A_1598 : i32 to vector<16xi32>
    %mul3A_1600 = arith.muli %select_n3A_1593, %mul3A_1599 : vector<16xi32>
    %add3A_1601 = arith.addi %add3A_1583, %mul3A_1600 : vector<16xi32>
    %get3A_1602 = arith.constant 1376 : index
    %get3A_1603 = tpu.vector_load %arg5[%get3A_1602] {strides = array<i32>} : memref<2048xi32, #tpu.memory_space<vmem>>, vector<16xi32>,
    %ne3A_1604 = arith.constant 1 : i32
    %ne3A_1605 = vector.broadcast %ne3A_1604 : i32 to vector<16xi32>
    %ne3A_1606 = arith.cmpi ne, %get3A_1603, %ne3A_1605 : vector<16xi32>
    %jit3A_1607 = arith.constant 1 : i32
    %jit3A_1608 = arith.constant 0 : i32
    %broadcast_in_dim3A_1609 = vector.broadcast %jit3A_1607 : i32 to vector<16xi32>
    %broadcast_in_dim3A_1610 = vector.broadcast %jit3A_1608 : i32 to vector<16xi32>
    %select_n3A_1611 = arith.select %ne3A_1606, %broadcast_in_dim3A_1609, %broadcast_in_dim3A_1610 : vector<16xi1>, vector<16xi32>
    %gt3A_1612 = arith.constant 86 : i32
    %gt3A_1613 = arith.cmpi sgt, %mul3A_54, %gt3A_1612 : i32
    %jit3A_1614 = arith.constant 1 : i32
    %jit3A_1615 = arith.constant 0 : i32
    %select_n3A_1616 = arith.select %gt3A_1613, %jit3A_1614, %jit3A_1615 : i32
    %mul3A_1617 = vector.broadcast %select_n3A_1616 : i32 to vector<16xi32>
    %mul3A_1618 = arith.muli %select_n3A_1611, %mul3A_1617 : vector<16xi32>
    %add3A_1619 = arith.addi %add3A_1601, %mul3A_1618 : vector<16xi32>
    %get3A_1620 = arith.constant 1392 : index
    %get3A_1621 = tpu.vector_load %arg5[%get3A_1620] {strides = array<i32>} : memref<2048xi32, #tpu.memory_space<vmem>>, vector<16xi32>,
    %ne3A_1622 = arith.constant 1 : i32
    %ne3A_1623 = vector.broadcast %ne3A_1622 : i32 to vector<16xi32>
    %ne3A_1624 = arith.cmpi ne, %get3A_1621, %ne3A_1623 : vector<16xi32>
    %jit3A_1625 = arith.constant 1 : i32
    %jit3A_1626 = arith.constant 0 : i32
    %broadcast_in_dim3A_1627 = vector.broadcast %jit3A_1625 : i32 to vector<16xi32>
    %broadcast_in_dim3A_1628 = vector.broadcast %jit3A_1626 : i32 to vector<16xi32>
    %select_n3A_1629 = arith.select %ne3A_1624, %broadcast_in_dim3A_1627, %broadcast_in_dim3A_1628 : vector<16xi1>, vector<16xi32>
    %gt3A_1630 = arith.constant 87 : i32
    %gt3A_1631 = arith.cmpi sgt, %mul3A_54, %gt3A_1630 : i32
    %jit3A_1632 = arith.constant 1 : i32
    %jit3A_1633 = arith.constant 0 : i32
    %select_n3A_1634 = arith.select %gt3A_1631, %jit3A_1632, %jit3A_1633 : i32
    %mul3A_1635 = vector.broadcast %select_n3A_1634 : i32 to vector<16xi32>
    %mul3A_1636 = arith.muli %select_n3A_1629, %mul3A_1635 : vector<16xi32>
    %add3A_1637 = arith.addi %add3A_1619, %mul3A_1636 : vector<16xi32>
    %get3A_1638 = arith.constant 1408 : index
    %get3A_1639 = tpu.vector_load %arg5[%get3A_1638] {strides = array<i32>} : memref<2048xi32, #tpu.memory_space<vmem>>, vector<16xi32>,
    %ne3A_1640 = arith.constant 1 : i32
    %ne3A_1641 = vector.broadcast %ne3A_1640 : i32 to vector<16xi32>
    %ne3A_1642 = arith.cmpi ne, %get3A_1639, %ne3A_1641 : vector<16xi32>
    %jit3A_1643 = arith.constant 1 : i32
    %jit3A_1644 = arith.constant 0 : i32
    %broadcast_in_dim3A_1645 = vector.broadcast %jit3A_1643 : i32 to vector<16xi32>
    %broadcast_in_dim3A_1646 = vector.broadcast %jit3A_1644 : i32 to vector<16xi32>
    %select_n3A_1647 = arith.select %ne3A_1642, %broadcast_in_dim3A_1645, %broadcast_in_dim3A_1646 : vector<16xi1>, vector<16xi32>
    %gt3A_1648 = arith.constant 88 : i32
    %gt3A_1649 = arith.cmpi sgt, %mul3A_54, %gt3A_1648 : i32
    %jit3A_1650 = arith.constant 1 : i32
    %jit3A_1651 = arith.constant 0 : i32
    %select_n3A_1652 = arith.select %gt3A_1649, %jit3A_1650, %jit3A_1651 : i32
    %mul3A_1653 = vector.broadcast %select_n3A_1652 : i32 to vector<16xi32>
    %mul3A_1654 = arith.muli %select_n3A_1647, %mul3A_1653 : vector<16xi32>
    %add3A_1655 = arith.addi %add3A_1637, %mul3A_1654 : vector<16xi32>
    %get3A_1656 = arith.constant 1424 : index
    %get3A_1657 = tpu.vector_load %arg5[%get3A_1656] {strides = array<i32>} : memref<2048xi32, #tpu.memory_space<vmem>>, vector<16xi32>,
    %ne3A_1658 = arith.constant 1 : i32
    %ne3A_1659 = vector.broadcast %ne3A_1658 : i32 to vector<16xi32>
    %ne3A_1660 = arith.cmpi ne, %get3A_1657, %ne3A_1659 : vector<16xi32>
    %jit3A_1661 = arith.constant 1 : i32
    %jit3A_1662 = arith.constant 0 : i32
    %broadcast_in_dim3A_1663 = vector.broadcast %jit3A_1661 : i32 to vector<16xi32>
    %broadcast_in_dim3A_1664 = vector.broadcast %jit3A_1662 : i32 to vector<16xi32>
    %select_n3A_1665 = arith.select %ne3A_1660, %broadcast_in_dim3A_1663, %broadcast_in_dim3A_1664 : vector<16xi1>, vector<16xi32>
    %gt3A_1666 = arith.constant 89 : i32
    %gt3A_1667 = arith.cmpi sgt, %mul3A_54, %gt3A_1666 : i32
    %jit3A_1668 = arith.constant 1 : i32
    %jit3A_1669 = arith.constant 0 : i32
    %select_n3A_1670 = arith.select %gt3A_1667, %jit3A_1668, %jit3A_1669 : i32
    %mul3A_1671 = vector.broadcast %select_n3A_1670 : i32 to vector<16xi32>
    %mul3A_1672 = arith.muli %select_n3A_1665, %mul3A_1671 : vector<16xi32>
    %add3A_1673 = arith.addi %add3A_1655, %mul3A_1672 : vector<16xi32>
    %get3A_1674 = arith.constant 1440 : index
    %get3A_1675 = tpu.vector_load %arg5[%get3A_1674] {strides = array<i32>} : memref<2048xi32, #tpu.memory_space<vmem>>, vector<16xi32>,
    %ne3A_1676 = arith.constant 1 : i32
    %ne3A_1677 = vector.broadcast %ne3A_1676 : i32 to vector<16xi32>
    %ne3A_1678 = arith.cmpi ne, %get3A_1675, %ne3A_1677 : vector<16xi32>
    %jit3A_1679 = arith.constant 1 : i32
    %jit3A_1680 = arith.constant 0 : i32
    %broadcast_in_dim3A_1681 = vector.broadcast %jit3A_1679 : i32 to vector<16xi32>
    %broadcast_in_dim3A_1682 = vector.broadcast %jit3A_1680 : i32 to vector<16xi32>
    %select_n3A_1683 = arith.select %ne3A_1678, %broadcast_in_dim3A_1681, %broadcast_in_dim3A_1682 : vector<16xi1>, vector<16xi32>
    %gt3A_1684 = arith.constant 90 : i32
    %gt3A_1685 = arith.cmpi sgt, %mul3A_54, %gt3A_1684 : i32
    %jit3A_1686 = arith.constant 1 : i32
    %jit3A_1687 = arith.constant 0 : i32
    %select_n3A_1688 = arith.select %gt3A_1685, %jit3A_1686, %jit3A_1687 : i32
    %mul3A_1689 = vector.broadcast %select_n3A_1688 : i32 to vector<16xi32>
    %mul3A_1690 = arith.muli %select_n3A_1683, %mul3A_1689 : vector<16xi32>
    %add3A_1691 = arith.addi %add3A_1673, %mul3A_1690 : vector<16xi32>
    %get3A_1692 = arith.constant 1456 : index
    %get3A_1693 = tpu.vector_load %arg5[%get3A_1692] {strides = array<i32>} : memref<2048xi32, #tpu.memory_space<vmem>>, vector<16xi32>,
    %ne3A_1694 = arith.constant 1 : i32
    %ne3A_1695 = vector.broadcast %ne3A_1694 : i32 to vector<16xi32>
    %ne3A_1696 = arith.cmpi ne, %get3A_1693, %ne3A_1695 : vector<16xi32>
    %jit3A_1697 = arith.constant 1 : i32
    %jit3A_1698 = arith.constant 0 : i32
    %broadcast_in_dim3A_1699 = vector.broadcast %jit3A_1697 : i32 to vector<16xi32>
    %broadcast_in_dim3A_1700 = vector.broadcast %jit3A_1698 : i32 to vector<16xi32>
    %select_n3A_1701 = arith.select %ne3A_1696, %broadcast_in_dim3A_1699, %broadcast_in_dim3A_1700 : vector<16xi1>, vector<16xi32>
    %gt3A_1702 = arith.constant 91 : i32
    %gt3A_1703 = arith.cmpi sgt, %mul3A_54, %gt3A_1702 : i32
    %jit3A_1704 = arith.constant 1 : i32
    %jit3A_1705 = arith.constant 0 : i32
    %select_n3A_1706 = arith.select %gt3A_1703, %jit3A_1704, %jit3A_1705 : i32
    %mul3A_1707 = vector.broadcast %select_n3A_1706 : i32 to vector<16xi32>
    %mul3A_1708 = arith.muli %select_n3A_1701, %mul3A_1707 : vector<16xi32>
    %add3A_1709 = arith.addi %add3A_1691, %mul3A_1708 : vector<16xi32>
    %get3A_1710 = arith.constant 1472 : index
    %get3A_1711 = tpu.vector_load %arg5[%get3A_1710] {strides = array<i32>} : memref<2048xi32, #tpu.memory_space<vmem>>, vector<16xi32>,
    %ne3A_1712 = arith.constant 1 : i32
    %ne3A_1713 = vector.broadcast %ne3A_1712 : i32 to vector<16xi32>
    %ne3A_1714 = arith.cmpi ne, %get3A_1711, %ne3A_1713 : vector<16xi32>
    %jit3A_1715 = arith.constant 1 : i32
    %jit3A_1716 = arith.constant 0 : i32
    %broadcast_in_dim3A_1717 = vector.broadcast %jit3A_1715 : i32 to vector<16xi32>
    %broadcast_in_dim3A_1718 = vector.broadcast %jit3A_1716 : i32 to vector<16xi32>
    %select_n3A_1719 = arith.select %ne3A_1714, %broadcast_in_dim3A_1717, %broadcast_in_dim3A_1718 : vector<16xi1>, vector<16xi32>
    %gt3A_1720 = arith.constant 92 : i32
    %gt3A_1721 = arith.cmpi sgt, %mul3A_54, %gt3A_1720 : i32
    %jit3A_1722 = arith.constant 1 : i32
    %jit3A_1723 = arith.constant 0 : i32
    %select_n3A_1724 = arith.select %gt3A_1721, %jit3A_1722, %jit3A_1723 : i32
    %mul3A_1725 = vector.broadcast %select_n3A_1724 : i32 to vector<16xi32>
    %mul3A_1726 = arith.muli %select_n3A_1719, %mul3A_1725 : vector<16xi32>
    %add3A_1727 = arith.addi %add3A_1709, %mul3A_1726 : vector<16xi32>
    %get3A_1728 = arith.constant 1488 : index
    %get3A_1729 = tpu.vector_load %arg5[%get3A_1728] {strides = array<i32>} : memref<2048xi32, #tpu.memory_space<vmem>>, vector<16xi32>,
    %ne3A_1730 = arith.constant 1 : i32
    %ne3A_1731 = vector.broadcast %ne3A_1730 : i32 to vector<16xi32>
    %ne3A_1732 = arith.cmpi ne, %get3A_1729, %ne3A_1731 : vector<16xi32>
    %jit3A_1733 = arith.constant 1 : i32
    %jit3A_1734 = arith.constant 0 : i32
    %broadcast_in_dim3A_1735 = vector.broadcast %jit3A_1733 : i32 to vector<16xi32>
    %broadcast_in_dim3A_1736 = vector.broadcast %jit3A_1734 : i32 to vector<16xi32>
    %select_n3A_1737 = arith.select %ne3A_1732, %broadcast_in_dim3A_1735, %broadcast_in_dim3A_1736 : vector<16xi1>, vector<16xi32>
    %gt3A_1738 = arith.constant 93 : i32
    %gt3A_1739 = arith.cmpi sgt, %mul3A_54, %gt3A_1738 : i32
    %jit3A_1740 = arith.constant 1 : i32
    %jit3A_1741 = arith.constant 0 : i32
    %select_n3A_1742 = arith.select %gt3A_1739, %jit3A_1740, %jit3A_1741 : i32
    %mul3A_1743 = vector.broadcast %select_n3A_1742 : i32 to vector<16xi32>
    %mul3A_1744 = arith.muli %select_n3A_1737, %mul3A_1743 : vector<16xi32>
    %add3A_1745 = arith.addi %add3A_1727, %mul3A_1744 : vector<16xi32>
    %get3A_1746 = arith.constant 1504 : index
    %get3A_1747 = tpu.vector_load %arg5[%get3A_1746] {strides = array<i32>} : memref<2048xi32, #tpu.memory_space<vmem>>, vector<16xi32>,
    %ne3A_1748 = arith.constant 1 : i32
    %ne3A_1749 = vector.broadcast %ne3A_1748 : i32 to vector<16xi32>
    %ne3A_1750 = arith.cmpi ne, %get3A_1747, %ne3A_1749 : vector<16xi32>
    %jit3A_1751 = arith.constant 1 : i32
    %jit3A_1752 = arith.constant 0 : i32
    %broadcast_in_dim3A_1753 = vector.broadcast %jit3A_1751 : i32 to vector<16xi32>
    %broadcast_in_dim3A_1754 = vector.broadcast %jit3A_1752 : i32 to vector<16xi32>
    %select_n3A_1755 = arith.select %ne3A_1750, %broadcast_in_dim3A_1753, %broadcast_in_dim3A_1754 : vector<16xi1>, vector<16xi32>
    %gt3A_1756 = arith.constant 94 : i32
    %gt3A_1757 = arith.cmpi sgt, %mul3A_54, %gt3A_1756 : i32
    %jit3A_1758 = arith.constant 1 : i32
    %jit3A_1759 = arith.constant 0 : i32
    %select_n3A_1760 = arith.select %gt3A_1757, %jit3A_1758, %jit3A_1759 : i32
    %mul3A_1761 = vector.broadcast %select_n3A_1760 : i32 to vector<16xi32>
    %mul3A_1762 = arith.muli %select_n3A_1755, %mul3A_1761 : vector<16xi32>
    %add3A_1763 = arith.addi %add3A_1745, %mul3A_1762 : vector<16xi32>
    %get3A_1764 = arith.constant 1520 : index
    %get3A_1765 = tpu.vector_load %arg5[%get3A_1764] {strides = array<i32>} : memref<2048xi32, #tpu.memory_space<vmem>>, vector<16xi32>,
    %ne3A_1766 = arith.constant 1 : i32
    %ne3A_1767 = vector.broadcast %ne3A_1766 : i32 to vector<16xi32>
    %ne3A_1768 = arith.cmpi ne, %get3A_1765, %ne3A_1767 : vector<16xi32>
    %jit3A_1769 = arith.constant 1 : i32
    %jit3A_1770 = arith.constant 0 : i32
    %broadcast_in_dim3A_1771 = vector.broadcast %jit3A_1769 : i32 to vector<16xi32>
    %broadcast_in_dim3A_1772 = vector.broadcast %jit3A_1770 : i32 to vector<16xi32>
    %select_n3A_1773 = arith.select %ne3A_1768, %broadcast_in_dim3A_1771, %broadcast_in_dim3A_1772 : vector<16xi1>, vector<16xi32>
    %gt3A_1774 = arith.constant 95 : i32
    %gt3A_1775 = arith.cmpi sgt, %mul3A_54, %gt3A_1774 : i32
    %jit3A_1776 = arith.constant 1 : i32
    %jit3A_1777 = arith.constant 0 : i32
    %select_n3A_1778 = arith.select %gt3A_1775, %jit3A_1776, %jit3A_1777 : i32
    %mul3A_1779 = vector.broadcast %select_n3A_1778 : i32 to vector<16xi32>
    %mul3A_1780 = arith.muli %select_n3A_1773, %mul3A_1779 : vector<16xi32>
    %add3A_1781 = arith.addi %add3A_1763, %mul3A_1780 : vector<16xi32>
    %get3A_1782 = arith.constant 1536 : index
    %get3A_1783 = tpu.vector_load %arg5[%get3A_1782] {strides = array<i32>} : memref<2048xi32, #tpu.memory_space<vmem>>, vector<16xi32>,
    %ne3A_1784 = arith.constant 1 : i32
    %ne3A_1785 = vector.broadcast %ne3A_1784 : i32 to vector<16xi32>
    %ne3A_1786 = arith.cmpi ne, %get3A_1783, %ne3A_1785 : vector<16xi32>
    %jit3A_1787 = arith.constant 1 : i32
    %jit3A_1788 = arith.constant 0 : i32
    %broadcast_in_dim3A_1789 = vector.broadcast %jit3A_1787 : i32 to vector<16xi32>
    %broadcast_in_dim3A_1790 = vector.broadcast %jit3A_1788 : i32 to vector<16xi32>
    %select_n3A_1791 = arith.select %ne3A_1786, %broadcast_in_dim3A_1789, %broadcast_in_dim3A_1790 : vector<16xi1>, vector<16xi32>
    %gt3A_1792 = arith.constant 96 : i32
    %gt3A_1793 = arith.cmpi sgt, %mul3A_54, %gt3A_1792 : i32
    %jit3A_1794 = arith.constant 1 : i32
    %jit3A_1795 = arith.constant 0 : i32
    %select_n3A_1796 = arith.select %gt3A_1793, %jit3A_1794, %jit3A_1795 : i32
    %mul3A_1797 = vector.broadcast %select_n3A_1796 : i32 to vector<16xi32>
    %mul3A_1798 = arith.muli %select_n3A_1791, %mul3A_1797 : vector<16xi32>
    %add3A_1799 = arith.addi %add3A_1781, %mul3A_1798 : vector<16xi32>
    %get3A_1800 = arith.constant 1552 : index
    %get3A_1801 = tpu.vector_load %arg5[%get3A_1800] {strides = array<i32>} : memref<2048xi32, #tpu.memory_space<vmem>>, vector<16xi32>,
    %ne3A_1802 = arith.constant 1 : i32
    %ne3A_1803 = vector.broadcast %ne3A_1802 : i32 to vector<16xi32>
    %ne3A_1804 = arith.cmpi ne, %get3A_1801, %ne3A_1803 : vector<16xi32>
    %jit3A_1805 = arith.constant 1 : i32
    %jit3A_1806 = arith.constant 0 : i32
    %broadcast_in_dim3A_1807 = vector.broadcast %jit3A_1805 : i32 to vector<16xi32>
    %broadcast_in_dim3A_1808 = vector.broadcast %jit3A_1806 : i32 to vector<16xi32>
    %select_n3A_1809 = arith.select %ne3A_1804, %broadcast_in_dim3A_1807, %broadcast_in_dim3A_1808 : vector<16xi1>, vector<16xi32>
    %gt3A_1810 = arith.constant 97 : i32
    %gt3A_1811 = arith.cmpi sgt, %mul3A_54, %gt3A_1810 : i32
    %jit3A_1812 = arith.constant 1 : i32
    %jit3A_1813 = arith.constant 0 : i32
    %select_n3A_1814 = arith.select %gt3A_1811, %jit3A_1812, %jit3A_1813 : i32
    %mul3A_1815 = vector.broadcast %select_n3A_1814 : i32 to vector<16xi32>
    %mul3A_1816 = arith.muli %select_n3A_1809, %mul3A_1815 : vector<16xi32>
    %add3A_1817 = arith.addi %add3A_1799, %mul3A_1816 : vector<16xi32>
    %get3A_1818 = arith.constant 1568 : index
    %get3A_1819 = tpu.vector_load %arg5[%get3A_1818] {strides = array<i32>} : memref<2048xi32, #tpu.memory_space<vmem>>, vector<16xi32>,
    %ne3A_1820 = arith.constant 1 : i32
    %ne3A_1821 = vector.broadcast %ne3A_1820 : i32 to vector<16xi32>
    %ne3A_1822 = arith.cmpi ne, %get3A_1819, %ne3A_1821 : vector<16xi32>
    %jit3A_1823 = arith.constant 1 : i32
    %jit3A_1824 = arith.constant 0 : i32
    %broadcast_in_dim3A_1825 = vector.broadcast %jit3A_1823 : i32 to vector<16xi32>
    %broadcast_in_dim3A_1826 = vector.broadcast %jit3A_1824 : i32 to vector<16xi32>
    %select_n3A_1827 = arith.select %ne3A_1822, %broadcast_in_dim3A_1825, %broadcast_in_dim3A_1826 : vector<16xi1>, vector<16xi32>
    %gt3A_1828 = arith.constant 98 : i32
    %gt3A_1829 = arith.cmpi sgt, %mul3A_54, %gt3A_1828 : i32
    %jit3A_1830 = arith.constant 1 : i32
    %jit3A_1831 = arith.constant 0 : i32
    %select_n3A_1832 = arith.select %gt3A_1829, %jit3A_1830, %jit3A_1831 : i32
    %mul3A_1833 = vector.broadcast %select_n3A_1832 : i32 to vector<16xi32>
    %mul3A_1834 = arith.muli %select_n3A_1827, %mul3A_1833 : vector<16xi32>
    %add3A_1835 = arith.addi %add3A_1817, %mul3A_1834 : vector<16xi32>
    %get3A_1836 = arith.constant 1584 : index
    %get3A_1837 = tpu.vector_load %arg5[%get3A_1836] {strides = array<i32>} : memref<2048xi32, #tpu.memory_space<vmem>>, vector<16xi32>,
    %ne3A_1838 = arith.constant 1 : i32
    %ne3A_1839 = vector.broadcast %ne3A_1838 : i32 to vector<16xi32>
    %ne3A_1840 = arith.cmpi ne, %get3A_1837, %ne3A_1839 : vector<16xi32>
    %jit3A_1841 = arith.constant 1 : i32
    %jit3A_1842 = arith.constant 0 : i32
    %broadcast_in_dim3A_1843 = vector.broadcast %jit3A_1841 : i32 to vector<16xi32>
    %broadcast_in_dim3A_1844 = vector.broadcast %jit3A_1842 : i32 to vector<16xi32>
    %select_n3A_1845 = arith.select %ne3A_1840, %broadcast_in_dim3A_1843, %broadcast_in_dim3A_1844 : vector<16xi1>, vector<16xi32>
    %gt3A_1846 = arith.constant 99 : i32
    %gt3A_1847 = arith.cmpi sgt, %mul3A_54, %gt3A_1846 : i32
    %jit3A_1848 = arith.constant 1 : i32
    %jit3A_1849 = arith.constant 0 : i32
    %select_n3A_1850 = arith.select %gt3A_1847, %jit3A_1848, %jit3A_1849 : i32
    %mul3A_1851 = vector.broadcast %select_n3A_1850 : i32 to vector<16xi32>
    %mul3A_1852 = arith.muli %select_n3A_1845, %mul3A_1851 : vector<16xi32>
    %add3A_1853 = arith.addi %add3A_1835, %mul3A_1852 : vector<16xi32>
    %get3A_1854 = arith.constant 1600 : index
    %get3A_1855 = tpu.vector_load %arg5[%get3A_1854] {strides = array<i32>} : memref<2048xi32, #tpu.memory_space<vmem>>, vector<16xi32>,
    %ne3A_1856 = arith.constant 1 : i32
    %ne3A_1857 = vector.broadcast %ne3A_1856 : i32 to vector<16xi32>
    %ne3A_1858 = arith.cmpi ne, %get3A_1855, %ne3A_1857 : vector<16xi32>
    %jit3A_1859 = arith.constant 1 : i32
    %jit3A_1860 = arith.constant 0 : i32
    %broadcast_in_dim3A_1861 = vector.broadcast %jit3A_1859 : i32 to vector<16xi32>
    %broadcast_in_dim3A_1862 = vector.broadcast %jit3A_1860 : i32 to vector<16xi32>
    %select_n3A_1863 = arith.select %ne3A_1858, %broadcast_in_dim3A_1861, %broadcast_in_dim3A_1862 : vector<16xi1>, vector<16xi32>
    %gt3A_1864 = arith.constant 100 : i32
    %gt3A_1865 = arith.cmpi sgt, %mul3A_54, %gt3A_1864 : i32
    %jit3A_1866 = arith.constant 1 : i32
    %jit3A_1867 = arith.constant 0 : i32
    %select_n3A_1868 = arith.select %gt3A_1865, %jit3A_1866, %jit3A_1867 : i32
    %mul3A_1869 = vector.broadcast %select_n3A_1868 : i32 to vector<16xi32>
    %mul3A_1870 = arith.muli %select_n3A_1863, %mul3A_1869 : vector<16xi32>
    %add3A_1871 = arith.addi %add3A_1853, %mul3A_1870 : vector<16xi32>
    %get3A_1872 = arith.constant 1616 : index
    %get3A_1873 = tpu.vector_load %arg5[%get3A_1872] {strides = array<i32>} : memref<2048xi32, #tpu.memory_space<vmem>>, vector<16xi32>,
    %ne3A_1874 = arith.constant 1 : i32
    %ne3A_1875 = vector.broadcast %ne3A_1874 : i32 to vector<16xi32>
    %ne3A_1876 = arith.cmpi ne, %get3A_1873, %ne3A_1875 : vector<16xi32>
    %jit3A_1877 = arith.constant 1 : i32
    %jit3A_1878 = arith.constant 0 : i32
    %broadcast_in_dim3A_1879 = vector.broadcast %jit3A_1877 : i32 to vector<16xi32>
    %broadcast_in_dim3A_1880 = vector.broadcast %jit3A_1878 : i32 to vector<16xi32>
    %select_n3A_1881 = arith.select %ne3A_1876, %broadcast_in_dim3A_1879, %broadcast_in_dim3A_1880 : vector<16xi1>, vector<16xi32>
    %gt3A_1882 = arith.constant 101 : i32
    %gt3A_1883 = arith.cmpi sgt, %mul3A_54, %gt3A_1882 : i32
    %jit3A_1884 = arith.constant 1 : i32
    %jit3A_1885 = arith.constant 0 : i32
    %select_n3A_1886 = arith.select %gt3A_1883, %jit3A_1884, %jit3A_1885 : i32
    %mul3A_1887 = vector.broadcast %select_n3A_1886 : i32 to vector<16xi32>
    %mul3A_1888 = arith.muli %select_n3A_1881, %mul3A_1887 : vector<16xi32>
    %add3A_1889 = arith.addi %add3A_1871, %mul3A_1888 : vector<16xi32>
    %get3A_1890 = arith.constant 1632 : index
    %get3A_1891 = tpu.vector_load %arg5[%get3A_1890] {strides = array<i32>} : memref<2048xi32, #tpu.memory_space<vmem>>, vector<16xi32>,
    %ne3A_1892 = arith.constant 1 : i32
    %ne3A_1893 = vector.broadcast %ne3A_1892 : i32 to vector<16xi32>
    %ne3A_1894 = arith.cmpi ne, %get3A_1891, %ne3A_1893 : vector<16xi32>
    %jit3A_1895 = arith.constant 1 : i32
    %jit3A_1896 = arith.constant 0 : i32
    %broadcast_in_dim3A_1897 = vector.broadcast %jit3A_1895 : i32 to vector<16xi32>
    %broadcast_in_dim3A_1898 = vector.broadcast %jit3A_1896 : i32 to vector<16xi32>
    %select_n3A_1899 = arith.select %ne3A_1894, %broadcast_in_dim3A_1897, %broadcast_in_dim3A_1898 : vector<16xi1>, vector<16xi32>
    %gt3A_1900 = arith.constant 102 : i32
    %gt3A_1901 = arith.cmpi sgt, %mul3A_54, %gt3A_1900 : i32
    %jit3A_1902 = arith.constant 1 : i32
    %jit3A_1903 = arith.constant 0 : i32
    %select_n3A_1904 = arith.select %gt3A_1901, %jit3A_1902, %jit3A_1903 : i32
    %mul3A_1905 = vector.broadcast %select_n3A_1904 : i32 to vector<16xi32>
    %mul3A_1906 = arith.muli %select_n3A_1899, %mul3A_1905 : vector<16xi32>
    %add3A_1907 = arith.addi %add3A_1889, %mul3A_1906 : vector<16xi32>
    %get3A_1908 = arith.constant 1648 : index
    %get3A_1909 = tpu.vector_load %arg5[%get3A_1908] {strides = array<i32>} : memref<2048xi32, #tpu.memory_space<vmem>>, vector<16xi32>,
    %ne3A_1910 = arith.constant 1 : i32
    %ne3A_1911 = vector.broadcast %ne3A_1910 : i32 to vector<16xi32>
    %ne3A_1912 = arith.cmpi ne, %get3A_1909, %ne3A_1911 : vector<16xi32>
    %jit3A_1913 = arith.constant 1 : i32
    %jit3A_1914 = arith.constant 0 : i32
    %broadcast_in_dim3A_1915 = vector.broadcast %jit3A_1913 : i32 to vector<16xi32>
    %broadcast_in_dim3A_1916 = vector.broadcast %jit3A_1914 : i32 to vector<16xi32>
    %select_n3A_1917 = arith.select %ne3A_1912, %broadcast_in_dim3A_1915, %broadcast_in_dim3A_1916 : vector<16xi1>, vector<16xi32>
    %gt3A_1918 = arith.constant 103 : i32
    %gt3A_1919 = arith.cmpi sgt, %mul3A_54, %gt3A_1918 : i32
    %jit3A_1920 = arith.constant 1 : i32
    %jit3A_1921 = arith.constant 0 : i32
    %select_n3A_1922 = arith.select %gt3A_1919, %jit3A_1920, %jit3A_1921 : i32
    %mul3A_1923 = vector.broadcast %select_n3A_1922 : i32 to vector<16xi32>
    %mul3A_1924 = arith.muli %select_n3A_1917, %mul3A_1923 : vector<16xi32>
    %add3A_1925 = arith.addi %add3A_1907, %mul3A_1924 : vector<16xi32>
    %get3A_1926 = arith.constant 1664 : index
    %get3A_1927 = tpu.vector_load %arg5[%get3A_1926] {strides = array<i32>} : memref<2048xi32, #tpu.memory_space<vmem>>, vector<16xi32>,
    %ne3A_1928 = arith.constant 1 : i32
    %ne3A_1929 = vector.broadcast %ne3A_1928 : i32 to vector<16xi32>
    %ne3A_1930 = arith.cmpi ne, %get3A_1927, %ne3A_1929 : vector<16xi32>
    %jit3A_1931 = arith.constant 1 : i32
    %jit3A_1932 = arith.constant 0 : i32
    %broadcast_in_dim3A_1933 = vector.broadcast %jit3A_1931 : i32 to vector<16xi32>
    %broadcast_in_dim3A_1934 = vector.broadcast %jit3A_1932 : i32 to vector<16xi32>
    %select_n3A_1935 = arith.select %ne3A_1930, %broadcast_in_dim3A_1933, %broadcast_in_dim3A_1934 : vector<16xi1>, vector<16xi32>
    %gt3A_1936 = arith.constant 104 : i32
    %gt3A_1937 = arith.cmpi sgt, %mul3A_54, %gt3A_1936 : i32
    %jit3A_1938 = arith.constant 1 : i32
    %jit3A_1939 = arith.constant 0 : i32
    %select_n3A_1940 = arith.select %gt3A_1937, %jit3A_1938, %jit3A_1939 : i32
    %mul3A_1941 = vector.broadcast %select_n3A_1940 : i32 to vector<16xi32>
    %mul3A_1942 = arith.muli %select_n3A_1935, %mul3A_1941 : vector<16xi32>
    %add3A_1943 = arith.addi %add3A_1925, %mul3A_1942 : vector<16xi32>
    %get3A_1944 = arith.constant 1680 : index
    %get3A_1945 = tpu.vector_load %arg5[%get3A_1944] {strides = array<i32>} : memref<2048xi32, #tpu.memory_space<vmem>>, vector<16xi32>,
    %ne3A_1946 = arith.constant 1 : i32
    %ne3A_1947 = vector.broadcast %ne3A_1946 : i32 to vector<16xi32>
    %ne3A_1948 = arith.cmpi ne, %get3A_1945, %ne3A_1947 : vector<16xi32>
    %jit3A_1949 = arith.constant 1 : i32
    %jit3A_1950 = arith.constant 0 : i32
    %broadcast_in_dim3A_1951 = vector.broadcast %jit3A_1949 : i32 to vector<16xi32>
    %broadcast_in_dim3A_1952 = vector.broadcast %jit3A_1950 : i32 to vector<16xi32>
    %select_n3A_1953 = arith.select %ne3A_1948, %broadcast_in_dim3A_1951, %broadcast_in_dim3A_1952 : vector<16xi1>, vector<16xi32>
    %gt3A_1954 = arith.constant 105 : i32
    %gt3A_1955 = arith.cmpi sgt, %mul3A_54, %gt3A_1954 : i32
    %jit3A_1956 = arith.constant 1 : i32
    %jit3A_1957 = arith.constant 0 : i32
    %select_n3A_1958 = arith.select %gt3A_1955, %jit3A_1956, %jit3A_1957 : i32
    %mul3A_1959 = vector.broadcast %select_n3A_1958 : i32 to vector<16xi32>
    %mul3A_1960 = arith.muli %select_n3A_1953, %mul3A_1959 : vector<16xi32>
    %add3A_1961 = arith.addi %add3A_1943, %mul3A_1960 : vector<16xi32>
    %get3A_1962 = arith.constant 1696 : index
    %get3A_1963 = tpu.vector_load %arg5[%get3A_1962] {strides = array<i32>} : memref<2048xi32, #tpu.memory_space<vmem>>, vector<16xi32>,
    %ne3A_1964 = arith.constant 1 : i32
    %ne3A_1965 = vector.broadcast %ne3A_1964 : i32 to vector<16xi32>
    %ne3A_1966 = arith.cmpi ne, %get3A_1963, %ne3A_1965 : vector<16xi32>
    %jit3A_1967 = arith.constant 1 : i32
    %jit3A_1968 = arith.constant 0 : i32
    %broadcast_in_dim3A_1969 = vector.broadcast %jit3A_1967 : i32 to vector<16xi32>
    %broadcast_in_dim3A_1970 = vector.broadcast %jit3A_1968 : i32 to vector<16xi32>
    %select_n3A_1971 = arith.select %ne3A_1966, %broadcast_in_dim3A_1969, %broadcast_in_dim3A_1970 : vector<16xi1>, vector<16xi32>
    %gt3A_1972 = arith.constant 106 : i32
    %gt3A_1973 = arith.cmpi sgt, %mul3A_54, %gt3A_1972 : i32
    %jit3A_1974 = arith.constant 1 : i32
    %jit3A_1975 = arith.constant 0 : i32
    %select_n3A_1976 = arith.select %gt3A_1973, %jit3A_1974, %jit3A_1975 : i32
    %mul3A_1977 = vector.broadcast %select_n3A_1976 : i32 to vector<16xi32>
    %mul3A_1978 = arith.muli %select_n3A_1971, %mul3A_1977 : vector<16xi32>
    %add3A_1979 = arith.addi %add3A_1961, %mul3A_1978 : vector<16xi32>
    %get3A_1980 = arith.constant 1712 : index
    %get3A_1981 = tpu.vector_load %arg5[%get3A_1980] {strides = array<i32>} : memref<2048xi32, #tpu.memory_space<vmem>>, vector<16xi32>,
    %ne3A_1982 = arith.constant 1 : i32
    %ne3A_1983 = vector.broadcast %ne3A_1982 : i32 to vector<16xi32>
    %ne3A_1984 = arith.cmpi ne, %get3A_1981, %ne3A_1983 : vector<16xi32>
    %jit3A_1985 = arith.constant 1 : i32
    %jit3A_1986 = arith.constant 0 : i32
    %broadcast_in_dim3A_1987 = vector.broadcast %jit3A_1985 : i32 to vector<16xi32>
    %broadcast_in_dim3A_1988 = vector.broadcast %jit3A_1986 : i32 to vector<16xi32>
    %select_n3A_1989 = arith.select %ne3A_1984, %broadcast_in_dim3A_1987, %broadcast_in_dim3A_1988 : vector<16xi1>, vector<16xi32>
    %gt3A_1990 = arith.constant 107 : i32
    %gt3A_1991 = arith.cmpi sgt, %mul3A_54, %gt3A_1990 : i32
    %jit3A_1992 = arith.constant 1 : i32
    %jit3A_1993 = arith.constant 0 : i32
    %select_n3A_1994 = arith.select %gt3A_1991, %jit3A_1992, %jit3A_1993 : i32
    %mul3A_1995 = vector.broadcast %select_n3A_1994 : i32 to vector<16xi32>
    %mul3A_1996 = arith.muli %select_n3A_1989, %mul3A_1995 : vector<16xi32>
    %add3A_1997 = arith.addi %add3A_1979, %mul3A_1996 : vector<16xi32>
    %get3A_1998 = arith.constant 1728 : index
    %get3A_1999 = tpu.vector_load %arg5[%get3A_1998] {strides = array<i32>} : memref<2048xi32, #tpu.memory_space<vmem>>, vector<16xi32>,
    %ne3A_2000 = arith.constant 1 : i32
    %ne3A_2001 = vector.broadcast %ne3A_2000 : i32 to vector<16xi32>
    %ne3A_2002 = arith.cmpi ne, %get3A_1999, %ne3A_2001 : vector<16xi32>
    %jit3A_2003 = arith.constant 1 : i32
    %jit3A_2004 = arith.constant 0 : i32
    %broadcast_in_dim3A_2005 = vector.broadcast %jit3A_2003 : i32 to vector<16xi32>
    %broadcast_in_dim3A_2006 = vector.broadcast %jit3A_2004 : i32 to vector<16xi32>
    %select_n3A_2007 = arith.select %ne3A_2002, %broadcast_in_dim3A_2005, %broadcast_in_dim3A_2006 : vector<16xi1>, vector<16xi32>
    %gt3A_2008 = arith.constant 108 : i32
    %gt3A_2009 = arith.cmpi sgt, %mul3A_54, %gt3A_2008 : i32
    %jit3A_2010 = arith.constant 1 : i32
    %jit3A_2011 = arith.constant 0 : i32
    %select_n3A_2012 = arith.select %gt3A_2009, %jit3A_2010, %jit3A_2011 : i32
    %mul3A_2013 = vector.broadcast %select_n3A_2012 : i32 to vector<16xi32>
    %mul3A_2014 = arith.muli %select_n3A_2007, %mul3A_2013 : vector<16xi32>
    %add3A_2015 = arith.addi %add3A_1997, %mul3A_2014 : vector<16xi32>
    %get3A_2016 = arith.constant 1744 : index
    %get3A_2017 = tpu.vector_load %arg5[%get3A_2016] {strides = array<i32>} : memref<2048xi32, #tpu.memory_space<vmem>>, vector<16xi32>,
    %ne3A_2018 = arith.constant 1 : i32
    %ne3A_2019 = vector.broadcast %ne3A_2018 : i32 to vector<16xi32>
    %ne3A_2020 = arith.cmpi ne, %get3A_2017, %ne3A_2019 : vector<16xi32>
    %jit3A_2021 = arith.constant 1 : i32
    %jit3A_2022 = arith.constant 0 : i32
    %broadcast_in_dim3A_2023 = vector.broadcast %jit3A_2021 : i32 to vector<16xi32>
    %broadcast_in_dim3A_2024 = vector.broadcast %jit3A_2022 : i32 to vector<16xi32>
    %select_n3A_2025 = arith.select %ne3A_2020, %broadcast_in_dim3A_2023, %broadcast_in_dim3A_2024 : vector<16xi1>, vector<16xi32>
    %gt3A_2026 = arith.constant 109 : i32
    %gt3A_2027 = arith.cmpi sgt, %mul3A_54, %gt3A_2026 : i32
    %jit3A_2028 = arith.constant 1 : i32
    %jit3A_2029 = arith.constant 0 : i32
    %select_n3A_2030 = arith.select %gt3A_2027, %jit3A_2028, %jit3A_2029 : i32
    %mul3A_2031 = vector.broadcast %select_n3A_2030 : i32 to vector<16xi32>
    %mul3A_2032 = arith.muli %select_n3A_2025, %mul3A_2031 : vector<16xi32>
    %add3A_2033 = arith.addi %add3A_2015, %mul3A_2032 : vector<16xi32>
    %get3A_2034 = arith.constant 1760 : index
    %get3A_2035 = tpu.vector_load %arg5[%get3A_2034] {strides = array<i32>} : memref<2048xi32, #tpu.memory_space<vmem>>, vector<16xi32>,
    %ne3A_2036 = arith.constant 1 : i32
    %ne3A_2037 = vector.broadcast %ne3A_2036 : i32 to vector<16xi32>
    %ne3A_2038 = arith.cmpi ne, %get3A_2035, %ne3A_2037 : vector<16xi32>
    %jit3A_2039 = arith.constant 1 : i32
    %jit3A_2040 = arith.constant 0 : i32
    %broadcast_in_dim3A_2041 = vector.broadcast %jit3A_2039 : i32 to vector<16xi32>
    %broadcast_in_dim3A_2042 = vector.broadcast %jit3A_2040 : i32 to vector<16xi32>
    %select_n3A_2043 = arith.select %ne3A_2038, %broadcast_in_dim3A_2041, %broadcast_in_dim3A_2042 : vector<16xi1>, vector<16xi32>
    %gt3A_2044 = arith.constant 110 : i32
    %gt3A_2045 = arith.cmpi sgt, %mul3A_54, %gt3A_2044 : i32
    %jit3A_2046 = arith.constant 1 : i32
    %jit3A_2047 = arith.constant 0 : i32
    %select_n3A_2048 = arith.select %gt3A_2045, %jit3A_2046, %jit3A_2047 : i32
    %mul3A_2049 = vector.broadcast %select_n3A_2048 : i32 to vector<16xi32>
    %mul3A_2050 = arith.muli %select_n3A_2043, %mul3A_2049 : vector<16xi32>
    %add3A_2051 = arith.addi %add3A_2033, %mul3A_2050 : vector<16xi32>
    %get3A_2052 = arith.constant 1776 : index
    %get3A_2053 = tpu.vector_load %arg5[%get3A_2052] {strides = array<i32>} : memref<2048xi32, #tpu.memory_space<vmem>>, vector<16xi32>,
    %ne3A_2054 = arith.constant 1 : i32
    %ne3A_2055 = vector.broadcast %ne3A_2054 : i32 to vector<16xi32>
    %ne3A_2056 = arith.cmpi ne, %get3A_2053, %ne3A_2055 : vector<16xi32>
    %jit3A_2057 = arith.constant 1 : i32
    %jit3A_2058 = arith.constant 0 : i32
    %broadcast_in_dim3A_2059 = vector.broadcast %jit3A_2057 : i32 to vector<16xi32>
    %broadcast_in_dim3A_2060 = vector.broadcast %jit3A_2058 : i32 to vector<16xi32>
    %select_n3A_2061 = arith.select %ne3A_2056, %broadcast_in_dim3A_2059, %broadcast_in_dim3A_2060 : vector<16xi1>, vector<16xi32>
    %gt3A_2062 = arith.constant 111 : i32
    %gt3A_2063 = arith.cmpi sgt, %mul3A_54, %gt3A_2062 : i32
    %jit3A_2064 = arith.constant 1 : i32
    %jit3A_2065 = arith.constant 0 : i32
    %select_n3A_2066 = arith.select %gt3A_2063, %jit3A_2064, %jit3A_2065 : i32
    %mul3A_2067 = vector.broadcast %select_n3A_2066 : i32 to vector<16xi32>
    %mul3A_2068 = arith.muli %select_n3A_2061, %mul3A_2067 : vector<16xi32>
    %add3A_2069 = arith.addi %add3A_2051, %mul3A_2068 : vector<16xi32>
    %reduce_sum3A = arith.constant true
    %reduce_sum3A_2070 = vector.broadcast %reduce_sum3A : i1 to vector<16xi1>
    %reduce_sum3A_2071 = tpu.scan <sum>, %add3A_2069 masked %reduce_sum3A_2070 : vector<16xi32>, vector<16xi1> -> vector<16xi32>
    %reduce_sum3A_2072 = vector.extract %reduce_sum3A_2071[15] : i32 from vector<16xi32>
    %get3A_2073 = arith.constant 0 : index
    %get3A_2074 = tpu.vector_load %arg6[%get3A_2073] {strides = array<i32>} : memref<256xi32, #tpu.memory_space<vmem>>, vector<16xi32>,
    %ne3A_2075 = arith.constant 1 : i32
    %ne3A_2076 = vector.broadcast %ne3A_2075 : i32 to vector<16xi32>
    %ne3A_2077 = arith.cmpi ne, %get3A_2074, %ne3A_2076 : vector<16xi32>
    %jit3A_2078 = arith.constant 1 : i32
    %jit3A_2079 = arith.constant 0 : i32
    %broadcast_in_dim3A_2080 = vector.broadcast %jit3A_2078 : i32 to vector<16xi32>
    %broadcast_in_dim3A_2081 = vector.broadcast %jit3A_2079 : i32 to vector<16xi32>
    %select_n3A_2082 = arith.select %ne3A_2077, %broadcast_in_dim3A_2080, %broadcast_in_dim3A_2081 : vector<16xi1>, vector<16xi32>
    %broadcast_in_dim3A_2083 = arith.constant true
    %broadcast_in_dim3A_2084 = vector.broadcast %broadcast_in_dim3A_2083 : i1 to vector<16xi1>
    %masked_cumsum3A = tpu.scan <sum>, %select_n3A_2082 masked %broadcast_in_dim3A_2084 : vector<16xi32>, vector<16xi1> -> vector<16xi32>
    %add3A_2085 = vector.broadcast %reduce_sum3A_2072 : i32 to vector<16xi32>
    %add3A_2086 = arith.addi %masked_cumsum3A, %add3A_2085 : vector<16xi32>
    %jit3A_2087 = arith.constant 0 : i32
    %broadcast_in_dim3A_2088 = vector.broadcast %jit3A_2087 : i32 to vector<16xi32>
    %select_n3A_2089 = arith.select %ne3A_2077, %add3A_2086, %broadcast_in_dim3A_2088 : vector<16xi1>, vector<16xi32>
    %add3A_2090 = arith.constant 1 : i32
    %add3A_2091 = vector.broadcast %add3A_2090 : i32 to vector<16xi32>
    %add3A_2092 = arith.addi %select_n3A_2089, %add3A_2091 : vector<16xi32>
    %reduce_sum3A_2093 = arith.constant true
    %reduce_sum3A_2094 = vector.broadcast %reduce_sum3A_2093 : i1 to vector<16xi1>
    %reduce_sum3A_2095 = tpu.scan <sum>, %select_n3A_2082 masked %reduce_sum3A_2094 : vector<16xi32>, vector<16xi1> -> vector<16xi32>
    %reduce_sum3A_2096 = vector.extract %reduce_sum3A_2095[15] : i32 from vector<16xi32>
    %add3A_2097 = arith.addi %reduce_sum3A_2072, %reduce_sum3A_2096 : i32
    %swap3A = arith.constant 0 : index
    %swap3A_2098 = tpu.vector_load %arg8[%swap3A] {strides = array<i32>} : memref<32xi32, #tpu.memory_space<vmem>>, vector<16xi32>,
    tpu.vector_store %arg8[%swap3A], %add3A_2092 {strides = array<i32>} : memref<32xi32, #tpu.memory_space<vmem>>, vector<16xi32>,
    %get3A_2099 = arith.constant 16 : index
    %get3A_2100 = tpu.vector_load %arg6[%get3A_2099] {strides = array<i32>} : memref<256xi32, #tpu.memory_space<vmem>>, vector<16xi32>,
    %ne3A_2101 = arith.constant 1 : i32
    %ne3A_2102 = vector.broadcast %ne3A_2101 : i32 to vector<16xi32>
    %ne3A_2103 = arith.cmpi ne, %get3A_2100, %ne3A_2102 : vector<16xi32>
    %jit3A_2104 = arith.constant 1 : i32
    %jit3A_2105 = arith.constant 0 : i32
    %broadcast_in_dim3A_2106 = vector.broadcast %jit3A_2104 : i32 to vector<16xi32>
    %broadcast_in_dim3A_2107 = vector.broadcast %jit3A_2105 : i32 to vector<16xi32>
    %select_n3A_2108 = arith.select %ne3A_2103, %broadcast_in_dim3A_2106, %broadcast_in_dim3A_2107 : vector<16xi1>, vector<16xi32>
    %broadcast_in_dim3A_2109 = arith.constant true
    %broadcast_in_dim3A_2110 = vector.broadcast %broadcast_in_dim3A_2109 : i1 to vector<16xi1>
    %masked_cumsum3A_2111 = tpu.scan <sum>, %select_n3A_2108 masked %broadcast_in_dim3A_2110 : vector<16xi32>, vector<16xi1> -> vector<16xi32>
    %add3A_2112 = vector.broadcast %add3A_2097 : i32 to vector<16xi32>
    %add3A_2113 = arith.addi %masked_cumsum3A_2111, %add3A_2112 : vector<16xi32>
    %jit3A_2114 = arith.constant 0 : i32
    %broadcast_in_dim3A_2115 = vector.broadcast %jit3A_2114 : i32 to vector<16xi32>
    %select_n3A_2116 = arith.select %ne3A_2103, %add3A_2113, %broadcast_in_dim3A_2115 : vector<16xi1>, vector<16xi32>
    %add3A_2117 = arith.constant 1 : i32
    %add3A_2118 = vector.broadcast %add3A_2117 : i32 to vector<16xi32>
    %add3A_2119 = arith.addi %select_n3A_2116, %add3A_2118 : vector<16xi32>
    %reduce_sum3A_2120 = arith.constant true
    %reduce_sum3A_2121 = vector.broadcast %reduce_sum3A_2120 : i1 to vector<16xi1>
    %reduce_sum3A_2122 = tpu.scan <sum>, %select_n3A_2108 masked %reduce_sum3A_2121 : vector<16xi32>, vector<16xi1> -> vector<16xi32>
    %reduce_sum3A_2123 = vector.extract %reduce_sum3A_2122[15] : i32 from vector<16xi32>
    %add3A_2124 = arith.addi %add3A_2097, %reduce_sum3A_2123 : i32
    %swap3A_2125 = arith.constant 16 : index
    %swap3A_2126 = tpu.vector_load %arg8[%swap3A_2125] {strides = array<i32>} : memref<32xi32, #tpu.memory_space<vmem>>, vector<16xi32>,
    tpu.vector_store %arg8[%swap3A_2125], %add3A_2119 {strides = array<i32>} : memref<32xi32, #tpu.memory_space<vmem>>, vector<16xi32>,
    %dma_start3A_2127 = arith.constant 0 : i32
    %dma_start3A_2128 = arith.constant 0 : i32
    %dma_start3A_2129 = arith.constant 0 : i32
    %dma_start3A_2130 = tpu.memref_slice %arg7[%dma_start3A_2127, %dma_start3A_2128, %dma_start3A_2129] : memref<3x32x1024xf32, #tpu.memory_space<vmem>> -> memref<1x32x1024xf32, #tpu.memory_space<vmem>>
    %dma_start3A_2131 = tpu.memref_squeeze %dma_start3A_2130 : memref<1x32x1024xf32, #tpu.memory_space<vmem>> -> memref<32x1024xf32, #tpu.memory_space<vmem>>
    %dma_start3A_2132 = arith.constant 0 : i32
    %dma_start3A_2133 = arith.constant 0 : i32
    %dma_start3A_2134 = tpu.memref_slice %arg3[%dma_start3A_2132, %dma_start3A_2133] : memref<4096x1024xf32, #tpu.memory_space<hbm>> -> memref<4096x1024xf32, #tpu.memory_space<hbm>>
    tpu.enqueue_indirect_dma source(%dma_start3A_2134 : memref<4096x1024xf32, #tpu.memory_space<hbm>>) target(%dma_start3A_2131 : memref<32x1024xf32, #tpu.memory_space<vmem>>) offsets(%arg8 : memref<32xi32, #tpu.memory_space<vmem>>) semaphore(%arg16 : memref<!tpu.dma_semaphore, #tpu.memory_space<semaphore_mem>>)
    %get3A_2135 = arith.constant 32 : index
    %get3A_2136 = tpu.vector_load %arg6[%get3A_2135] {strides = array<i32>} : memref<256xi32, #tpu.memory_space<vmem>>, vector<16xi32>,
    %ne3A_2137 = arith.constant 1 : i32
    %ne3A_2138 = vector.broadcast %ne3A_2137 : i32 to vector<16xi32>
    %ne3A_2139 = arith.cmpi ne, %get3A_2136, %ne3A_2138 : vector<16xi32>
    %jit3A_2140 = arith.constant 1 : i32
    %jit3A_2141 = arith.constant 0 : i32
    %broadcast_in_dim3A_2142 = vector.broadcast %jit3A_2140 : i32 to vector<16xi32>
    %broadcast_in_dim3A_2143 = vector.broadcast %jit3A_2141 : i32 to vector<16xi32>
    %select_n3A_2144 = arith.select %ne3A_2139, %broadcast_in_dim3A_2142, %broadcast_in_dim3A_2143 : vector<16xi1>, vector<16xi32>
    %broadcast_in_dim3A_2145 = arith.constant true
    %broadcast_in_dim3A_2146 = vector.broadcast %broadcast_in_dim3A_2145 : i1 to vector<16xi1>
    %masked_cumsum3A_2147 = tpu.scan <sum>, %select_n3A_2144 masked %broadcast_in_dim3A_2146 : vector<16xi32>, vector<16xi1> -> vector<16xi32>
    %add3A_2148 = vector.broadcast %add3A_2124 : i32 to vector<16xi32>
    %add3A_2149 = arith.addi %masked_cumsum3A_2147, %add3A_2148 : vector<16xi32>
    %jit3A_2150 = arith.constant 0 : i32
    %broadcast_in_dim3A_2151 = vector.broadcast %jit3A_2150 : i32 to vector<16xi32>
    %select_n3A_2152 = arith.select %ne3A_2139, %add3A_2149, %broadcast_in_dim3A_2151 : vector<16xi1>, vector<16xi32>
    %add3A_2153 = arith.constant 1 : i32
    %add3A_2154 = vector.broadcast %add3A_2153 : i32 to vector<16xi32>
    %add3A_2155 = arith.addi %select_n3A_2152, %add3A_2154 : vector<16xi32>
    %reduce_sum3A_2156 = arith.constant true
    %reduce_sum3A_2157 = vector.broadcast %reduce_sum3A_2156 : i1 to vector<16xi1>
    %reduce_sum3A_2158 = tpu.scan <sum>, %select_n3A_2144 masked %reduce_sum3A_2157 : vector<16xi32>, vector<16xi1> -> vector<16xi32>
    %reduce_sum3A_2159 = vector.extract %reduce_sum3A_2158[15] : i32 from vector<16xi32>
    %add3A_2160 = arith.addi %add3A_2124, %reduce_sum3A_2159 : i32
    %swap3A_2161 = arith.constant 0 : index
    %swap3A_2162 = tpu.vector_load %arg9[%swap3A_2161] {strides = array<i32>} : memref<32xi32, #tpu.memory_space<vmem>>, vector<16xi32>,
    tpu.vector_store %arg9[%swap3A_2161], %add3A_2155 {strides = array<i32>} : memref<32xi32, #tpu.memory_space<vmem>>, vector<16xi32>,
    %get3A_2163 = arith.constant 48 : index
    %get3A_2164 = tpu.vector_load %arg6[%get3A_2163] {strides = array<i32>} : memref<256xi32, #tpu.memory_space<vmem>>, vector<16xi32>,
    %ne3A_2165 = arith.constant 1 : i32
    %ne3A_2166 = vector.broadcast %ne3A_2165 : i32 to vector<16xi32>
    %ne3A_2167 = arith.cmpi ne, %get3A_2164, %ne3A_2166 : vector<16xi32>
    %jit3A_2168 = arith.constant 1 : i32
    %jit3A_2169 = arith.constant 0 : i32
    %broadcast_in_dim3A_2170 = vector.broadcast %jit3A_2168 : i32 to vector<16xi32>
    %broadcast_in_dim3A_2171 = vector.broadcast %jit3A_2169 : i32 to vector<16xi32>
    %select_n3A_2172 = arith.select %ne3A_2167, %broadcast_in_dim3A_2170, %broadcast_in_dim3A_2171 : vector<16xi1>, vector<16xi32>
    %broadcast_in_dim3A_2173 = arith.constant true
    %broadcast_in_dim3A_2174 = vector.broadcast %broadcast_in_dim3A_2173 : i1 to vector<16xi1>
    %masked_cumsum3A_2175 = tpu.scan <sum>, %select_n3A_2172 masked %broadcast_in_dim3A_2174 : vector<16xi32>, vector<16xi1> -> vector<16xi32>
    %add3A_2176 = vector.broadcast %add3A_2160 : i32 to vector<16xi32>
    %add3A_2177 = arith.addi %masked_cumsum3A_2175, %add3A_2176 : vector<16xi32>
    %jit3A_2178 = arith.constant 0 : i32
    %broadcast_in_dim3A_2179 = vector.broadcast %jit3A_2178 : i32 to vector<16xi32>
    %select_n3A_2180 = arith.select %ne3A_2167, %add3A_2177, %broadcast_in_dim3A_2179 : vector<16xi1>, vector<16xi32>
    %add3A_2181 = arith.constant 1 : i32
    %add3A_2182 = vector.broadcast %add3A_2181 : i32 to vector<16xi32>
    %add3A_2183 = arith.addi %select_n3A_2180, %add3A_2182 : vector<16xi32>
    %reduce_sum3A_2184 = arith.constant true
    %reduce_sum3A_2185 = vector.broadcast %reduce_sum3A_2184 : i1 to vector<16xi1>
    %reduce_sum3A_2186 = tpu.scan <sum>, %select_n3A_2172 masked %reduce_sum3A_2185 : vector<16xi32>, vector<16xi1> -> vector<16xi32>
    %reduce_sum3A_2187 = vector.extract %reduce_sum3A_2186[15] : i32 from vector<16xi32>
    %add3A_2188 = arith.addi %add3A_2160, %reduce_sum3A_2187 : i32
    %swap3A_2189 = arith.constant 16 : index
    %swap3A_2190 = tpu.vector_load %arg9[%swap3A_2189] {strides = array<i32>} : memref<32xi32, #tpu.memory_space<vmem>>, vector<16xi32>,
    tpu.vector_store %arg9[%swap3A_2189], %add3A_2183 {strides = array<i32>} : memref<32xi32, #tpu.memory_space<vmem>>, vector<16xi32>,
    %dma_start3A_2191 = arith.constant 1 : i32
    %dma_start3A_2192 = arith.constant 0 : i32
    %dma_start3A_2193 = arith.constant 0 : i32
    %dma_start3A_2194 = tpu.memref_slice %arg7[%dma_start3A_2191, %dma_start3A_2192, %dma_start3A_2193] : memref<3x32x1024xf32, #tpu.memory_space<vmem>> -> memref<1x32x1024xf32, #tpu.memory_space<vmem>>
    %dma_start3A_2195 = tpu.memref_squeeze %dma_start3A_2194 : memref<1x32x1024xf32, #tpu.memory_space<vmem>> -> memref<32x1024xf32, #tpu.memory_space<vmem>>
    %dma_start3A_2196 = arith.constant 0 : i32
    %dma_start3A_2197 = arith.constant 0 : i32
    %dma_start3A_2198 = tpu.memref_slice %arg3[%dma_start3A_2196, %dma_start3A_2197] : memref<4096x1024xf32, #tpu.memory_space<hbm>> -> memref<4096x1024xf32, #tpu.memory_space<hbm>>
    tpu.enqueue_indirect_dma source(%dma_start3A_2198 : memref<4096x1024xf32, #tpu.memory_space<hbm>>) target(%dma_start3A_2195 : memref<32x1024xf32, #tpu.memory_space<vmem>>) offsets(%arg9 : memref<32xi32, #tpu.memory_space<vmem>>) semaphore(%arg17 : memref<!tpu.dma_semaphore, #tpu.memory_space<semaphore_mem>>)
    %dma_wait3A_2199 = arith.constant 0 : i32
    %dma_wait3A_2200 = arith.constant 0 : i32
    %dma_wait3A_2201 = arith.constant 0 : i32
    %dma_wait3A_2202 = tpu.memref_slice %arg7[%dma_wait3A_2199, %dma_wait3A_2200, %dma_wait3A_2201] : memref<3x32x1024xf32, #tpu.memory_space<vmem>> -> memref<1x32x1024xf32, #tpu.memory_space<vmem>>
    %dma_wait3A_2203 = tpu.memref_squeeze %dma_wait3A_2202 : memref<1x32x1024xf32, #tpu.memory_space<vmem>> -> memref<32x1024xf32, #tpu.memory_space<vmem>>
    %dma_wait3A_2204 = arith.constant 0 : i32
    %dma_wait3A_2205 = arith.constant 0 : i32
    %dma_wait3A_2206 = tpu.memref_slice %arg3[%dma_wait3A_2204, %dma_wait3A_2205] : memref<4096x1024xf32, #tpu.memory_space<hbm>> -> memref<4096x1024xf32, #tpu.memory_space<hbm>>
    tpu.wait_indirect_dma semaphore(%arg16 : memref<!tpu.dma_semaphore, #tpu.memory_space<semaphore_mem>>) src(%dma_wait3A_2206 : memref<4096x1024xf32, #tpu.memory_space<hbm>>) dst(%dma_wait3A_2203 : memref<32x1024xf32, #tpu.memory_space<vmem>>)
    %add3A_2207 = arith.constant 0 : i32
    %add3A_2208 = arith.addi %mul3A_32, %add3A_2207 : i32
    %dma_start3A_2209 = arith.constant 0 : i32
    %dma_start3A_2210 = arith.constant 0 : i32
    %dma_start3A_2211 = arith.constant 0 : i32
    %dma_start3A_2212 = tpu.memref_slice %arg7[%dma_start3A_2209, %dma_start3A_2210, %dma_start3A_2211] : memref<3x32x1024xf32, #tpu.memory_space<vmem>> -> memref<1x32x1024xf32, #tpu.memory_space<vmem>>
    %dma_start3A_2213 = tpu.memref_squeeze %dma_start3A_2212 : memref<1x32x1024xf32, #tpu.memory_space<vmem>> -> memref<32x1024xf32, #tpu.memory_space<vmem>>
    %dma_start3A_2214 = arith.constant 0 : i32
    %dma_start3A_2215 = tpu.memref_slice %arg4[%add3A_2208, %dma_start3A_2214] : memref<8192x1024xf32, #tpu.memory_space<hbm>> -> memref<32x1024xf32, #tpu.memory_space<hbm>>
    %dma_start3A_2216 = arith.constant 0 : i32
    %dma_start3A_2217 = tpu.memref_slice %arg4[%add3A_2208, %dma_start3A_2216] : memref<8192x1024xf32, #tpu.memory_space<hbm>> -> memref<32x1024xf32, #tpu.memory_space<hbm>>
    %dma_start3A_2218 = arith.constant 0 : i32
    %dma_start3A_2219 = arith.constant 0 : i32
    %dma_start3A_2220 = tpu.memref_slice %arg7[%dma_start3A_2209, %dma_start3A_2218, %dma_start3A_2219] : memref<3x32x1024xf32, #tpu.memory_space<vmem>> -> memref<1x32x1024xf32, #tpu.memory_space<vmem>>
    %dma_start3A_2221 = tpu.memref_squeeze %dma_start3A_2220 : memref<1x32x1024xf32, #tpu.memory_space<vmem>> -> memref<32x1024xf32, #tpu.memory_space<vmem>>
    tpu.enqueue_dma source(%dma_start3A_2221 : memref<32x1024xf32, #tpu.memory_space<vmem>>) target(%dma_start3A_2217 : memref<32x1024xf32, #tpu.memory_space<hbm>>) target_semaphore(%arg19 : memref<!tpu.dma_semaphore, #tpu.memory_space<semaphore_mem>>)
    %get3A_2222 = arith.constant 64 : index
    %get3A_2223 = tpu.vector_load %arg6[%get3A_2222] {strides = array<i32>} : memref<256xi32, #tpu.memory_space<vmem>>, vector<16xi32>,
    %ne3A_2224 = arith.constant 1 : i32
    %ne3A_2225 = vector.broadcast %ne3A_2224 : i32 to vector<16xi32>
    %ne3A_2226 = arith.cmpi ne, %get3A_2223, %ne3A_2225 : vector<16xi32>
    %jit3A_2227 = arith.constant 1 : i32
    %jit3A_2228 = arith.constant 0 : i32
    %broadcast_in_dim3A_2229 = vector.broadcast %jit3A_2227 : i32 to vector<16xi32>
    %broadcast_in_dim3A_2230 = vector.broadcast %jit3A_2228 : i32 to vector<16xi32>
    %select_n3A_2231 = arith.select %ne3A_2226, %broadcast_in_dim3A_2229, %broadcast_in_dim3A_2230 : vector<16xi1>, vector<16xi32>
    %broadcast_in_dim3A_2232 = arith.constant true
    %broadcast_in_dim3A_2233 = vector.broadcast %broadcast_in_dim3A_2232 : i1 to vector<16xi1>
    %masked_cumsum3A_2234 = tpu.scan <sum>, %select_n3A_2231 masked %broadcast_in_dim3A_2233 : vector<16xi32>, vector<16xi1> -> vector<16xi32>
    %add3A_2235 = vector.broadcast %add3A_2188 : i32 to vector<16xi32>
    %add3A_2236 = arith.addi %masked_cumsum3A_2234, %add3A_2235 : vector<16xi32>
    %jit3A_2237 = arith.constant 0 : i32
    %broadcast_in_dim3A_2238 = vector.broadcast %jit3A_2237 : i32 to vector<16xi32>
    %select_n3A_2239 = arith.select %ne3A_2226, %add3A_2236, %broadcast_in_dim3A_2238 : vector<16xi1>, vector<16xi32>
    %add3A_2240 = arith.constant 1 : i32
    %add3A_2241 = vector.broadcast %add3A_2240 : i32 to vector<16xi32>
    %add3A_2242 = arith.addi %select_n3A_2239, %add3A_2241 : vector<16xi32>
    %reduce_sum3A_2243 = arith.constant true
    %reduce_sum3A_2244 = vector.broadcast %reduce_sum3A_2243 : i1 to vector<16xi1>
    %reduce_sum3A_2245 = tpu.scan <sum>, %select_n3A_2231 masked %reduce_sum3A_2244 : vector<16xi32>, vector<16xi1> -> vector<16xi32>
    %reduce_sum3A_2246 = vector.extract %reduce_sum3A_2245[15] : i32 from vector<16xi32>
    %add3A_2247 = arith.addi %add3A_2188, %reduce_sum3A_2246 : i32
    %swap3A_2248 = arith.constant 0 : index
    %swap3A_2249 = tpu.vector_load %arg10[%swap3A_2248] {strides = array<i32>} : memref<32xi32, #tpu.memory_space<vmem>>, vector<16xi32>,
    tpu.vector_store %arg10[%swap3A_2248], %add3A_2242 {strides = array<i32>} : memref<32xi32, #tpu.memory_space<vmem>>, vector<16xi32>,
    %get3A_2250 = arith.constant 80 : index
    %get3A_2251 = tpu.vector_load %arg6[%get3A_2250] {strides = array<i32>} : memref<256xi32, #tpu.memory_space<vmem>>, vector<16xi32>,
    %ne3A_2252 = arith.constant 1 : i32
    %ne3A_2253 = vector.broadcast %ne3A_2252 : i32 to vector<16xi32>
    %ne3A_2254 = arith.cmpi ne, %get3A_2251, %ne3A_2253 : vector<16xi32>
    %jit3A_2255 = arith.constant 1 : i32
    %jit3A_2256 = arith.constant 0 : i32
    %broadcast_in_dim3A_2257 = vector.broadcast %jit3A_2255 : i32 to vector<16xi32>
    %broadcast_in_dim3A_2258 = vector.broadcast %jit3A_2256 : i32 to vector<16xi32>
    %select_n3A_2259 = arith.select %ne3A_2254, %broadcast_in_dim3A_2257, %broadcast_in_dim3A_2258 : vector<16xi1>, vector<16xi32>
    %broadcast_in_dim3A_2260 = arith.constant true
    %broadcast_in_dim3A_2261 = vector.broadcast %broadcast_in_dim3A_2260 : i1 to vector<16xi1>
    %masked_cumsum3A_2262 = tpu.scan <sum>, %select_n3A_2259 masked %broadcast_in_dim3A_2261 : vector<16xi32>, vector<16xi1> -> vector<16xi32>
    %add3A_2263 = vector.broadcast %add3A_2247 : i32 to vector<16xi32>
    %add3A_2264 = arith.addi %masked_cumsum3A_2262, %add3A_2263 : vector<16xi32>
    %jit3A_2265 = arith.constant 0 : i32
    %broadcast_in_dim3A_2266 = vector.broadcast %jit3A_2265 : i32 to vector<16xi32>
    %select_n3A_2267 = arith.select %ne3A_2254, %add3A_2264, %broadcast_in_dim3A_2266 : vector<16xi1>, vector<16xi32>
    %add3A_2268 = arith.constant 1 : i32
    %add3A_2269 = vector.broadcast %add3A_2268 : i32 to vector<16xi32>
    %add3A_2270 = arith.addi %select_n3A_2267, %add3A_2269 : vector<16xi32>
    %reduce_sum3A_2271 = arith.constant true
    %reduce_sum3A_2272 = vector.broadcast %reduce_sum3A_2271 : i1 to vector<16xi1>
    %reduce_sum3A_2273 = tpu.scan <sum>, %select_n3A_2259 masked %reduce_sum3A_2272 : vector<16xi32>, vector<16xi1> -> vector<16xi32>
    %reduce_sum3A_2274 = vector.extract %reduce_sum3A_2273[15] : i32 from vector<16xi32>
    %add3A_2275 = arith.addi %add3A_2247, %reduce_sum3A_2274 : i32
    %swap3A_2276 = arith.constant 16 : index
    %swap3A_2277 = tpu.vector_load %arg10[%swap3A_2276] {strides = array<i32>} : memref<32xi32, #tpu.memory_space<vmem>>, vector<16xi32>,
    tpu.vector_store %arg10[%swap3A_2276], %add3A_2270 {strides = array<i32>} : memref<32xi32, #tpu.memory_space<vmem>>, vector<16xi32>,
    %dma_start3A_2278 = arith.constant 2 : i32
    %dma_start3A_2279 = arith.constant 0 : i32
    %dma_start3A_2280 = arith.constant 0 : i32
    %dma_start3A_2281 = tpu.memref_slice %arg7[%dma_start3A_2278, %dma_start3A_2279, %dma_start3A_2280] : memref<3x32x1024xf32, #tpu.memory_space<vmem>> -> memref<1x32x1024xf32, #tpu.memory_space<vmem>>
    %dma_start3A_2282 = tpu.memref_squeeze %dma_start3A_2281 : memref<1x32x1024xf32, #tpu.memory_space<vmem>> -> memref<32x1024xf32, #tpu.memory_space<vmem>>
    %dma_start3A_2283 = arith.constant 0 : i32
    %dma_start3A_2284 = arith.constant 0 : i32
    %dma_start3A_2285 = tpu.memref_slice %arg3[%dma_start3A_2283, %dma_start3A_2284] : memref<4096x1024xf32, #tpu.memory_space<hbm>> -> memref<4096x1024xf32, #tpu.memory_space<hbm>>
    tpu.enqueue_indirect_dma source(%dma_start3A_2285 : memref<4096x1024xf32, #tpu.memory_space<hbm>>) target(%dma_start3A_2282 : memref<32x1024xf32, #tpu.memory_space<vmem>>) offsets(%arg10 : memref<32xi32, #tpu.memory_space<vmem>>) semaphore(%arg18 : memref<!tpu.dma_semaphore, #tpu.memory_space<semaphore_mem>>)
    %dma_wait3A_2286 = arith.constant 1 : i32
    %dma_wait3A_2287 = arith.constant 0 : i32
    %dma_wait3A_2288 = arith.constant 0 : i32
    %dma_wait3A_2289 = tpu.memref_slice %arg7[%dma_wait3A_2286, %dma_wait3A_2287, %dma_wait3A_2288] : memref<3x32x1024xf32, #tpu.memory_space<vmem>> -> memref<1x32x1024xf32, #tpu.memory_space<vmem>>
    %dma_wait3A_2290 = tpu.memref_squeeze %dma_wait3A_2289 : memref<1x32x1024xf32, #tpu.memory_space<vmem>> -> memref<32x1024xf32, #tpu.memory_space<vmem>>
    %dma_wait3A_2291 = arith.constant 0 : i32
    %dma_wait3A_2292 = arith.constant 0 : i32
    %dma_wait3A_2293 = tpu.memref_slice %arg3[%dma_wait3A_2291, %dma_wait3A_2292] : memref<4096x1024xf32, #tpu.memory_space<hbm>> -> memref<4096x1024xf32, #tpu.memory_space<hbm>>
    tpu.wait_indirect_dma semaphore(%arg17 : memref<!tpu.dma_semaphore, #tpu.memory_space<semaphore_mem>>) src(%dma_wait3A_2293 : memref<4096x1024xf32, #tpu.memory_space<hbm>>) dst(%dma_wait3A_2290 : memref<32x1024xf32, #tpu.memory_space<vmem>>)
    %add3A_2294 = arith.constant 32 : i32
    %add3A_2295 = arith.addi %mul3A_32, %add3A_2294 : i32
    %dma_start3A_2296 = arith.constant 1 : i32
    %dma_start3A_2297 = arith.constant 0 : i32
    %dma_start3A_2298 = arith.constant 0 : i32
    %dma_start3A_2299 = tpu.memref_slice %arg7[%dma_start3A_2296, %dma_start3A_2297, %dma_start3A_2298] : memref<3x32x1024xf32, #tpu.memory_space<vmem>> -> memref<1x32x1024xf32, #tpu.memory_space<vmem>>
    %dma_start3A_2300 = tpu.memref_squeeze %dma_start3A_2299 : memref<1x32x1024xf32, #tpu.memory_space<vmem>> -> memref<32x1024xf32, #tpu.memory_space<vmem>>
    %dma_start3A_2301 = arith.constant 0 : i32
    %dma_start3A_2302 = tpu.memref_slice %arg4[%add3A_2295, %dma_start3A_2301] : memref<8192x1024xf32, #tpu.memory_space<hbm>> -> memref<32x1024xf32, #tpu.memory_space<hbm>>
    %dma_start3A_2303 = arith.constant 0 : i32
    %dma_start3A_2304 = tpu.memref_slice %arg4[%add3A_2295, %dma_start3A_2303] : memref<8192x1024xf32, #tpu.memory_space<hbm>> -> memref<32x1024xf32, #tpu.memory_space<hbm>>
    %dma_start3A_2305 = arith.constant 0 : i32
    %dma_start3A_2306 = arith.constant 0 : i32
    %dma_start3A_2307 = tpu.memref_slice %arg7[%dma_start3A_2296, %dma_start3A_2305, %dma_start3A_2306] : memref<3x32x1024xf32, #tpu.memory_space<vmem>> -> memref<1x32x1024xf32, #tpu.memory_space<vmem>>
    %dma_start3A_2308 = tpu.memref_squeeze %dma_start3A_2307 : memref<1x32x1024xf32, #tpu.memory_space<vmem>> -> memref<32x1024xf32, #tpu.memory_space<vmem>>
    tpu.enqueue_dma source(%dma_start3A_2308 : memref<32x1024xf32, #tpu.memory_space<vmem>>) target(%dma_start3A_2304 : memref<32x1024xf32, #tpu.memory_space<hbm>>) target_semaphore(%arg20 : memref<!tpu.dma_semaphore, #tpu.memory_space<semaphore_mem>>)
    %get3A_2309 = arith.constant 96 : index
    %get3A_2310 = tpu.vector_load %arg6[%get3A_2309] {strides = array<i32>} : memref<256xi32, #tpu.memory_space<vmem>>, vector<16xi32>,
    %ne3A_2311 = arith.constant 1 : i32
    %ne3A_2312 = vector.broadcast %ne3A_2311 : i32 to vector<16xi32>
    %ne3A_2313 = arith.cmpi ne, %get3A_2310, %ne3A_2312 : vector<16xi32>
    %jit3A_2314 = arith.constant 1 : i32
    %jit3A_2315 = arith.constant 0 : i32
    %broadcast_in_dim3A_2316 = vector.broadcast %jit3A_2314 : i32 to vector<16xi32>
    %broadcast_in_dim3A_2317 = vector.broadcast %jit3A_2315 : i32 to vector<16xi32>
    %select_n3A_2318 = arith.select %ne3A_2313, %broadcast_in_dim3A_2316, %broadcast_in_dim3A_2317 : vector<16xi1>, vector<16xi32>
    %broadcast_in_dim3A_2319 = arith.constant true
    %broadcast_in_dim3A_2320 = vector.broadcast %broadcast_in_dim3A_2319 : i1 to vector<16xi1>
    %masked_cumsum3A_2321 = tpu.scan <sum>, %select_n3A_2318 masked %broadcast_in_dim3A_2320 : vector<16xi32>, vector<16xi1> -> vector<16xi32>
    %add3A_2322 = vector.broadcast %add3A_2275 : i32 to vector<16xi32>
    %add3A_2323 = arith.addi %masked_cumsum3A_2321, %add3A_2322 : vector<16xi32>
    %jit3A_2324 = arith.constant 0 : i32
    %broadcast_in_dim3A_2325 = vector.broadcast %jit3A_2324 : i32 to vector<16xi32>
    %select_n3A_2326 = arith.select %ne3A_2313, %add3A_2323, %broadcast_in_dim3A_2325 : vector<16xi1>, vector<16xi32>
    %add3A_2327 = arith.constant 1 : i32
    %add3A_2328 = vector.broadcast %add3A_2327 : i32 to vector<16xi32>
    %add3A_2329 = arith.addi %select_n3A_2326, %add3A_2328 : vector<16xi32>
    %reduce_sum3A_2330 = arith.constant true
    %reduce_sum3A_2331 = vector.broadcast %reduce_sum3A_2330 : i1 to vector<16xi1>
    %reduce_sum3A_2332 = tpu.scan <sum>, %select_n3A_2318 masked %reduce_sum3A_2331 : vector<16xi32>, vector<16xi1> -> vector<16xi32>
    %reduce_sum3A_2333 = vector.extract %reduce_sum3A_2332[15] : i32 from vector<16xi32>
    %add3A_2334 = arith.addi %add3A_2275, %reduce_sum3A_2333 : i32
    %swap3A_2335 = arith.constant 0 : index
    %swap3A_2336 = tpu.vector_load %arg11[%swap3A_2335] {strides = array<i32>} : memref<32xi32, #tpu.memory_space<vmem>>, vector<16xi32>,
    tpu.vector_store %arg11[%swap3A_2335], %add3A_2329 {strides = array<i32>} : memref<32xi32, #tpu.memory_space<vmem>>, vector<16xi32>,
    %get3A_2337 = arith.constant 112 : index
    %get3A_2338 = tpu.vector_load %arg6[%get3A_2337] {strides = array<i32>} : memref<256xi32, #tpu.memory_space<vmem>>, vector<16xi32>,
    %ne3A_2339 = arith.constant 1 : i32
    %ne3A_2340 = vector.broadcast %ne3A_2339 : i32 to vector<16xi32>
    %ne3A_2341 = arith.cmpi ne, %get3A_2338, %ne3A_2340 : vector<16xi32>
    %jit3A_2342 = arith.constant 1 : i32
    %jit3A_2343 = arith.constant 0 : i32
    %broadcast_in_dim3A_2344 = vector.broadcast %jit3A_2342 : i32 to vector<16xi32>
    %broadcast_in_dim3A_2345 = vector.broadcast %jit3A_2343 : i32 to vector<16xi32>
    %select_n3A_2346 = arith.select %ne3A_2341, %broadcast_in_dim3A_2344, %broadcast_in_dim3A_2345 : vector<16xi1>, vector<16xi32>
    %broadcast_in_dim3A_2347 = arith.constant true
    %broadcast_in_dim3A_2348 = vector.broadcast %broadcast_in_dim3A_2347 : i1 to vector<16xi1>
    %masked_cumsum3A_2349 = tpu.scan <sum>, %select_n3A_2346 masked %broadcast_in_dim3A_2348 : vector<16xi32>, vector<16xi1> -> vector<16xi32>
    %add3A_2350 = vector.broadcast %add3A_2334 : i32 to vector<16xi32>
    %add3A_2351 = arith.addi %masked_cumsum3A_2349, %add3A_2350 : vector<16xi32>
    %jit3A_2352 = arith.constant 0 : i32
    %broadcast_in_dim3A_2353 = vector.broadcast %jit3A_2352 : i32 to vector<16xi32>
    %select_n3A_2354 = arith.select %ne3A_2341, %add3A_2351, %broadcast_in_dim3A_2353 : vector<16xi1>, vector<16xi32>
    %add3A_2355 = arith.constant 1 : i32
    %add3A_2356 = vector.broadcast %add3A_2355 : i32 to vector<16xi32>
    %add3A_2357 = arith.addi %select_n3A_2354, %add3A_2356 : vector<16xi32>
    %reduce_sum3A_2358 = arith.constant true
    %reduce_sum3A_2359 = vector.broadcast %reduce_sum3A_2358 : i1 to vector<16xi1>
    %reduce_sum3A_2360 = tpu.scan <sum>, %select_n3A_2346 masked %reduce_sum3A_2359 : vector<16xi32>, vector<16xi1> -> vector<16xi32>
    %reduce_sum3A_2361 = vector.extract %reduce_sum3A_2360[15] : i32 from vector<16xi32>
    %add3A_2362 = arith.addi %add3A_2334, %reduce_sum3A_2361 : i32
    %swap3A_2363 = arith.constant 16 : index
    %swap3A_2364 = tpu.vector_load %arg11[%swap3A_2363] {strides = array<i32>} : memref<32xi32, #tpu.memory_space<vmem>>, vector<16xi32>,
    tpu.vector_store %arg11[%swap3A_2363], %add3A_2357 {strides = array<i32>} : memref<32xi32, #tpu.memory_space<vmem>>, vector<16xi32>,
    %dma_wait3A_2365 = arith.constant 0 : i32
    %dma_wait3A_2366 = arith.constant 0 : i32
    %dma_wait3A_2367 = arith.constant 0 : i32
    %dma_wait3A_2368 = tpu.memref_slice %arg7[%dma_wait3A_2365, %dma_wait3A_2366, %dma_wait3A_2367] : memref<3x32x1024xf32, #tpu.memory_space<vmem>> -> memref<1x32x1024xf32, #tpu.memory_space<vmem>>
    %dma_wait3A_2369 = tpu.memref_squeeze %dma_wait3A_2368 : memref<1x32x1024xf32, #tpu.memory_space<vmem>> -> memref<32x1024xf32, #tpu.memory_space<vmem>>
    %dma_wait3A_2370 = arith.constant 0 : i32
    %dma_wait3A_2371 = tpu.memref_slice %arg4[%add3A_2208, %dma_wait3A_2370] : memref<8192x1024xf32, #tpu.memory_space<hbm>> -> memref<32x1024xf32, #tpu.memory_space<hbm>>
    %dma_wait3A_2372 = arith.constant 0 : i32
    %dma_wait3A_2373 = tpu.memref_slice %arg4[%add3A_2208, %dma_wait3A_2372] : memref<8192x1024xf32, #tpu.memory_space<hbm>> -> memref<32x1024xf32, #tpu.memory_space<hbm>>
    %dma_wait3A_2374 = arith.constant 0 : i32
    %dma_wait3A_2375 = arith.constant 0 : i32
    %dma_wait3A_2376 = tpu.memref_slice %arg7[%dma_wait3A_2365, %dma_wait3A_2374, %dma_wait3A_2375] : memref<3x32x1024xf32, #tpu.memory_space<vmem>> -> memref<1x32x1024xf32, #tpu.memory_space<vmem>>
    %dma_wait3A_2377 = tpu.memref_squeeze %dma_wait3A_2376 : memref<1x32x1024xf32, #tpu.memory_space<vmem>> -> memref<32x1024xf32, #tpu.memory_space<vmem>>
    tpu.wait_dma2 semaphore(%arg19 : memref<!tpu.dma_semaphore, #tpu.memory_space<semaphore_mem>>) src(%dma_wait3A_2377 : memref<32x1024xf32, #tpu.memory_space<vmem>>) dst(%dma_wait3A_2373 : memref<32x1024xf32, #tpu.memory_space<hbm>>)
    %dma_start3A_2378 = arith.constant 0 : i32
    %dma_start3A_2379 = arith.constant 0 : i32
    %dma_start3A_2380 = arith.constant 0 : i32
    %dma_start3A_2381 = tpu.memref_slice %arg7[%dma_start3A_2378, %dma_start3A_2379, %dma_start3A_2380] : memref<3x32x1024xf32, #tpu.memory_space<vmem>> -> memref<1x32x1024xf32, #tpu.memory_space<vmem>>
    %dma_start3A_2382 = tpu.memref_squeeze %dma_start3A_2381 : memref<1x32x1024xf32, #tpu.memory_space<vmem>> -> memref<32x1024xf32, #tpu.memory_space<vmem>>
    %dma_start3A_2383 = arith.constant 0 : i32
    %dma_start3A_2384 = arith.constant 0 : i32
    %dma_start3A_2385 = tpu.memref_slice %arg3[%dma_start3A_2383, %dma_start3A_2384] : memref<4096x1024xf32, #tpu.memory_space<hbm>> -> memref<4096x1024xf32, #tpu.memory_space<hbm>>
    tpu.enqueue_indirect_dma source(%dma_start3A_2385 : memref<4096x1024xf32, #tpu.memory_space<hbm>>) target(%dma_start3A_2382 : memref<32x1024xf32, #tpu.memory_space<vmem>>) offsets(%arg11 : memref<32xi32, #tpu.memory_space<vmem>>) semaphore(%arg16 : memref<!tpu.dma_semaphore, #tpu.memory_space<semaphore_mem>>)
    %dma_wait3A_2386 = arith.constant 2 : i32
    %dma_wait3A_2387 = arith.constant 0 : i32
    %dma_wait3A_2388 = arith.constant 0 : i32
    %dma_wait3A_2389 = tpu.memref_slice %arg7[%dma_wait3A_2386, %dma_wait3A_2387, %dma_wait3A_2388] : memref<3x32x1024xf32, #tpu.memory_space<vmem>> -> memref<1x32x1024xf32, #tpu.memory_space<vmem>>
    %dma_wait3A_2390 = tpu.memref_squeeze %dma_wait3A_2389 : memref<1x32x1024xf32, #tpu.memory_space<vmem>> -> memref<32x1024xf32, #tpu.memory_space<vmem>>
    %dma_wait3A_2391 = arith.constant 0 : i32
    %dma_wait3A_2392 = arith.constant 0 : i32
    %dma_wait3A_2393 = tpu.memref_slice %arg3[%dma_wait3A_2391, %dma_wait3A_2392] : memref<4096x1024xf32, #tpu.memory_space<hbm>> -> memref<4096x1024xf32, #tpu.memory_space<hbm>>
    tpu.wait_indirect_dma semaphore(%arg18 : memref<!tpu.dma_semaphore, #tpu.memory_space<semaphore_mem>>) src(%dma_wait3A_2393 : memref<4096x1024xf32, #tpu.memory_space<hbm>>) dst(%dma_wait3A_2390 : memref<32x1024xf32, #tpu.memory_space<vmem>>)
    %add3A_2394 = arith.constant 64 : i32
    %add3A_2395 = arith.addi %mul3A_32, %add3A_2394 : i32
    %dma_start3A_2396 = arith.constant 2 : i32
    %dma_start3A_2397 = arith.constant 0 : i32
    %dma_start3A_2398 = arith.constant 0 : i32
    %dma_start3A_2399 = tpu.memref_slice %arg7[%dma_start3A_2396, %dma_start3A_2397, %dma_start3A_2398] : memref<3x32x1024xf32, #tpu.memory_space<vmem>> -> memref<1x32x1024xf32, #tpu.memory_space<vmem>>
    %dma_start3A_2400 = tpu.memref_squeeze %dma_start3A_2399 : memref<1x32x1024xf32, #tpu.memory_space<vmem>> -> memref<32x1024xf32, #tpu.memory_space<vmem>>
    %dma_start3A_2401 = arith.constant 0 : i32
    %dma_start3A_2402 = tpu.memref_slice %arg4[%add3A_2395, %dma_start3A_2401] : memref<8192x1024xf32, #tpu.memory_space<hbm>> -> memref<32x1024xf32, #tpu.memory_space<hbm>>
    %dma_start3A_2403 = arith.constant 0 : i32
    %dma_start3A_2404 = tpu.memref_slice %arg4[%add3A_2395, %dma_start3A_2403] : memref<8192x1024xf32, #tpu.memory_space<hbm>> -> memref<32x1024xf32, #tpu.memory_space<hbm>>
    %dma_start3A_2405 = arith.constant 0 : i32
    %dma_start3A_2406 = arith.constant 0 : i32
    %dma_start3A_2407 = tpu.memref_slice %arg7[%dma_start3A_2396, %dma_start3A_2405, %dma_start3A_2406] : memref<3x32x1024xf32, #tpu.memory_space<vmem>> -> memref<1x32x1024xf32, #tpu.memory_space<vmem>>
    %dma_start3A_2408 = tpu.memref_squeeze %dma_start3A_2407 : memref<1x32x1024xf32, #tpu.memory_space<vmem>> -> memref<32x1024xf32, #tpu.memory_space<vmem>>
    tpu.enqueue_dma source(%dma_start3A_2408 : memref<32x1024xf32, #tpu.memory_space<vmem>>) target(%dma_start3A_2404 : memref<32x1024xf32, #tpu.memory_space<hbm>>) target_semaphore(%arg21 : memref<!tpu.dma_semaphore, #tpu.memory_space<semaphore_mem>>)
    %get3A_2409 = arith.constant 128 : index
    %get3A_2410 = tpu.vector_load %arg6[%get3A_2409] {strides = array<i32>} : memref<256xi32, #tpu.memory_space<vmem>>, vector<16xi32>,
    %ne3A_2411 = arith.constant 1 : i32
    %ne3A_2412 = vector.broadcast %ne3A_2411 : i32 to vector<16xi32>
    %ne3A_2413 = arith.cmpi ne, %get3A_2410, %ne3A_2412 : vector<16xi32>
    %jit3A_2414 = arith.constant 1 : i32
    %jit3A_2415 = arith.constant 0 : i32
    %broadcast_in_dim3A_2416 = vector.broadcast %jit3A_2414 : i32 to vector<16xi32>
    %broadcast_in_dim3A_2417 = vector.broadcast %jit3A_2415 : i32 to vector<16xi32>
    %select_n3A_2418 = arith.select %ne3A_2413, %broadcast_in_dim3A_2416, %broadcast_in_dim3A_2417 : vector<16xi1>, vector<16xi32>
    %broadcast_in_dim3A_2419 = arith.constant true
    %broadcast_in_dim3A_2420 = vector.broadcast %broadcast_in_dim3A_2419 : i1 to vector<16xi1>
    %masked_cumsum3A_2421 = tpu.scan <sum>, %select_n3A_2418 masked %broadcast_in_dim3A_2420 : vector<16xi32>, vector<16xi1> -> vector<16xi32>
    %add3A_2422 = vector.broadcast %add3A_2362 : i32 to vector<16xi32>
    %add3A_2423 = arith.addi %masked_cumsum3A_2421, %add3A_2422 : vector<16xi32>
    %jit3A_2424 = arith.constant 0 : i32
    %broadcast_in_dim3A_2425 = vector.broadcast %jit3A_2424 : i32 to vector<16xi32>
    %select_n3A_2426 = arith.select %ne3A_2413, %add3A_2423, %broadcast_in_dim3A_2425 : vector<16xi1>, vector<16xi32>
    %add3A_2427 = arith.constant 1 : i32
    %add3A_2428 = vector.broadcast %add3A_2427 : i32 to vector<16xi32>
    %add3A_2429 = arith.addi %select_n3A_2426, %add3A_2428 : vector<16xi32>
    %reduce_sum3A_2430 = arith.constant true
    %reduce_sum3A_2431 = vector.broadcast %reduce_sum3A_2430 : i1 to vector<16xi1>
    %reduce_sum3A_2432 = tpu.scan <sum>, %select_n3A_2418 masked %reduce_sum3A_2431 : vector<16xi32>, vector<16xi1> -> vector<16xi32>
    %reduce_sum3A_2433 = vector.extract %reduce_sum3A_2432[15] : i32 from vector<16xi32>
    %add3A_2434 = arith.addi %add3A_2362, %reduce_sum3A_2433 : i32
    %swap3A_2435 = arith.constant 0 : index
    %swap3A_2436 = tpu.vector_load %arg12[%swap3A_2435] {strides = array<i32>} : memref<32xi32, #tpu.memory_space<vmem>>, vector<16xi32>,
    tpu.vector_store %arg12[%swap3A_2435], %add3A_2429 {strides = array<i32>} : memref<32xi32, #tpu.memory_space<vmem>>, vector<16xi32>,
    %get3A_2437 = arith.constant 144 : index
    %get3A_2438 = tpu.vector_load %arg6[%get3A_2437] {strides = array<i32>} : memref<256xi32, #tpu.memory_space<vmem>>, vector<16xi32>,
    %ne3A_2439 = arith.constant 1 : i32
    %ne3A_2440 = vector.broadcast %ne3A_2439 : i32 to vector<16xi32>
    %ne3A_2441 = arith.cmpi ne, %get3A_2438, %ne3A_2440 : vector<16xi32>
    %jit3A_2442 = arith.constant 1 : i32
    %jit3A_2443 = arith.constant 0 : i32
    %broadcast_in_dim3A_2444 = vector.broadcast %jit3A_2442 : i32 to vector<16xi32>
    %broadcast_in_dim3A_2445 = vector.broadcast %jit3A_2443 : i32 to vector<16xi32>
    %select_n3A_2446 = arith.select %ne3A_2441, %broadcast_in_dim3A_2444, %broadcast_in_dim3A_2445 : vector<16xi1>, vector<16xi32>
    %broadcast_in_dim3A_2447 = arith.constant true
    %broadcast_in_dim3A_2448 = vector.broadcast %broadcast_in_dim3A_2447 : i1 to vector<16xi1>
    %masked_cumsum3A_2449 = tpu.scan <sum>, %select_n3A_2446 masked %broadcast_in_dim3A_2448 : vector<16xi32>, vector<16xi1> -> vector<16xi32>
    %add3A_2450 = vector.broadcast %add3A_2434 : i32 to vector<16xi32>
    %add3A_2451 = arith.addi %masked_cumsum3A_2449, %add3A_2450 : vector<16xi32>
    %jit3A_2452 = arith.constant 0 : i32
    %broadcast_in_dim3A_2453 = vector.broadcast %jit3A_2452 : i32 to vector<16xi32>
    %select_n3A_2454 = arith.select %ne3A_2441, %add3A_2451, %broadcast_in_dim3A_2453 : vector<16xi1>, vector<16xi32>
    %add3A_2455 = arith.constant 1 : i32
    %add3A_2456 = vector.broadcast %add3A_2455 : i32 to vector<16xi32>
    %add3A_2457 = arith.addi %select_n3A_2454, %add3A_2456 : vector<16xi32>
    %reduce_sum3A_2458 = arith.constant true
    %reduce_sum3A_2459 = vector.broadcast %reduce_sum3A_2458 : i1 to vector<16xi1>
    %reduce_sum3A_2460 = tpu.scan <sum>, %select_n3A_2446 masked %reduce_sum3A_2459 : vector<16xi32>, vector<16xi1> -> vector<16xi32>
    %reduce_sum3A_2461 = vector.extract %reduce_sum3A_2460[15] : i32 from vector<16xi32>
    %add3A_2462 = arith.addi %add3A_2434, %reduce_sum3A_2461 : i32
    %swap3A_2463 = arith.constant 16 : index
    %swap3A_2464 = tpu.vector_load %arg12[%swap3A_2463] {strides = array<i32>} : memref<32xi32, #tpu.memory_space<vmem>>, vector<16xi32>,
    tpu.vector_store %arg12[%swap3A_2463], %add3A_2457 {strides = array<i32>} : memref<32xi32, #tpu.memory_space<vmem>>, vector<16xi32>,
    %dma_wait3A_2465 = arith.constant 1 : i32
    %dma_wait3A_2466 = arith.constant 0 : i32
    %dma_wait3A_2467 = arith.constant 0 : i32
    %dma_wait3A_2468 = tpu.memref_slice %arg7[%dma_wait3A_2465, %dma_wait3A_2466, %dma_wait3A_2467] : memref<3x32x1024xf32, #tpu.memory_space<vmem>> -> memref<1x32x1024xf32, #tpu.memory_space<vmem>>
    %dma_wait3A_2469 = tpu.memref_squeeze %dma_wait3A_2468 : memref<1x32x1024xf32, #tpu.memory_space<vmem>> -> memref<32x1024xf32, #tpu.memory_space<vmem>>
    %dma_wait3A_2470 = arith.constant 0 : i32
    %dma_wait3A_2471 = tpu.memref_slice %arg4[%add3A_2295, %dma_wait3A_2470] : memref<8192x1024xf32, #tpu.memory_space<hbm>> -> memref<32x1024xf32, #tpu.memory_space<hbm>>
    %dma_wait3A_2472 = arith.constant 0 : i32
    %dma_wait3A_2473 = tpu.memref_slice %arg4[%add3A_2295, %dma_wait3A_2472] : memref<8192x1024xf32, #tpu.memory_space<hbm>> -> memref<32x1024xf32, #tpu.memory_space<hbm>>
    %dma_wait3A_2474 = arith.constant 0 : i32
    %dma_wait3A_2475 = arith.constant 0 : i32
    %dma_wait3A_2476 = tpu.memref_slice %arg7[%dma_wait3A_2465, %dma_wait3A_2474, %dma_wait3A_2475] : memref<3x32x1024xf32, #tpu.memory_space<vmem>> -> memref<1x32x1024xf32, #tpu.memory_space<vmem>>
    %dma_wait3A_2477 = tpu.memref_squeeze %dma_wait3A_2476 : memref<1x32x1024xf32, #tpu.memory_space<vmem>> -> memref<32x1024xf32, #tpu.memory_space<vmem>>
    tpu.wait_dma2 semaphore(%arg20 : memref<!tpu.dma_semaphore, #tpu.memory_space<semaphore_mem>>) src(%dma_wait3A_2477 : memref<32x1024xf32, #tpu.memory_space<vmem>>) dst(%dma_wait3A_2473 : memref<32x1024xf32, #tpu.memory_space<hbm>>)
    %dma_start3A_2478 = arith.constant 1 : i32
    %dma_start3A_2479 = arith.constant 0 : i32
    %dma_start3A_2480 = arith.constant 0 : i32
    %dma_start3A_2481 = tpu.memref_slice %arg7[%dma_start3A_2478, %dma_start3A_2479, %dma_start3A_2480] : memref<3x32x1024xf32, #tpu.memory_space<vmem>> -> memref<1x32x1024xf32, #tpu.memory_space<vmem>>
    %dma_start3A_2482 = tpu.memref_squeeze %dma_start3A_2481 : memref<1x32x1024xf32, #tpu.memory_space<vmem>> -> memref<32x1024xf32, #tpu.memory_space<vmem>>
    %dma_start3A_2483 = arith.constant 0 : i32
    %dma_start3A_2484 = arith.constant 0 : i32
    %dma_start3A_2485 = tpu.memref_slice %arg3[%dma_start3A_2483, %dma_start3A_2484] : memref<4096x1024xf32, #tpu.memory_space<hbm>> -> memref<4096x1024xf32, #tpu.memory_space<hbm>>
    tpu.enqueue_indirect_dma source(%dma_start3A_2485 : memref<4096x1024xf32, #tpu.memory_space<hbm>>) target(%dma_start3A_2482 : memref<32x1024xf32, #tpu.memory_space<vmem>>) offsets(%arg12 : memref<32xi32, #tpu.memory_space<vmem>>) semaphore(%arg17 : memref<!tpu.dma_semaphore, #tpu.memory_space<semaphore_mem>>)
    %dma_wait3A_2486 = arith.constant 0 : i32
    %dma_wait3A_2487 = arith.constant 0 : i32
    %dma_wait3A_2488 = arith.constant 0 : i32
    %dma_wait3A_2489 = tpu.memref_slice %arg7[%dma_wait3A_2486, %dma_wait3A_2487, %dma_wait3A_2488] : memref<3x32x1024xf32, #tpu.memory_space<vmem>> -> memref<1x32x1024xf32, #tpu.memory_space<vmem>>
    %dma_wait3A_2490 = tpu.memref_squeeze %dma_wait3A_2489 : memref<1x32x1024xf32, #tpu.memory_space<vmem>> -> memref<32x1024xf32, #tpu.memory_space<vmem>>
    %dma_wait3A_2491 = arith.constant 0 : i32
    %dma_wait3A_2492 = arith.constant 0 : i32
    %dma_wait3A_2493 = tpu.memref_slice %arg3[%dma_wait3A_2491, %dma_wait3A_2492] : memref<4096x1024xf32, #tpu.memory_space<hbm>> -> memref<4096x1024xf32, #tpu.memory_space<hbm>>
    tpu.wait_indirect_dma semaphore(%arg16 : memref<!tpu.dma_semaphore, #tpu.memory_space<semaphore_mem>>) src(%dma_wait3A_2493 : memref<4096x1024xf32, #tpu.memory_space<hbm>>) dst(%dma_wait3A_2490 : memref<32x1024xf32, #tpu.memory_space<vmem>>)
    %add3A_2494 = arith.constant 96 : i32
    %add3A_2495 = arith.addi %mul3A_32, %add3A_2494 : i32
    %dma_start3A_2496 = arith.constant 0 : i32
    %dma_start3A_2497 = arith.constant 0 : i32
    %dma_start3A_2498 = arith.constant 0 : i32
    %dma_start3A_2499 = tpu.memref_slice %arg7[%dma_start3A_2496, %dma_start3A_2497, %dma_start3A_2498] : memref<3x32x1024xf32, #tpu.memory_space<vmem>> -> memref<1x32x1024xf32, #tpu.memory_space<vmem>>
    %dma_start3A_2500 = tpu.memref_squeeze %dma_start3A_2499 : memref<1x32x1024xf32, #tpu.memory_space<vmem>> -> memref<32x1024xf32, #tpu.memory_space<vmem>>
    %dma_start3A_2501 = arith.constant 0 : i32
    %dma_start3A_2502 = tpu.memref_slice %arg4[%add3A_2495, %dma_start3A_2501] : memref<8192x1024xf32, #tpu.memory_space<hbm>> -> memref<32x1024xf32, #tpu.memory_space<hbm>>
    %dma_start3A_2503 = arith.constant 0 : i32
    %dma_start3A_2504 = tpu.memref_slice %arg4[%add3A_2495, %dma_start3A_2503] : memref<8192x1024xf32, #tpu.memory_space<hbm>> -> memref<32x1024xf32, #tpu.memory_space<hbm>>
    %dma_start3A_2505 = arith.constant 0 : i32
    %dma_start3A_2506 = arith.constant 0 : i32
    %dma_start3A_2507 = tpu.memref_slice %arg7[%dma_start3A_2496, %dma_start3A_2505, %dma_start3A_2506] : memref<3x32x1024xf32, #tpu.memory_space<vmem>> -> memref<1x32x1024xf32, #tpu.memory_space<vmem>>
    %dma_start3A_2508 = tpu.memref_squeeze %dma_start3A_2507 : memref<1x32x1024xf32, #tpu.memory_space<vmem>> -> memref<32x1024xf32, #tpu.memory_space<vmem>>
    tpu.enqueue_dma source(%dma_start3A_2508 : memref<32x1024xf32, #tpu.memory_space<vmem>>) target(%dma_start3A_2504 : memref<32x1024xf32, #tpu.memory_space<hbm>>) target_semaphore(%arg19 : memref<!tpu.dma_semaphore, #tpu.memory_space<semaphore_mem>>)
    %get3A_2509 = arith.constant 160 : index
    %get3A_2510 = tpu.vector_load %arg6[%get3A_2509] {strides = array<i32>} : memref<256xi32, #tpu.memory_space<vmem>>, vector<16xi32>,
    %ne3A_2511 = arith.constant 1 : i32
    %ne3A_2512 = vector.broadcast %ne3A_2511 : i32 to vector<16xi32>
    %ne3A_2513 = arith.cmpi ne, %get3A_2510, %ne3A_2512 : vector<16xi32>
    %jit3A_2514 = arith.constant 1 : i32
    %jit3A_2515 = arith.constant 0 : i32
    %broadcast_in_dim3A_2516 = vector.broadcast %jit3A_2514 : i32 to vector<16xi32>
    %broadcast_in_dim3A_2517 = vector.broadcast %jit3A_2515 : i32 to vector<16xi32>
    %select_n3A_2518 = arith.select %ne3A_2513, %broadcast_in_dim3A_2516, %broadcast_in_dim3A_2517 : vector<16xi1>, vector<16xi32>
    %broadcast_in_dim3A_2519 = arith.constant true
    %broadcast_in_dim3A_2520 = vector.broadcast %broadcast_in_dim3A_2519 : i1 to vector<16xi1>
    %masked_cumsum3A_2521 = tpu.scan <sum>, %select_n3A_2518 masked %broadcast_in_dim3A_2520 : vector<16xi32>, vector<16xi1> -> vector<16xi32>
    %add3A_2522 = vector.broadcast %add3A_2462 : i32 to vector<16xi32>
    %add3A_2523 = arith.addi %masked_cumsum3A_2521, %add3A_2522 : vector<16xi32>
    %jit3A_2524 = arith.constant 0 : i32
    %broadcast_in_dim3A_2525 = vector.broadcast %jit3A_2524 : i32 to vector<16xi32>
    %select_n3A_2526 = arith.select %ne3A_2513, %add3A_2523, %broadcast_in_dim3A_2525 : vector<16xi1>, vector<16xi32>
    %add3A_2527 = arith.constant 1 : i32
    %add3A_2528 = vector.broadcast %add3A_2527 : i32 to vector<16xi32>
    %add3A_2529 = arith.addi %select_n3A_2526, %add3A_2528 : vector<16xi32>
    %reduce_sum3A_2530 = arith.constant true
    %reduce_sum3A_2531 = vector.broadcast %reduce_sum3A_2530 : i1 to vector<16xi1>
    %reduce_sum3A_2532 = tpu.scan <sum>, %select_n3A_2518 masked %reduce_sum3A_2531 : vector<16xi32>, vector<16xi1> -> vector<16xi32>
    %reduce_sum3A_2533 = vector.extract %reduce_sum3A_2532[15] : i32 from vector<16xi32>
    %add3A_2534 = arith.addi %add3A_2462, %reduce_sum3A_2533 : i32
    %swap3A_2535 = arith.constant 0 : index
    %swap3A_2536 = tpu.vector_load %arg13[%swap3A_2535] {strides = array<i32>} : memref<32xi32, #tpu.memory_space<vmem>>, vector<16xi32>,
    tpu.vector_store %arg13[%swap3A_2535], %add3A_2529 {strides = array<i32>} : memref<32xi32, #tpu.memory_space<vmem>>, vector<16xi32>,
    %get3A_2537 = arith.constant 176 : index
    %get3A_2538 = tpu.vector_load %arg6[%get3A_2537] {strides = array<i32>} : memref<256xi32, #tpu.memory_space<vmem>>, vector<16xi32>,
    %ne3A_2539 = arith.constant 1 : i32
    %ne3A_2540 = vector.broadcast %ne3A_2539 : i32 to vector<16xi32>
    %ne3A_2541 = arith.cmpi ne, %get3A_2538, %ne3A_2540 : vector<16xi32>
    %jit3A_2542 = arith.constant 1 : i32
    %jit3A_2543 = arith.constant 0 : i32
    %broadcast_in_dim3A_2544 = vector.broadcast %jit3A_2542 : i32 to vector<16xi32>
    %broadcast_in_dim3A_2545 = vector.broadcast %jit3A_2543 : i32 to vector<16xi32>
    %select_n3A_2546 = arith.select %ne3A_2541, %broadcast_in_dim3A_2544, %broadcast_in_dim3A_2545 : vector<16xi1>, vector<16xi32>
    %broadcast_in_dim3A_2547 = arith.constant true
    %broadcast_in_dim3A_2548 = vector.broadcast %broadcast_in_dim3A_2547 : i1 to vector<16xi1>
    %masked_cumsum3A_2549 = tpu.scan <sum>, %select_n3A_2546 masked %broadcast_in_dim3A_2548 : vector<16xi32>, vector<16xi1> -> vector<16xi32>
    %add3A_2550 = vector.broadcast %add3A_2534 : i32 to vector<16xi32>
    %add3A_2551 = arith.addi %masked_cumsum3A_2549, %add3A_2550 : vector<16xi32>
    %jit3A_2552 = arith.constant 0 : i32
    %broadcast_in_dim3A_2553 = vector.broadcast %jit3A_2552 : i32 to vector<16xi32>
    %select_n3A_2554 = arith.select %ne3A_2541, %add3A_2551, %broadcast_in_dim3A_2553 : vector<16xi1>, vector<16xi32>
    %add3A_2555 = arith.constant 1 : i32
    %add3A_2556 = vector.broadcast %add3A_2555 : i32 to vector<16xi32>
    %add3A_2557 = arith.addi %select_n3A_2554, %add3A_2556 : vector<16xi32>
    %reduce_sum3A_2558 = arith.constant true
    %reduce_sum3A_2559 = vector.broadcast %reduce_sum3A_2558 : i1 to vector<16xi1>
    %reduce_sum3A_2560 = tpu.scan <sum>, %select_n3A_2546 masked %reduce_sum3A_2559 : vector<16xi32>, vector<16xi1> -> vector<16xi32>
    %reduce_sum3A_2561 = vector.extract %reduce_sum3A_2560[15] : i32 from vector<16xi32>
    %add3A_2562 = arith.addi %add3A_2534, %reduce_sum3A_2561 : i32
    %swap3A_2563 = arith.constant 16 : index
    %swap3A_2564 = tpu.vector_load %arg13[%swap3A_2563] {strides = array<i32>} : memref<32xi32, #tpu.memory_space<vmem>>, vector<16xi32>,
    tpu.vector_store %arg13[%swap3A_2563], %add3A_2557 {strides = array<i32>} : memref<32xi32, #tpu.memory_space<vmem>>, vector<16xi32>,
    %dma_wait3A_2565 = arith.constant 2 : i32
    %dma_wait3A_2566 = arith.constant 0 : i32
    %dma_wait3A_2567 = arith.constant 0 : i32
    %dma_wait3A_2568 = tpu.memref_slice %arg7[%dma_wait3A_2565, %dma_wait3A_2566, %dma_wait3A_2567] : memref<3x32x1024xf32, #tpu.memory_space<vmem>> -> memref<1x32x1024xf32, #tpu.memory_space<vmem>>
    %dma_wait3A_2569 = tpu.memref_squeeze %dma_wait3A_2568 : memref<1x32x1024xf32, #tpu.memory_space<vmem>> -> memref<32x1024xf32, #tpu.memory_space<vmem>>
    %dma_wait3A_2570 = arith.constant 0 : i32
    %dma_wait3A_2571 = tpu.memref_slice %arg4[%add3A_2395, %dma_wait3A_2570] : memref<8192x1024xf32, #tpu.memory_space<hbm>> -> memref<32x1024xf32, #tpu.memory_space<hbm>>
    %dma_wait3A_2572 = arith.constant 0 : i32
    %dma_wait3A_2573 = tpu.memref_slice %arg4[%add3A_2395, %dma_wait3A_2572] : memref<8192x1024xf32, #tpu.memory_space<hbm>> -> memref<32x1024xf32, #tpu.memory_space<hbm>>
    %dma_wait3A_2574 = arith.constant 0 : i32
    %dma_wait3A_2575 = arith.constant 0 : i32
    %dma_wait3A_2576 = tpu.memref_slice %arg7[%dma_wait3A_2565, %dma_wait3A_2574, %dma_wait3A_2575] : memref<3x32x1024xf32, #tpu.memory_space<vmem>> -> memref<1x32x1024xf32, #tpu.memory_space<vmem>>
    %dma_wait3A_2577 = tpu.memref_squeeze %dma_wait3A_2576 : memref<1x32x1024xf32, #tpu.memory_space<vmem>> -> memref<32x1024xf32, #tpu.memory_space<vmem>>
    tpu.wait_dma2 semaphore(%arg21 : memref<!tpu.dma_semaphore, #tpu.memory_space<semaphore_mem>>) src(%dma_wait3A_2577 : memref<32x1024xf32, #tpu.memory_space<vmem>>) dst(%dma_wait3A_2573 : memref<32x1024xf32, #tpu.memory_space<hbm>>)
    %dma_start3A_2578 = arith.constant 2 : i32
    %dma_start3A_2579 = arith.constant 0 : i32
    %dma_start3A_2580 = arith.constant 0 : i32
    %dma_start3A_2581 = tpu.memref_slice %arg7[%dma_start3A_2578, %dma_start3A_2579, %dma_start3A_2580] : memref<3x32x1024xf32, #tpu.memory_space<vmem>> -> memref<1x32x1024xf32, #tpu.memory_space<vmem>>
    %dma_start3A_2582 = tpu.memref_squeeze %dma_start3A_2581 : memref<1x32x1024xf32, #tpu.memory_space<vmem>> -> memref<32x1024xf32, #tpu.memory_space<vmem>>
    %dma_start3A_2583 = arith.constant 0 : i32
    %dma_start3A_2584 = arith.constant 0 : i32
    %dma_start3A_2585 = tpu.memref_slice %arg3[%dma_start3A_2583, %dma_start3A_2584] : memref<4096x1024xf32, #tpu.memory_space<hbm>> -> memref<4096x1024xf32, #tpu.memory_space<hbm>>
    tpu.enqueue_indirect_dma source(%dma_start3A_2585 : memref<4096x1024xf32, #tpu.memory_space<hbm>>) target(%dma_start3A_2582 : memref<32x1024xf32, #tpu.memory_space<vmem>>) offsets(%arg13 : memref<32xi32, #tpu.memory_space<vmem>>) semaphore(%arg18 : memref<!tpu.dma_semaphore, #tpu.memory_space<semaphore_mem>>)
    %dma_wait3A_2586 = arith.constant 1 : i32
    %dma_wait3A_2587 = arith.constant 0 : i32
    %dma_wait3A_2588 = arith.constant 0 : i32
    %dma_wait3A_2589 = tpu.memref_slice %arg7[%dma_wait3A_2586, %dma_wait3A_2587, %dma_wait3A_2588] : memref<3x32x1024xf32, #tpu.memory_space<vmem>> -> memref<1x32x1024xf32, #tpu.memory_space<vmem>>
    %dma_wait3A_2590 = tpu.memref_squeeze %dma_wait3A_2589 : memref<1x32x1024xf32, #tpu.memory_space<vmem>> -> memref<32x1024xf32, #tpu.memory_space<vmem>>
    %dma_wait3A_2591 = arith.constant 0 : i32
    %dma_wait3A_2592 = arith.constant 0 : i32
    %dma_wait3A_2593 = tpu.memref_slice %arg3[%dma_wait3A_2591, %dma_wait3A_2592] : memref<4096x1024xf32, #tpu.memory_space<hbm>> -> memref<4096x1024xf32, #tpu.memory_space<hbm>>
    tpu.wait_indirect_dma semaphore(%arg17 : memref<!tpu.dma_semaphore, #tpu.memory_space<semaphore_mem>>) src(%dma_wait3A_2593 : memref<4096x1024xf32, #tpu.memory_space<hbm>>) dst(%dma_wait3A_2590 : memref<32x1024xf32, #tpu.memory_space<vmem>>)
    %add3A_2594 = arith.constant 128 : i32
    %add3A_2595 = arith.addi %mul3A_32, %add3A_2594 : i32
    %dma_start3A_2596 = arith.constant 1 : i32
    %dma_start3A_2597 = arith.constant 0 : i32
    %dma_start3A_2598 = arith.constant 0 : i32
    %dma_start3A_2599 = tpu.memref_slice %arg7[%dma_start3A_2596, %dma_start3A_2597, %dma_start3A_2598] : memref<3x32x1024xf32, #tpu.memory_space<vmem>> -> memref<1x32x1024xf32, #tpu.memory_space<vmem>>
    %dma_start3A_2600 = tpu.memref_squeeze %dma_start3A_2599 : memref<1x32x1024xf32, #tpu.memory_space<vmem>> -> memref<32x1024xf32, #tpu.memory_space<vmem>>
    %dma_start3A_2601 = arith.constant 0 : i32
    %dma_start3A_2602 = tpu.memref_slice %arg4[%add3A_2595, %dma_start3A_2601] : memref<8192x1024xf32, #tpu.memory_space<hbm>> -> memref<32x1024xf32, #tpu.memory_space<hbm>>
    %dma_start3A_2603 = arith.constant 0 : i32
    %dma_start3A_2604 = tpu.memref_slice %arg4[%add3A_2595, %dma_start3A_2603] : memref<8192x1024xf32, #tpu.memory_space<hbm>> -> memref<32x1024xf32, #tpu.memory_space<hbm>>
    %dma_start3A_2605 = arith.constant 0 : i32
    %dma_start3A_2606 = arith.constant 0 : i32
    %dma_start3A_2607 = tpu.memref_slice %arg7[%dma_start3A_2596, %dma_start3A_2605, %dma_start3A_2606] : memref<3x32x1024xf32, #tpu.memory_space<vmem>> -> memref<1x32x1024xf32, #tpu.memory_space<vmem>>
    %dma_start3A_2608 = tpu.memref_squeeze %dma_start3A_2607 : memref<1x32x1024xf32, #tpu.memory_space<vmem>> -> memref<32x1024xf32, #tpu.memory_space<vmem>>
    tpu.enqueue_dma source(%dma_start3A_2608 : memref<32x1024xf32, #tpu.memory_space<vmem>>) target(%dma_start3A_2604 : memref<32x1024xf32, #tpu.memory_space<hbm>>) target_semaphore(%arg20 : memref<!tpu.dma_semaphore, #tpu.memory_space<semaphore_mem>>)
    %get3A_2609 = arith.constant 192 : index
    %get3A_2610 = tpu.vector_load %arg6[%get3A_2609] {strides = array<i32>} : memref<256xi32, #tpu.memory_space<vmem>>, vector<16xi32>,
    %ne3A_2611 = arith.constant 1 : i32
    %ne3A_2612 = vector.broadcast %ne3A_2611 : i32 to vector<16xi32>
    %ne3A_2613 = arith.cmpi ne, %get3A_2610, %ne3A_2612 : vector<16xi32>
    %jit3A_2614 = arith.constant 1 : i32
    %jit3A_2615 = arith.constant 0 : i32
    %broadcast_in_dim3A_2616 = vector.broadcast %jit3A_2614 : i32 to vector<16xi32>
    %broadcast_in_dim3A_2617 = vector.broadcast %jit3A_2615 : i32 to vector<16xi32>
    %select_n3A_2618 = arith.select %ne3A_2613, %broadcast_in_dim3A_2616, %broadcast_in_dim3A_2617 : vector<16xi1>, vector<16xi32>
    %broadcast_in_dim3A_2619 = arith.constant true
    %broadcast_in_dim3A_2620 = vector.broadcast %broadcast_in_dim3A_2619 : i1 to vector<16xi1>
    %masked_cumsum3A_2621 = tpu.scan <sum>, %select_n3A_2618 masked %broadcast_in_dim3A_2620 : vector<16xi32>, vector<16xi1> -> vector<16xi32>
    %add3A_2622 = vector.broadcast %add3A_2562 : i32 to vector<16xi32>
    %add3A_2623 = arith.addi %masked_cumsum3A_2621, %add3A_2622 : vector<16xi32>
    %jit3A_2624 = arith.constant 0 : i32
    %broadcast_in_dim3A_2625 = vector.broadcast %jit3A_2624 : i32 to vector<16xi32>
    %select_n3A_2626 = arith.select %ne3A_2613, %add3A_2623, %broadcast_in_dim3A_2625 : vector<16xi1>, vector<16xi32>
    %add3A_2627 = arith.constant 1 : i32
    %add3A_2628 = vector.broadcast %add3A_2627 : i32 to vector<16xi32>
    %add3A_2629 = arith.addi %select_n3A_2626, %add3A_2628 : vector<16xi32>
    %reduce_sum3A_2630 = arith.constant true
    %reduce_sum3A_2631 = vector.broadcast %reduce_sum3A_2630 : i1 to vector<16xi1>
    %reduce_sum3A_2632 = tpu.scan <sum>, %select_n3A_2618 masked %reduce_sum3A_2631 : vector<16xi32>, vector<16xi1> -> vector<16xi32>
    %reduce_sum3A_2633 = vector.extract %reduce_sum3A_2632[15] : i32 from vector<16xi32>
    %add3A_2634 = arith.addi %add3A_2562, %reduce_sum3A_2633 : i32
    %swap3A_2635 = arith.constant 0 : index
    %swap3A_2636 = tpu.vector_load %arg14[%swap3A_2635] {strides = array<i32>} : memref<32xi32, #tpu.memory_space<vmem>>, vector<16xi32>,
    tpu.vector_store %arg14[%swap3A_2635], %add3A_2629 {strides = array<i32>} : memref<32xi32, #tpu.memory_space<vmem>>, vector<16xi32>,
    %get3A_2637 = arith.constant 208 : index
    %get3A_2638 = tpu.vector_load %arg6[%get3A_2637] {strides = array<i32>} : memref<256xi32, #tpu.memory_space<vmem>>, vector<16xi32>,
    %ne3A_2639 = arith.constant 1 : i32
    %ne3A_2640 = vector.broadcast %ne3A_2639 : i32 to vector<16xi32>
    %ne3A_2641 = arith.cmpi ne, %get3A_2638, %ne3A_2640 : vector<16xi32>
    %jit3A_2642 = arith.constant 1 : i32
    %jit3A_2643 = arith.constant 0 : i32
    %broadcast_in_dim3A_2644 = vector.broadcast %jit3A_2642 : i32 to vector<16xi32>
    %broadcast_in_dim3A_2645 = vector.broadcast %jit3A_2643 : i32 to vector<16xi32>
    %select_n3A_2646 = arith.select %ne3A_2641, %broadcast_in_dim3A_2644, %broadcast_in_dim3A_2645 : vector<16xi1>, vector<16xi32>
    %broadcast_in_dim3A_2647 = arith.constant true
    %broadcast_in_dim3A_2648 = vector.broadcast %broadcast_in_dim3A_2647 : i1 to vector<16xi1>
    %masked_cumsum3A_2649 = tpu.scan <sum>, %select_n3A_2646 masked %broadcast_in_dim3A_2648 : vector<16xi32>, vector<16xi1> -> vector<16xi32>
    %add3A_2650 = vector.broadcast %add3A_2634 : i32 to vector<16xi32>
    %add3A_2651 = arith.addi %masked_cumsum3A_2649, %add3A_2650 : vector<16xi32>
    %jit3A_2652 = arith.constant 0 : i32
    %broadcast_in_dim3A_2653 = vector.broadcast %jit3A_2652 : i32 to vector<16xi32>
    %select_n3A_2654 = arith.select %ne3A_2641, %add3A_2651, %broadcast_in_dim3A_2653 : vector<16xi1>, vector<16xi32>
    %add3A_2655 = arith.constant 1 : i32
    %add3A_2656 = vector.broadcast %add3A_2655 : i32 to vector<16xi32>
    %add3A_2657 = arith.addi %select_n3A_2654, %add3A_2656 : vector<16xi32>
    %reduce_sum3A_2658 = arith.constant true
    %reduce_sum3A_2659 = vector.broadcast %reduce_sum3A_2658 : i1 to vector<16xi1>
    %reduce_sum3A_2660 = tpu.scan <sum>, %select_n3A_2646 masked %reduce_sum3A_2659 : vector<16xi32>, vector<16xi1> -> vector<16xi32>
    %reduce_sum3A_2661 = vector.extract %reduce_sum3A_2660[15] : i32 from vector<16xi32>
    %add3A_2662 = arith.addi %add3A_2634, %reduce_sum3A_2661 : i32
    %swap3A_2663 = arith.constant 16 : index
    %swap3A_2664 = tpu.vector_load %arg14[%swap3A_2663] {strides = array<i32>} : memref<32xi32, #tpu.memory_space<vmem>>, vector<16xi32>,
    tpu.vector_store %arg14[%swap3A_2663], %add3A_2657 {strides = array<i32>} : memref<32xi32, #tpu.memory_space<vmem>>, vector<16xi32>,
    %dma_wait3A_2665 = arith.constant 0 : i32
    %dma_wait3A_2666 = arith.constant 0 : i32
    %dma_wait3A_2667 = arith.constant 0 : i32
    %dma_wait3A_2668 = tpu.memref_slice %arg7[%dma_wait3A_2665, %dma_wait3A_2666, %dma_wait3A_2667] : memref<3x32x1024xf32, #tpu.memory_space<vmem>> -> memref<1x32x1024xf32, #tpu.memory_space<vmem>>
    %dma_wait3A_2669 = tpu.memref_squeeze %dma_wait3A_2668 : memref<1x32x1024xf32, #tpu.memory_space<vmem>> -> memref<32x1024xf32, #tpu.memory_space<vmem>>
    %dma_wait3A_2670 = arith.constant 0 : i32
    %dma_wait3A_2671 = tpu.memref_slice %arg4[%add3A_2495, %dma_wait3A_2670] : memref<8192x1024xf32, #tpu.memory_space<hbm>> -> memref<32x1024xf32, #tpu.memory_space<hbm>>
    %dma_wait3A_2672 = arith.constant 0 : i32
    %dma_wait3A_2673 = tpu.memref_slice %arg4[%add3A_2495, %dma_wait3A_2672] : memref<8192x1024xf32, #tpu.memory_space<hbm>> -> memref<32x1024xf32, #tpu.memory_space<hbm>>
    %dma_wait3A_2674 = arith.constant 0 : i32
    %dma_wait3A_2675 = arith.constant 0 : i32
    %dma_wait3A_2676 = tpu.memref_slice %arg7[%dma_wait3A_2665, %dma_wait3A_2674, %dma_wait3A_2675] : memref<3x32x1024xf32, #tpu.memory_space<vmem>> -> memref<1x32x1024xf32, #tpu.memory_space<vmem>>
    %dma_wait3A_2677 = tpu.memref_squeeze %dma_wait3A_2676 : memref<1x32x1024xf32, #tpu.memory_space<vmem>> -> memref<32x1024xf32, #tpu.memory_space<vmem>>
    tpu.wait_dma2 semaphore(%arg19 : memref<!tpu.dma_semaphore, #tpu.memory_space<semaphore_mem>>) src(%dma_wait3A_2677 : memref<32x1024xf32, #tpu.memory_space<vmem>>) dst(%dma_wait3A_2673 : memref<32x1024xf32, #tpu.memory_space<hbm>>)
    %dma_start3A_2678 = arith.constant 0 : i32
    %dma_start3A_2679 = arith.constant 0 : i32
    %dma_start3A_2680 = arith.constant 0 : i32
    %dma_start3A_2681 = tpu.memref_slice %arg7[%dma_start3A_2678, %dma_start3A_2679, %dma_start3A_2680] : memref<3x32x1024xf32, #tpu.memory_space<vmem>> -> memref<1x32x1024xf32, #tpu.memory_space<vmem>>
    %dma_start3A_2682 = tpu.memref_squeeze %dma_start3A_2681 : memref<1x32x1024xf32, #tpu.memory_space<vmem>> -> memref<32x1024xf32, #tpu.memory_space<vmem>>
    %dma_start3A_2683 = arith.constant 0 : i32
    %dma_start3A_2684 = arith.constant 0 : i32
    %dma_start3A_2685 = tpu.memref_slice %arg3[%dma_start3A_2683, %dma_start3A_2684] : memref<4096x1024xf32, #tpu.memory_space<hbm>> -> memref<4096x1024xf32, #tpu.memory_space<hbm>>
    tpu.enqueue_indirect_dma source(%dma_start3A_2685 : memref<4096x1024xf32, #tpu.memory_space<hbm>>) target(%dma_start3A_2682 : memref<32x1024xf32, #tpu.memory_space<vmem>>) offsets(%arg14 : memref<32xi32, #tpu.memory_space<vmem>>) semaphore(%arg16 : memref<!tpu.dma_semaphore, #tpu.memory_space<semaphore_mem>>)
    %dma_wait3A_2686 = arith.constant 2 : i32
    %dma_wait3A_2687 = arith.constant 0 : i32
    %dma_wait3A_2688 = arith.constant 0 : i32
    %dma_wait3A_2689 = tpu.memref_slice %arg7[%dma_wait3A_2686, %dma_wait3A_2687, %dma_wait3A_2688] : memref<3x32x1024xf32, #tpu.memory_space<vmem>> -> memref<1x32x1024xf32, #tpu.memory_space<vmem>>
    %dma_wait3A_2690 = tpu.memref_squeeze %dma_wait3A_2689 : memref<1x32x1024xf32, #tpu.memory_space<vmem>> -> memref<32x1024xf32, #tpu.memory_space<vmem>>
    %dma_wait3A_2691 = arith.constant 0 : i32
    %dma_wait3A_2692 = arith.constant 0 : i32
    %dma_wait3A_2693 = tpu.memref_slice %arg3[%dma_wait3A_2691, %dma_wait3A_2692] : memref<4096x1024xf32, #tpu.memory_space<hbm>> -> memref<4096x1024xf32, #tpu.memory_space<hbm>>
    tpu.wait_indirect_dma semaphore(%arg18 : memref<!tpu.dma_semaphore, #tpu.memory_space<semaphore_mem>>) src(%dma_wait3A_2693 : memref<4096x1024xf32, #tpu.memory_space<hbm>>) dst(%dma_wait3A_2690 : memref<32x1024xf32, #tpu.memory_space<vmem>>)
    %add3A_2694 = arith.constant 160 : i32
    %add3A_2695 = arith.addi %mul3A_32, %add3A_2694 : i32
    %dma_start3A_2696 = arith.constant 2 : i32
    %dma_start3A_2697 = arith.constant 0 : i32
    %dma_start3A_2698 = arith.constant 0 : i32
    %dma_start3A_2699 = tpu.memref_slice %arg7[%dma_start3A_2696, %dma_start3A_2697, %dma_start3A_2698] : memref<3x32x1024xf32, #tpu.memory_space<vmem>> -> memref<1x32x1024xf32, #tpu.memory_space<vmem>>
    %dma_start3A_2700 = tpu.memref_squeeze %dma_start3A_2699 : memref<1x32x1024xf32, #tpu.memory_space<vmem>> -> memref<32x1024xf32, #tpu.memory_space<vmem>>
    %dma_start3A_2701 = arith.constant 0 : i32
    %dma_start3A_2702 = tpu.memref_slice %arg4[%add3A_2695, %dma_start3A_2701] : memref<8192x1024xf32, #tpu.memory_space<hbm>> -> memref<32x1024xf32, #tpu.memory_space<hbm>>
    %dma_start3A_2703 = arith.constant 0 : i32
    %dma_start3A_2704 = tpu.memref_slice %arg4[%add3A_2695, %dma_start3A_2703] : memref<8192x1024xf32, #tpu.memory_space<hbm>> -> memref<32x1024xf32, #tpu.memory_space<hbm>>
    %dma_start3A_2705 = arith.constant 0 : i32
    %dma_start3A_2706 = arith.constant 0 : i32
    %dma_start3A_2707 = tpu.memref_slice %arg7[%dma_start3A_2696, %dma_start3A_2705, %dma_start3A_2706] : memref<3x32x1024xf32, #tpu.memory_space<vmem>> -> memref<1x32x1024xf32, #tpu.memory_space<vmem>>
    %dma_start3A_2708 = tpu.memref_squeeze %dma_start3A_2707 : memref<1x32x1024xf32, #tpu.memory_space<vmem>> -> memref<32x1024xf32, #tpu.memory_space<vmem>>
    tpu.enqueue_dma source(%dma_start3A_2708 : memref<32x1024xf32, #tpu.memory_space<vmem>>) target(%dma_start3A_2704 : memref<32x1024xf32, #tpu.memory_space<hbm>>) target_semaphore(%arg21 : memref<!tpu.dma_semaphore, #tpu.memory_space<semaphore_mem>>)
    %get3A_2709 = arith.constant 224 : index
    %get3A_2710 = tpu.vector_load %arg6[%get3A_2709] {strides = array<i32>} : memref<256xi32, #tpu.memory_space<vmem>>, vector<16xi32>,
    %ne3A_2711 = arith.constant 1 : i32
    %ne3A_2712 = vector.broadcast %ne3A_2711 : i32 to vector<16xi32>
    %ne3A_2713 = arith.cmpi ne, %get3A_2710, %ne3A_2712 : vector<16xi32>
    %jit3A_2714 = arith.constant 1 : i32
    %jit3A_2715 = arith.constant 0 : i32
    %broadcast_in_dim3A_2716 = vector.broadcast %jit3A_2714 : i32 to vector<16xi32>
    %broadcast_in_dim3A_2717 = vector.broadcast %jit3A_2715 : i32 to vector<16xi32>
    %select_n3A_2718 = arith.select %ne3A_2713, %broadcast_in_dim3A_2716, %broadcast_in_dim3A_2717 : vector<16xi1>, vector<16xi32>
    %broadcast_in_dim3A_2719 = arith.constant true
    %broadcast_in_dim3A_2720 = vector.broadcast %broadcast_in_dim3A_2719 : i1 to vector<16xi1>
    %masked_cumsum3A_2721 = tpu.scan <sum>, %select_n3A_2718 masked %broadcast_in_dim3A_2720 : vector<16xi32>, vector<16xi1> -> vector<16xi32>
    %add3A_2722 = vector.broadcast %add3A_2662 : i32 to vector<16xi32>
    %add3A_2723 = arith.addi %masked_cumsum3A_2721, %add3A_2722 : vector<16xi32>
    %jit3A_2724 = arith.constant 0 : i32
    %broadcast_in_dim3A_2725 = vector.broadcast %jit3A_2724 : i32 to vector<16xi32>
    %select_n3A_2726 = arith.select %ne3A_2713, %add3A_2723, %broadcast_in_dim3A_2725 : vector<16xi1>, vector<16xi32>
    %add3A_2727 = arith.constant 1 : i32
    %add3A_2728 = vector.broadcast %add3A_2727 : i32 to vector<16xi32>
    %add3A_2729 = arith.addi %select_n3A_2726, %add3A_2728 : vector<16xi32>
    %reduce_sum3A_2730 = arith.constant true
    %reduce_sum3A_2731 = vector.broadcast %reduce_sum3A_2730 : i1 to vector<16xi1>
    %reduce_sum3A_2732 = tpu.scan <sum>, %select_n3A_2718 masked %reduce_sum3A_2731 : vector<16xi32>, vector<16xi1> -> vector<16xi32>
    %reduce_sum3A_2733 = vector.extract %reduce_sum3A_2732[15] : i32 from vector<16xi32>
    %add3A_2734 = arith.addi %add3A_2662, %reduce_sum3A_2733 : i32
    %swap3A_2735 = arith.constant 0 : index
    %swap3A_2736 = tpu.vector_load %arg15[%swap3A_2735] {strides = array<i32>} : memref<32xi32, #tpu.memory_space<vmem>>, vector<16xi32>,
    tpu.vector_store %arg15[%swap3A_2735], %add3A_2729 {strides = array<i32>} : memref<32xi32, #tpu.memory_space<vmem>>, vector<16xi32>,
    %get3A_2737 = arith.constant 240 : index
    %get3A_2738 = tpu.vector_load %arg6[%get3A_2737] {strides = array<i32>} : memref<256xi32, #tpu.memory_space<vmem>>, vector<16xi32>,
    %ne3A_2739 = arith.constant 1 : i32
    %ne3A_2740 = vector.broadcast %ne3A_2739 : i32 to vector<16xi32>
    %ne3A_2741 = arith.cmpi ne, %get3A_2738, %ne3A_2740 : vector<16xi32>
    %jit3A_2742 = arith.constant 1 : i32
    %jit3A_2743 = arith.constant 0 : i32
    %broadcast_in_dim3A_2744 = vector.broadcast %jit3A_2742 : i32 to vector<16xi32>
    %broadcast_in_dim3A_2745 = vector.broadcast %jit3A_2743 : i32 to vector<16xi32>
    %select_n3A_2746 = arith.select %ne3A_2741, %broadcast_in_dim3A_2744, %broadcast_in_dim3A_2745 : vector<16xi1>, vector<16xi32>
    %broadcast_in_dim3A_2747 = arith.constant true
    %broadcast_in_dim3A_2748 = vector.broadcast %broadcast_in_dim3A_2747 : i1 to vector<16xi1>
    %masked_cumsum3A_2749 = tpu.scan <sum>, %select_n3A_2746 masked %broadcast_in_dim3A_2748 : vector<16xi32>, vector<16xi1> -> vector<16xi32>
    %add3A_2750 = vector.broadcast %add3A_2734 : i32 to vector<16xi32>
    %add3A_2751 = arith.addi %masked_cumsum3A_2749, %add3A_2750 : vector<16xi32>
    %jit3A_2752 = arith.constant 0 : i32
    %broadcast_in_dim3A_2753 = vector.broadcast %jit3A_2752 : i32 to vector<16xi32>
    %select_n3A_2754 = arith.select %ne3A_2741, %add3A_2751, %broadcast_in_dim3A_2753 : vector<16xi1>, vector<16xi32>
    %add3A_2755 = arith.constant 1 : i32
    %add3A_2756 = vector.broadcast %add3A_2755 : i32 to vector<16xi32>
    %add3A_2757 = arith.addi %select_n3A_2754, %add3A_2756 : vector<16xi32>
    %reduce_sum3A_2758 = arith.constant true
    %reduce_sum3A_2759 = vector.broadcast %reduce_sum3A_2758 : i1 to vector<16xi1>
    %reduce_sum3A_2760 = tpu.scan <sum>, %select_n3A_2746 masked %reduce_sum3A_2759 : vector<16xi32>, vector<16xi1> -> vector<16xi32>
    %reduce_sum3A_2761 = vector.extract %reduce_sum3A_2760[15] : i32 from vector<16xi32>
    %add3A_2762 = arith.addi %add3A_2734, %reduce_sum3A_2761 : i32
    %swap3A_2763 = arith.constant 16 : index
    %swap3A_2764 = tpu.vector_load %arg15[%swap3A_2763] {strides = array<i32>} : memref<32xi32, #tpu.memory_space<vmem>>, vector<16xi32>,
    tpu.vector_store %arg15[%swap3A_2763], %add3A_2757 {strides = array<i32>} : memref<32xi32, #tpu.memory_space<vmem>>, vector<16xi32>,
    %dma_wait3A_2765 = arith.constant 1 : i32
    %dma_wait3A_2766 = arith.constant 0 : i32
    %dma_wait3A_2767 = arith.constant 0 : i32
    %dma_wait3A_2768 = tpu.memref_slice %arg7[%dma_wait3A_2765, %dma_wait3A_2766, %dma_wait3A_2767] : memref<3x32x1024xf32, #tpu.memory_space<vmem>> -> memref<1x32x1024xf32, #tpu.memory_space<vmem>>
    %dma_wait3A_2769 = tpu.memref_squeeze %dma_wait3A_2768 : memref<1x32x1024xf32, #tpu.memory_space<vmem>> -> memref<32x1024xf32, #tpu.memory_space<vmem>>
    %dma_wait3A_2770 = arith.constant 0 : i32
    %dma_wait3A_2771 = tpu.memref_slice %arg4[%add3A_2595, %dma_wait3A_2770] : memref<8192x1024xf32, #tpu.memory_space<hbm>> -> memref<32x1024xf32, #tpu.memory_space<hbm>>
    %dma_wait3A_2772 = arith.constant 0 : i32
    %dma_wait3A_2773 = tpu.memref_slice %arg4[%add3A_2595, %dma_wait3A_2772] : memref<8192x1024xf32, #tpu.memory_space<hbm>> -> memref<32x1024xf32, #tpu.memory_space<hbm>>
    %dma_wait3A_2774 = arith.constant 0 : i32
    %dma_wait3A_2775 = arith.constant 0 : i32
    %dma_wait3A_2776 = tpu.memref_slice %arg7[%dma_wait3A_2765, %dma_wait3A_2774, %dma_wait3A_2775] : memref<3x32x1024xf32, #tpu.memory_space<vmem>> -> memref<1x32x1024xf32, #tpu.memory_space<vmem>>
    %dma_wait3A_2777 = tpu.memref_squeeze %dma_wait3A_2776 : memref<1x32x1024xf32, #tpu.memory_space<vmem>> -> memref<32x1024xf32, #tpu.memory_space<vmem>>
    tpu.wait_dma2 semaphore(%arg20 : memref<!tpu.dma_semaphore, #tpu.memory_space<semaphore_mem>>) src(%dma_wait3A_2777 : memref<32x1024xf32, #tpu.memory_space<vmem>>) dst(%dma_wait3A_2773 : memref<32x1024xf32, #tpu.memory_space<hbm>>)
    %dma_start3A_2778 = arith.constant 1 : i32
    %dma_start3A_2779 = arith.constant 0 : i32
    %dma_start3A_2780 = arith.constant 0 : i32
    %dma_start3A_2781 = tpu.memref_slice %arg7[%dma_start3A_2778, %dma_start3A_2779, %dma_start3A_2780] : memref<3x32x1024xf32, #tpu.memory_space<vmem>> -> memref<1x32x1024xf32, #tpu.memory_space<vmem>>
    %dma_start3A_2782 = tpu.memref_squeeze %dma_start3A_2781 : memref<1x32x1024xf32, #tpu.memory_space<vmem>> -> memref<32x1024xf32, #tpu.memory_space<vmem>>
    %dma_start3A_2783 = arith.constant 0 : i32
    %dma_start3A_2784 = arith.constant 0 : i32
    %dma_start3A_2785 = tpu.memref_slice %arg3[%dma_start3A_2783, %dma_start3A_2784] : memref<4096x1024xf32, #tpu.memory_space<hbm>> -> memref<4096x1024xf32, #tpu.memory_space<hbm>>
    tpu.enqueue_indirect_dma source(%dma_start3A_2785 : memref<4096x1024xf32, #tpu.memory_space<hbm>>) target(%dma_start3A_2782 : memref<32x1024xf32, #tpu.memory_space<vmem>>) offsets(%arg15 : memref<32xi32, #tpu.memory_space<vmem>>) semaphore(%arg17 : memref<!tpu.dma_semaphore, #tpu.memory_space<semaphore_mem>>)
    %dma_wait3A_2786 = arith.constant 0 : i32
    %dma_wait3A_2787 = arith.constant 0 : i32
    %dma_wait3A_2788 = arith.constant 0 : i32
    %dma_wait3A_2789 = tpu.memref_slice %arg7[%dma_wait3A_2786, %dma_wait3A_2787, %dma_wait3A_2788] : memref<3x32x1024xf32, #tpu.memory_space<vmem>> -> memref<1x32x1024xf32, #tpu.memory_space<vmem>>
    %dma_wait3A_2790 = tpu.memref_squeeze %dma_wait3A_2789 : memref<1x32x1024xf32, #tpu.memory_space<vmem>> -> memref<32x1024xf32, #tpu.memory_space<vmem>>
    %dma_wait3A_2791 = arith.constant 0 : i32
    %dma_wait3A_2792 = arith.constant 0 : i32
    %dma_wait3A_2793 = tpu.memref_slice %arg3[%dma_wait3A_2791, %dma_wait3A_2792] : memref<4096x1024xf32, #tpu.memory_space<hbm>> -> memref<4096x1024xf32, #tpu.memory_space<hbm>>
    tpu.wait_indirect_dma semaphore(%arg16 : memref<!tpu.dma_semaphore, #tpu.memory_space<semaphore_mem>>) src(%dma_wait3A_2793 : memref<4096x1024xf32, #tpu.memory_space<hbm>>) dst(%dma_wait3A_2790 : memref<32x1024xf32, #tpu.memory_space<vmem>>)
    %add3A_2794 = arith.constant 192 : i32
    %add3A_2795 = arith.addi %mul3A_32, %add3A_2794 : i32
    %dma_start3A_2796 = arith.constant 0 : i32
    %dma_start3A_2797 = arith.constant 0 : i32
    %dma_start3A_2798 = arith.constant 0 : i32
    %dma_start3A_2799 = tpu.memref_slice %arg7[%dma_start3A_2796, %dma_start3A_2797, %dma_start3A_2798] : memref<3x32x1024xf32, #tpu.memory_space<vmem>> -> memref<1x32x1024xf32, #tpu.memory_space<vmem>>
    %dma_start3A_2800 = tpu.memref_squeeze %dma_start3A_2799 : memref<1x32x1024xf32, #tpu.memory_space<vmem>> -> memref<32x1024xf32, #tpu.memory_space<vmem>>
    %dma_start3A_2801 = arith.constant 0 : i32
    %dma_start3A_2802 = tpu.memref_slice %arg4[%add3A_2795, %dma_start3A_2801] : memref<8192x1024xf32, #tpu.memory_space<hbm>> -> memref<32x1024xf32, #tpu.memory_space<hbm>>
    %dma_start3A_2803 = arith.constant 0 : i32
    %dma_start3A_2804 = tpu.memref_slice %arg4[%add3A_2795, %dma_start3A_2803] : memref<8192x1024xf32, #tpu.memory_space<hbm>> -> memref<32x1024xf32, #tpu.memory_space<hbm>>
    %dma_start3A_2805 = arith.constant 0 : i32
    %dma_start3A_2806 = arith.constant 0 : i32
    %dma_start3A_2807 = tpu.memref_slice %arg7[%dma_start3A_2796, %dma_start3A_2805, %dma_start3A_2806] : memref<3x32x1024xf32, #tpu.memory_space<vmem>> -> memref<1x32x1024xf32, #tpu.memory_space<vmem>>
    %dma_start3A_2808 = tpu.memref_squeeze %dma_start3A_2807 : memref<1x32x1024xf32, #tpu.memory_space<vmem>> -> memref<32x1024xf32, #tpu.memory_space<vmem>>
    tpu.enqueue_dma source(%dma_start3A_2808 : memref<32x1024xf32, #tpu.memory_space<vmem>>) target(%dma_start3A_2804 : memref<32x1024xf32, #tpu.memory_space<hbm>>) target_semaphore(%arg19 : memref<!tpu.dma_semaphore, #tpu.memory_space<semaphore_mem>>)
    %dma_wait3A_2809 = arith.constant 1 : i32
    %dma_wait3A_2810 = arith.constant 0 : i32
    %dma_wait3A_2811 = arith.constant 0 : i32
    %dma_wait3A_2812 = tpu.memref_slice %arg7[%dma_wait3A_2809, %dma_wait3A_2810, %dma_wait3A_2811] : memref<3x32x1024xf32, #tpu.memory_space<vmem>> -> memref<1x32x1024xf32, #tpu.memory_space<vmem>>
    %dma_wait3A_2813 = tpu.memref_squeeze %dma_wait3A_2812 : memref<1x32x1024xf32, #tpu.memory_space<vmem>> -> memref<32x1024xf32, #tpu.memory_space<vmem>>
    %dma_wait3A_2814 = arith.constant 0 : i32
    %dma_wait3A_2815 = arith.constant 0 : i32
    %dma_wait3A_2816 = tpu.memref_slice %arg3[%dma_wait3A_2814, %dma_wait3A_2815] : memref<4096x1024xf32, #tpu.memory_space<hbm>> -> memref<4096x1024xf32, #tpu.memory_space<hbm>>
    tpu.wait_indirect_dma semaphore(%arg17 : memref<!tpu.dma_semaphore, #tpu.memory_space<semaphore_mem>>) src(%dma_wait3A_2816 : memref<4096x1024xf32, #tpu.memory_space<hbm>>) dst(%dma_wait3A_2813 : memref<32x1024xf32, #tpu.memory_space<vmem>>)
    %add3A_2817 = arith.constant 224 : i32
    %add3A_2818 = arith.addi %mul3A_32, %add3A_2817 : i32
    %dma_start3A_2819 = arith.constant 1 : i32
    %dma_start3A_2820 = arith.constant 0 : i32
    %dma_start3A_2821 = arith.constant 0 : i32
    %dma_start3A_2822 = tpu.memref_slice %arg7[%dma_start3A_2819, %dma_start3A_2820, %dma_start3A_2821] : memref<3x32x1024xf32, #tpu.memory_space<vmem>> -> memref<1x32x1024xf32, #tpu.memory_space<vmem>>
    %dma_start3A_2823 = tpu.memref_squeeze %dma_start3A_2822 : memref<1x32x1024xf32, #tpu.memory_space<vmem>> -> memref<32x1024xf32, #tpu.memory_space<vmem>>
    %dma_start3A_2824 = arith.constant 0 : i32
    %dma_start3A_2825 = tpu.memref_slice %arg4[%add3A_2818, %dma_start3A_2824] : memref<8192x1024xf32, #tpu.memory_space<hbm>> -> memref<32x1024xf32, #tpu.memory_space<hbm>>
    %dma_start3A_2826 = arith.constant 0 : i32
    %dma_start3A_2827 = tpu.memref_slice %arg4[%add3A_2818, %dma_start3A_2826] : memref<8192x1024xf32, #tpu.memory_space<hbm>> -> memref<32x1024xf32, #tpu.memory_space<hbm>>
    %dma_start3A_2828 = arith.constant 0 : i32
    %dma_start3A_2829 = arith.constant 0 : i32
    %dma_start3A_2830 = tpu.memref_slice %arg7[%dma_start3A_2819, %dma_start3A_2828, %dma_start3A_2829] : memref<3x32x1024xf32, #tpu.memory_space<vmem>> -> memref<1x32x1024xf32, #tpu.memory_space<vmem>>
    %dma_start3A_2831 = tpu.memref_squeeze %dma_start3A_2830 : memref<1x32x1024xf32, #tpu.memory_space<vmem>> -> memref<32x1024xf32, #tpu.memory_space<vmem>>
    tpu.enqueue_dma source(%dma_start3A_2831 : memref<32x1024xf32, #tpu.memory_space<vmem>>) target(%dma_start3A_2827 : memref<32x1024xf32, #tpu.memory_space<hbm>>) target_semaphore(%arg20 : memref<!tpu.dma_semaphore, #tpu.memory_space<semaphore_mem>>)
    %dma_wait3A_2832 = arith.constant 2 : i32
    %dma_wait3A_2833 = arith.constant 0 : i32
    %dma_wait3A_2834 = arith.constant 0 : i32
    %dma_wait3A_2835 = tpu.memref_slice %arg7[%dma_wait3A_2832, %dma_wait3A_2833, %dma_wait3A_2834] : memref<3x32x1024xf32, #tpu.memory_space<vmem>> -> memref<1x32x1024xf32, #tpu.memory_space<vmem>>
    %dma_wait3A_2836 = tpu.memref_squeeze %dma_wait3A_2835 : memref<1x32x1024xf32, #tpu.memory_space<vmem>> -> memref<32x1024xf32, #tpu.memory_space<vmem>>
    %dma_wait3A_2837 = arith.constant 0 : i32
    %dma_wait3A_2838 = tpu.memref_slice %arg4[%add3A_2695, %dma_wait3A_2837] : memref<8192x1024xf32, #tpu.memory_space<hbm>> -> memref<32x1024xf32, #tpu.memory_space<hbm>>
    %dma_wait3A_2839 = arith.constant 0 : i32
    %dma_wait3A_2840 = tpu.memref_slice %arg4[%add3A_2695, %dma_wait3A_2839] : memref<8192x1024xf32, #tpu.memory_space<hbm>> -> memref<32x1024xf32, #tpu.memory_space<hbm>>
    %dma_wait3A_2841 = arith.constant 0 : i32
    %dma_wait3A_2842 = arith.constant 0 : i32
    %dma_wait3A_2843 = tpu.memref_slice %arg7[%dma_wait3A_2832, %dma_wait3A_2841, %dma_wait3A_2842] : memref<3x32x1024xf32, #tpu.memory_space<vmem>> -> memref<1x32x1024xf32, #tpu.memory_space<vmem>>
    %dma_wait3A_2844 = tpu.memref_squeeze %dma_wait3A_2843 : memref<1x32x1024xf32, #tpu.memory_space<vmem>> -> memref<32x1024xf32, #tpu.memory_space<vmem>>
    tpu.wait_dma2 semaphore(%arg21 : memref<!tpu.dma_semaphore, #tpu.memory_space<semaphore_mem>>) src(%dma_wait3A_2844 : memref<32x1024xf32, #tpu.memory_space<vmem>>) dst(%dma_wait3A_2840 : memref<32x1024xf32, #tpu.memory_space<hbm>>)
    %dma_wait3A_2845 = arith.constant 0 : i32
    %dma_wait3A_2846 = arith.constant 0 : i32
    %dma_wait3A_2847 = arith.constant 0 : i32
    %dma_wait3A_2848 = tpu.memref_slice %arg7[%dma_wait3A_2845, %dma_wait3A_2846, %dma_wait3A_2847] : memref<3x32x1024xf32, #tpu.memory_space<vmem>> -> memref<1x32x1024xf32, #tpu.memory_space<vmem>>
    %dma_wait3A_2849 = tpu.memref_squeeze %dma_wait3A_2848 : memref<1x32x1024xf32, #tpu.memory_space<vmem>> -> memref<32x1024xf32, #tpu.memory_space<vmem>>
    %dma_wait3A_2850 = arith.constant 0 : i32
    %dma_wait3A_2851 = tpu.memref_slice %arg4[%add3A_2795, %dma_wait3A_2850] : memref<8192x1024xf32, #tpu.memory_space<hbm>> -> memref<32x1024xf32, #tpu.memory_space<hbm>>
    %dma_wait3A_2852 = arith.constant 0 : i32
    %dma_wait3A_2853 = tpu.memref_slice %arg4[%add3A_2795, %dma_wait3A_2852] : memref<8192x1024xf32, #tpu.memory_space<hbm>> -> memref<32x1024xf32, #tpu.memory_space<hbm>>
    %dma_wait3A_2854 = arith.constant 0 : i32
    %dma_wait3A_2855 = arith.constant 0 : i32
    %dma_wait3A_2856 = tpu.memref_slice %arg7[%dma_wait3A_2845, %dma_wait3A_2854, %dma_wait3A_2855] : memref<3x32x1024xf32, #tpu.memory_space<vmem>> -> memref<1x32x1024xf32, #tpu.memory_space<vmem>>
    %dma_wait3A_2857 = tpu.memref_squeeze %dma_wait3A_2856 : memref<1x32x1024xf32, #tpu.memory_space<vmem>> -> memref<32x1024xf32, #tpu.memory_space<vmem>>
    tpu.wait_dma2 semaphore(%arg19 : memref<!tpu.dma_semaphore, #tpu.memory_space<semaphore_mem>>) src(%dma_wait3A_2857 : memref<32x1024xf32, #tpu.memory_space<vmem>>) dst(%dma_wait3A_2853 : memref<32x1024xf32, #tpu.memory_space<hbm>>)
    %dma_wait3A_2858 = arith.constant 1 : i32
    %dma_wait3A_2859 = arith.constant 0 : i32
    %dma_wait3A_2860 = arith.constant 0 : i32
    %dma_wait3A_2861 = tpu.memref_slice %arg7[%dma_wait3A_2858, %dma_wait3A_2859, %dma_wait3A_2860] : memref<3x32x1024xf32, #tpu.memory_space<vmem>> -> memref<1x32x1024xf32, #tpu.memory_space<vmem>>
    %dma_wait3A_2862 = tpu.memref_squeeze %dma_wait3A_2861 : memref<1x32x1024xf32, #tpu.memory_space<vmem>> -> memref<32x1024xf32, #tpu.memory_space<vmem>>
    %dma_wait3A_2863 = arith.constant 0 : i32
    %dma_wait3A_2864 = tpu.memref_slice %arg4[%add3A_2818, %dma_wait3A_2863] : memref<8192x1024xf32, #tpu.memory_space<hbm>> -> memref<32x1024xf32, #tpu.memory_space<hbm>>
    %dma_wait3A_2865 = arith.constant 0 : i32
    %dma_wait3A_2866 = tpu.memref_slice %arg4[%add3A_2818, %dma_wait3A_2865] : memref<8192x1024xf32, #tpu.memory_space<hbm>> -> memref<32x1024xf32, #tpu.memory_space<hbm>>
    %dma_wait3A_2867 = arith.constant 0 : i32
    %dma_wait3A_2868 = arith.constant 0 : i32
    %dma_wait3A_2869 = tpu.memref_slice %arg7[%dma_wait3A_2858, %dma_wait3A_2867, %dma_wait3A_2868] : memref<3x32x1024xf32, #tpu.memory_space<vmem>> -> memref<1x32x1024xf32, #tpu.memory_space<vmem>>
    %dma_wait3A_2870 = tpu.memref_squeeze %dma_wait3A_2869 : memref<1x32x1024xf32, #tpu.memory_space<vmem>> -> memref<32x1024xf32, #tpu.memory_space<vmem>>
    tpu.wait_dma2 semaphore(%arg20 : memref<!tpu.dma_semaphore, #tpu.memory_space<semaphore_mem>>) src(%dma_wait3A_2870 : memref<32x1024xf32, #tpu.memory_space<vmem>>) dst(%dma_wait3A_2866 : memref<32x1024xf32, #tpu.memory_space<hbm>>)
    return
  }
}

</mosaic_0001>

<sc_bundles>
// kernel: kernel.3.cloned.1.call-start
scs
__scs_entry_jumppad:
0x0: {  	(pc) =	sbr.rel $0x88, $3  }
0x1: {  	(tag) =	ssettag $0x0;
	lr =	simm.s32 $0x1  }
0x2: {  	[smem:$0x3F9F] =	sst lr;
	_ =	strace $0xD0000000  }
0x3: {  	_ = 	snop  }
0x4: {  	_ = 	snop  }
0x5: {  	_ = 	snop  }
0x6: {  	_ = 	snop  }
0x7: {  	_ = 	snop  }
__scs_overlays_trampoline_lowered:
0x8: {  	[smem:$0x3FAE] =	sst s0  }
0x9: {  	[smem:$0x3FAF] =	sst s1  }
0xa: {  	[smem:$0x3FB0] =	sst s2  }
0xb: {  	[smem:$0x3FB1] =	sst s3  }
0xc: {  	[smem:$0x3FB2] =	sst s4  }
0xd: {  	[smem:$0x3FB3] =	sst s5  }
0xe: {  	[smem:$0x3FB4] =	sst s6  }
0xf: {  	[smem:$0x3FB5] =	sst s7  }
0x10: {  	[smem:$0x3FB6] =	sst s8  }
0x11: {  	[smem:$0x3FB7] =	sst s9;
	s0 =	simm.s32 @!p0 $0x0  }
0x12: {  	s1 =	sld [smem:$0x3F9D];
	s0 =	simm.s32 @p0 $0x1  }
0x13: {  	[smem:$0x3FB8] =	sst s0;
	s0 =	simm.s32 @!p1 $0x0  }
0x14: {  	s2 =	sld [smem:$0x3F9C];
	s0 =	simm.s32 @p1 $0x1  }
0x15: {  	[smem:$0x3FB9] =	sst s0;
	s0 =	simm.s32 @!p2 $0x0  }
0x16: {  	s3 =	sld [smem:$0x3FDB];
	s0 =	simm.s32 @p2 $0x1  }
0x17: {  	s4 =	simm.s32 $0x1BF5;
	[smem:$0x3FBB] =	sst s0  }
0x18: {  	s0 =	sld [smem:$0x3F9E];
	_ =	swait.ge [sflag:s4], $0x0  }
0x19: {  	s7 =	sld [smem:$0x3F9F]  }
0x1a: {  	s8 =	sadd.s32 $0xFFFFE003, lr  }
0x1b: {  	s9 =	sadd.s32 $0xFFFFFEF7, lr;
	s5 =	simm.s32 $0xFFFFFFFF;
	p2 =	slt.u32 s8, $0xFFFFF086  }
0x1c: {  	p1 =	slt.u32 s9, $0xF7A;
	s5 =	simm.s32 @!p2 $0x0  }
0x1d: {  	s5 =	simm.s32 @p1 $0x1;
	p0 =	seq.s32 s7, s2  }
0x1e: {  	s7 =	smul.u32 @!p0 $0xF7A, s2;
	p2 =	seq.s32 @!p0 s5, $0x0  }
0x1f: {  	s9 =	smul.u32 $0xF7A, s1;
	s8 =	simm.s32 @!p0 $0x1BF5;
	p2 =	por !p2, p0  }
0x20: {  	[sflag:s8] =	ssyncset.s32 @!p0 $0xFFFFF086;
	s6 =	sadd.s32 @!p0 s3, s7;
	s7 =	simm.s32 @!p0 $0x108  }
0x21: {  	s3 =	sadd.s32 s3, s9;
	s6 =	sadd.s32 @!p0 $0x88, s6;
	s7 =	simm.s32 @p2 $0x1082  }
0x22: {  	[simem:s7], [sflag:s8] =	dma.local @!p0 [hbm:s6], $0xF7A  }
0x23: {  	s9 =	sor.u32 $0xD0000000, s2;
	s6 =	simm.s32 $0x108;
	_ =	swait.ge @!p0 [sflag:s8], $0x0  }
0x24: {  	s3 =	sadd.s32 $0x88, s3;
	s6 =	simm.s32 @!p1 $0x1082;
	[sflag:s4] =	ssyncset.s32 $0xFFFFF086  }
0x25: {  	[simem:s6], [sflag:s4] =	dma.local [hbm:s3], $0xF7A  }
0x26: {  	[smem:$0x3F9F] =	sst s1;
	(tag) =	ssettag s2;
	_ =	strace s9  }
0x27: {  	s1 =	sld [smem:$0x3FAF]  }
0x28: {  	s2 =	sld [smem:$0x3FB0]  }
0x29: {  	s4 =	sld [smem:$0x3FB2]  }
0x2a: {  	p0 =	seq.s32 s5, $0x0;
	s5 =	sld [smem:$0x3FB3]  }
0x2b: {  	s6 =	sld [smem:$0x3FB4]  }
0x2c: {  	s7 =	sld [smem:$0x3FB5]  }
0x2d: {  	s3 =	simm.s32 $0x108;
	s8 =	sld [smem:$0x3FB6]  }
0x2e: {  	s3 =	simm.s32 @!p0 $0x1082;
	s9 =	sld [smem:$0x3FB7]  }
0x2f: {  	lr =	sadd.s32 s0, s3;
	s0 =	sld [smem:$0x3FAE]  }
0x30: {  	s3 =	sld [smem:$0x3FB1]  }
0x31: {  	[smem:$0x3FBA] =	sst s10  }
0x32: {  	s10 =	sld [smem:$0x3FB8];
	_ =	sdelay $0x3  }
0x33: {  	p0 =	seq.s32 s10, $0x1;
	s10 =	sld [smem:$0x3FBA];
	_ =	sdelay $0x3  }
0x34: {  	[smem:$0x3FBA] =	sst s10  }
0x35: {  	s10 =	sld [smem:$0x3FB9];
	_ =	sdelay $0x3  }
0x36: {  	p1 =	seq.s32 s10, $0x1;
	s10 =	sld [smem:$0x3FBA];
	_ =	sdelay $0x3  }
0x37: {  	[smem:$0x3FBA] =	sst s10  }
0x38: {  	s10 =	sld [smem:$0x3FBB]  }
0x39: {  	_ = 	snop;
	(pc) =	sbr.ind lr, $3  }
0x3a: {  	_ = 	snop  }
0x3b: {  	_ = 	snop  }
0x3c: {  	p2 =	seq.s32 s10, $0x1;
	s10 =	sld [smem:$0x3FBA]  }
0x3d: {  	_ =	shalt  }
0x3e: {  	_ =	shalt  }
0x3f: {  	_ =	shalt  }
0x40: {  	_ =	shalt  }
0x41: {  	_ =	shalt  }
0x42: {  	_ =	shalt  }
0x43: {  	_ =	shalt  }
0x44: {  	_ =	shalt  }
0x45: {  	_ =	shalt  }
0x46: {  	_ =	shalt  }
0x47: {  	_ =	shalt  }
0x48: {  	_ =	shalt  }
0x49: {  	_ =	shalt  }
0x4a: {  	_ =	shalt  }
0x4b: {  	_ =	shalt  }
0x4c: {  	_ =	shalt  }
0x4d: {  	_ =	shalt  }
0x4e: {  	_ =	shalt  }
0x4f: {  	_ =	shalt  }
0x50: {  	_ =	shalt  }
0x51: {  	_ =	shalt  }
0x52: {  	_ =	shalt  }
0x53: {  	_ =	shalt  }
0x54: {  	_ =	shalt  }
0x55: {  	_ =	shalt  }
0x56: {  	_ =	shalt  }
0x57: {  	_ =	shalt  }
0x58: {  	_ =	shalt  }
0x59: {  	_ =	shalt  }
0x5a: {  	_ =	shalt  }
0x5b: {  	_ =	shalt  }
0x5c: {  	_ =	shalt  }
0x5d: {  	_ =	shalt  }
0x5e: {  	_ =	shalt  }
0x5f: {  	_ =	shalt  }
0x60: {  	_ =	shalt  }
0x61: {  	_ =	shalt  }
0x62: {  	_ =	shalt  }
0x63: {  	_ =	shalt  }
0x64: {  	_ =	shalt  }
0x65: {  	_ =	shalt  }
0x66: {  	_ =	shalt  }
0x67: {  	_ =	shalt  }
0x68: {  	_ =	shalt  }
0x69: {  	_ =	shalt  }
0x6a: {  	_ =	shalt  }
0x6b: {  	_ =	shalt  }
0x6c: {  	_ =	shalt  }
0x6d: {  	_ =	shalt  }
0x6e: {  	_ =	shalt  }
0x6f: {  	_ =	shalt  }
0x70: {  	_ =	shalt  }
0x71: {  	_ =	shalt  }
0x72: {  	_ =	shalt  }
0x73: {  	_ =	shalt  }
0x74: {  	_ =	shalt  }
0x75: {  	_ =	shalt  }
0x76: {  	_ =	shalt  }
0x77: {  	_ =	shalt  }
0x78: {  	_ =	shalt  }
0x79: {  	_ =	shalt  }
0x7a: {  	_ =	shalt  }
0x7b: {  	_ =	shalt  }
0x7c: {  	_ =	shalt  }
0x7d: {  	_ =	shalt  }
0x7e: {  	_ =	shalt  }
0x7f: {  	_ =	shalt  }
0x80: {  	_ =	shalt  }
0x81: {  	_ =	shalt  }
0x82: {  	_ =	shalt  }
0x83: {  	_ =	shalt  }
0x84: {  	_ =	shalt  }
0x85: {  	_ =	shalt  }
0x86: {  	_ =	shalt  }
0x87: {  	_ =	shalt  }
.Lfunc_end0:
.L_simem_size_0:
called_computation_lowered:
.L_overlay_start_0:
0x88: {  	s2 =	sld [smem:$0x3FD9]  }
0x89: {  	s3 =	sld [smem:$0x3FFE];
	_ =	sdelay $0x1  }
0x8a: {  	s1 =	srdreg.scid  }
0x8b: {  	s0 =	sand.u32 $0x1, s1  }
0x8c: {  	s18 =	sshll.u32 s0, $0xA;
	s2 =	sadd.s32 s3, s2  }
0x8d: {  	s2 =	sadd.s32 s2, s18  }
0x8e: {  	[smem:$0x3FC6] =	sst s2  }
0x8f: {  	_ = 	snop  }
0x90: {  	s2 =	sld [smem:$0x3FC9]  }
0x91: {  	s19 =	sld [smem:$0x3FC8]  }
0x92: {  	s4 =	sld [smem:$0x3FD0];
	(tm) =	ssettm $0x1  }
0x93: {  	s5 =	sld [smem:$0x3FFB];
	_ =	sdelay $0x3  }
0x94: {  	_ =	strace s5  }
0x95: {  	s5 =	sld [smem:$0x3FFC];
	_ =	sdelay $0x3  }
0x96: {  	_ =	strace s5  }
0x97: {  	s5 =	sld [smem:$0x3FFD];
	_ =	sdelay $0x3  }
0x98: {  	_ =	strace s5  }
0x99: {  	_ =	strace $0x8FFFFFFF  }
0x9a: {  	s20 =	sld [smem:$0x3FDB];
	_ =	sdelay $0x1  }
0x9b: {  	s6 =	simm.s32 $_scs_section_size  }
0x9c: {  	s7 =	simm.s32 $_size__tile_overlayer_lowered;
	s8 =	simm.s32 $_tile_overlayer_lowered  }
0x9d: {  	s23 =	simm.s32 $0x1BFF;
	s22 =	sshll.u32 s8, $0x1;
	s5 =	sadd.s32 s6, s20  }
0x9e: {  	s9 =	simm.s32 $0x0;
	s21 =	sshll.u32 s7, $0x1;
	s7 =	sadd.s32 s22, s5  }
0x9f: {  	[timem:s9], [sflag:s23] =	dma.local [hbm:s7], s21  }
0xa0: {  	_ =	swait.ge [sflag:s23], s21  }
0xa1: {  	s6 =	ssub.s32 $0x0, s21;
	[sflag:s23] =	ssyncset.done $0x0  }
0xa2: {  	[sflag:s23] =	ssyncadd.s32 s6;
	_ =	sdelay $0x1  }
0xa3: {  	s24 =	simm.s32 $0x1B8B  }
0xa4: {  	_ =	swait.ge [sflag:s24], $0x1  }
0xa5: {  	[sflag:s24] =	ssyncset.done $0x0  }
0xa6: {  	s25 =	simm.s32 $0x1B8E;
	[sflag:s24] =	ssyncadd.s32 $0xFFFFFFFF  }
0xa7: {  	s26 =	simm.s32 $execute0_lowered;
	[smem:$0x3FD2] =	sst s25  }
0xa8: {  	s6 =	sshll.u32 s26, $0x1;
	_ =	strace $0x80000046;
	[dreg:$0x1] =	wrdreg $0xFFFFFFFF  }
0xa9: {  	s28 =	simm.s32 $_size_execute0_lowered;
	s5 =	sadd.s32 s5, s6;
	[dreg:$0x0] =	wrdreg $0x0  }
0xaa: {  	s6 =	sshll.u32 s28, $0x1;
	[dreg:$0x2] =	wrdreg s5  }
0xab: {  	[dreg:$0x3] =	wrdreg s6  }
0xac: {  	[dreg:$0x4] =	wrdreg $0xC0  }
0xad: {  	_ =	task [dreg:s9], $0x5FFFF  }
0xae: {  	[dreg:$0x1] =	wrdreg $0xFFFFFFFF  }
0xaf: {  	[dreg:$0x0] =	wrdreg $0x60  }
0xb0: {  	[dreg:$0x2] =	wrdreg s2  }
0xb1: {  	[dreg:$0x3] =	wrdreg s19  }
0xb2: {  	[dreg:$0x4] =	wrdreg s4  }
0xb3: {  	[dreg:$0x5] =	wrdreg $0x9  }
0xb4: {  	_ =	task.clear_ibuf [dreg:s9], $0x6FFFF;
	_ =	strace $0x90000046  }
0xb5: {  	s29 =	simm.s32 $0x9;
	_ =	strace $0x80000048  }
0xb6: {  	_ =	swait.ge [sflag:s29], $0x1  }
0xb7: {  	[sflag:s29] =	ssyncadd.s32 $0xFFFFFFFF  }
0xb8: {  	_ =	strace $0x90000048  }
0xb9: {  	_ =	sfence  }
0xba: {  	s30 =	sld [smem:$0x0];
	_ =	sdelay $0x2  }
0xbb: {  	s31 =	sshll.u32 s1, $0xD;
	s1 =	sshrl.u32 s1, $0x2  }
0xbc: {  	s3 =	sand.u32 $0x4000, s31;
	s1 =	sadd.s32 s1, s30  }
0xbd: {  	s0 =	sor.u32 s3, s0;
	s1 =	sshll.u32 s1, $0x11  }
0xbe: {  	s0 =	sor.u32 s1, s0  }
0xbf: {  	s0 =	sadd.s32 $0x8F2B, s0  }
0xc0: {  	[sflag:s0] =	ssyncadd.remote.s32 $0x1  }
0xc1: {  	_ =	sfence.sel $0xFFFF  }
0xc2: {  	[dreg:$0x0] =	wrdreg $0xFFFFFFFF;
	(pc) =	sbr.abs _section_cstart, $3  }
0xc3: {  	[dreg:$0x1] =	wrdreg $0xFFFFFFFF  }
0xc4: {  	_ =	task.clear_ibuf [dreg:s9], $0x2FFFF;
	_ =	strace $0x9FFFFFFF  }
0xc5: {  	(tm) =	ssettm $0x7FFFFFFF  }
tec
execute0_lowered:
.L_overlay_start_1:
0x0: {  	(tag) =	ssettag $0x1  }
0x1: {  	s0 =	rddreg [dreg:$0x0]  }
0x2: {  	s5 =	rddreg [dreg:$0x1];
	s1 =	srdreg.scid  }
0x3: {  	s8 =	stileid.u32;
	s2 =	rddreg [dreg:$0x2];
	s3 =	simm.s32 $0x0  }
0x4: {  	s11 =	simm.s32 $0x1;
	s26 =	simm.s32 $0x1;
	s12 =	simm.s32 $0x1  }
0x5: {  	s10 =	simm.s32 $0x1;
	s24 =	simm.s32 $0x1;
	s30 =	simm.s32 $0x800  }
0x6: {  	s31 =	simm.s32 $0x900;
	s13 =	simm.s32 $0x13900;
	s14 =	simm.s32 $0x14100  }
0x7: {  	s15 =	simm.s32 $0x14900;
	s16 =	simm.s32 $0x15100;
	s1 =	sand.u32 $0x1, s1  }
0x8: {  	s4 =	sshll.u32 s8, $0x1;
	[smem:$0x7FF] =	sst s3;
	s17 =	sshll.u32 s8, $0x5  }
0x9: {  	s8 =	sadd.s32 $0x300, s5;
	s6 =	sor.u32 s1, s4;
	_ =	strace $0x80000047  }
0xa: {  	s4 =	sand.u32 $0x180, s17;
	s1 =	ssub.s32 $0x2, s1;
	[dreg:$0xd] =	wrdreg s30  }
0xb: {  	s17 =	simm.s32 $0x15900;
	s7 =	sand.u32 $0x7, s6;
	s9 =	sshrl.u32 s4, $0x3  }
0xc: {  	s19 =	sshrl.u32 s1, $0x1;
	s20 =	sshll.u32 s6, $0xF;
	s6 =	sadd.s32 $0x100, s5  }
0xd: {  	s18 =	sshll.u32 s7, $0xA;
	s9 =	sadd.s32 s0, s9;
	s1 =	ssub.s32 s1, s19  }
0xe: {  	p0 =	sne.s32 s7, $0x0;
	s2 =	sadd.s32 s2, s20;
	s19 =	simm.s32 $0x16900  }
0xf: {  	s20 =	simm.s32 $0x17100;
	s4 =	sor.u32 s4, s18;
	[dreg:$0x4] =	wrdreg s9  }
0x10: {  	s11 =	simm.s32 @!p0 $0x0;
	s21 =	sadd.s32 $0x2000, s2;
	[dreg:$0xe] =	wrdreg s2  }
0x11: {  	p0 =	sgt.u32 s7, $0x1;
	s22 =	sadd.s32 $0x3000, s2;
	[dreg:$0x7] =	wrdreg s21  }
0x12: {  	s9 =	simm.s32 $0x1;
	s23 =	sadd.s32 $0x4000, s2;
	[dreg:$0x8] =	wrdreg s22  }
0x13: {  	s25 =	sadd.s32 $0x5000, s2;
	s28 =	sadd.s32 $0x6000, s2;
	[dreg:$0x9] =	wrdreg s23  }
0x14: {  	s29 =	sadd.s32 $0x7000, s2;
	s1 =	smax.u32 s1, $0x1;
	[dreg:$0xa] =	wrdreg s25  }
0x15: {  	s18 =	simm.s32 $0x16100;
	s4 =	sshrl.u32 s4, $0x3;
	[dreg:$0xb] =	wrdreg s28  }
0x16: {  	s26 =	simm.s32 @!p0 $0x0;
	p0 =	sgt.u32 s7, $0x2;
	[dreg:$0xc] =	wrdreg s29  }
0x17: {  	s21 =	simm.s32 $0x17900;
	s22 =	simm.s32 $0x18100;
	s25 =	simm.s32 $0x2  }
0x18: {  	s23 =	simm.s32 $0x4;
	s0 =	sadd.s32 s0, s4;
	s12 =	simm.s32 @!p0 $0x0  }
0x19: {  	p0 =	sgt.u32 s7, $0x3;
	s4 =	simm.s32 $0x1;
	v1 =	vmov s26;
	s26 =	simm.s32 $0x8900  }
0x1a: {  	v10 =	vlaneseq.u32;
	[dreg:$0x5] =	wrdreg s0;
	s9 =	simm.s32 @!p0 $0x0;
	p0 =	sgt.u32 s7, $0x4  }
0x1b: {  	vm0 =	vmmov $0xffff;
	v7 =	vimm.s32 $0x0;
	v9 =	vshrl.u32 v10, $0x3;
	s0 =	sadd.s32 $0x1000, s2;
	s10 =	simm.s32 @!p0 $0x0;
	p0 =	sgt.u32 s7, $0x5  }
0x1c: {  	v8 =	vand.u32 $0x7, v10;
	v10 =	vor.u32 $0x8, v10;
	v2 =	vmov s12;
	s12 =	simm.s32 $0x13100;
	s4 =	simm.s32 @!p0 $0x0;
	p0 =	seq.s32 s7, $0x7  }
0x1d: {  	v9 =	vmul.u32 $0x8, v9;
	v0 =	vmov s11;
	[dreg:$0x6] =	wrdreg s0;
	v3 =	vmov s9;
	s9 =	simm.s32 $0x11900;
	s24 =	simm.s32 @!p0 $0x0  }
0x1e: {  	s7 =	sadd.s32 $0x200, s5;
	v4 =	vmov s10;
	v5 =	vmov s4;
	s4 =	simm.s32 $0x10900;
	v6 =	vmov s24;
	s24 =	simm.s32 $0x1  }
.LBB2_1:
0x1f: {  	[dreg:$0xf] =	wrdreg s1  }
0x20: {  	s30 =	rddreg [dreg:$0x4]  }
0x21: {  	s29 =	rddreg [dreg:$0x5];
	s10 =	simm.s32 $0x80;
	s11 =	simm.s32 $0x200  }
0x22: {  	[tilespmem:s3], [sflag:$0x7] =	stream.strided.gather [hbm4b:s30+s10], $0x800, s11, s10, $0x38;
	[tilespmem:$0x18D00] =	vst v63  }
0x23: {  	s0 =	rddreg [dreg:$0xd];
	s1 =	simm.s32 $0x8  }
0x24: {  	[tilespmem:s0], [sflag:$0x8] =	stream.strided.gather [hbm4b:s29+s10], $0x100, s11, s10, $0x38;
	[tilespmem:$0x18D00] =	vst v63  }
0x25: {  	_ =	swait.ge [sflag:s1], $0x100  }
0x26: {  	[sflag:s1] =	ssyncset.done $0x0  }
0x27: {  	s2 =	simm.s32 $0x7;
	[sflag:s1] =	ssyncadd.s32 $0xFFFFFF00  }
0x28: {  	_ =	swait.ge [sflag:s2], $0x800  }
0x29: {  	[sflag:s2] =	ssyncset.done $0x0  }
0x2a: {  	[sflag:s2] =	ssyncadd.s32 $0xFFFFF800  }
0x2b: {  	v11 =	vld [tilespmem:$0x0]  }
0x2c: {  	v12 =	vld [tilespmem:$0x10]  }
0x2d: {  	v13 =	vld [tilespmem:$0x20]  }
0x2e: {  	v14 =	vld [tilespmem:$0x30]  }
0x2f: {  	v15 =	vld [tilespmem:$0x40]  }
0x30: {  	v16 =	vld [tilespmem:$0x50]  }
0x31: {  	vm1 =	veq.s32 v11, $0x1;
	vm2 =	veq.s32 v12, $0x1;
	v11 =	vld [tilespmem:$0x60]  }
0x32: {  	v56 =	vld [tilespmem:$0x70];
	v55 =	vsel vm1, $0x0, v0;
	v17 =	vsel vm2, $0x0, v0;
	vm1 =	veq.s32 v13, $0x1  }
0x33: {  	v58 =	vld [tilespmem:$0x80];
	v12 =	vadd.s32 v55, v17;
	v57 =	vsel vm1, $0x0, v0;
	vm1 =	veq.s32 v14, $0x1  }
0x34: {  	v60 =	vld [tilespmem:$0x90];
	v12 =	vadd.s32 v57, v12;
	v59 =	vsel vm1, $0x0, v0;
	vm1 =	veq.s32 v15, $0x1  }
0x35: {  	v62 =	vld [tilespmem:$0xA0];
	v12 =	vadd.s32 v59, v12;
	v61 =	vsel vm1, $0x0, v0;
	vm1 =	veq.s32 v16, $0x1  }
0x36: {  	v12 =	vadd.s32 v61, v12;
	v63 =	vsel vm1, $0x0, v0;
	vm1 =	veq.s32 v11, $0x1;
	v11 =	vld [tilespmem:$0xB0]  }
0x37: {  	v21 =	vld [tilespmem:$0xC0];
	v12 =	vadd.s32 v63, v12;
	v20 =	vsel vm1, $0x0, v0;
	vm1 =	veq.s32 v56, $0x1  }
0x38: {  	v23 =	vld [tilespmem:$0xD0];
	v12 =	vadd.s32 v20, v12;
	v22 =	vsel vm1, $0x0, v0;
	vm1 =	veq.s32 v58, $0x1  }
0x39: {  	v25 =	vld [tilespmem:$0xE0];
	v12 =	vadd.s32 v22, v12;
	v24 =	vsel vm1, $0x0, v0;
	vm1 =	veq.s32 v60, $0x1  }
0x3a: {  	v27 =	vld [tilespmem:$0xF0];
	v12 =	vadd.s32 v24, v12;
	v26 =	vsel vm1, $0x0, v0;
	vm1 =	veq.s32 v62, $0x1  }
0x3b: {  	v12 =	vadd.s32 v26, v12;
	v28 =	vsel vm1, $0x0, v0;
	vm1 =	veq.s32 v11, $0x1;
	v11 =	vld [tilespmem:$0x100]  }
0x3c: {  	v30 =	vld [tilespmem:$0x110];
	v12 =	vadd.s32 v28, v12;
	v29 =	vsel vm1, $0x0, v0;
	vm1 =	veq.s32 v21, $0x1  }
0x3d: {  	v32 =	vld [tilespmem:$0x120];
	v12 =	vadd.s32 v29, v12;
	v31 =	vsel vm1, $0x0, v0;
	vm1 =	veq.s32 v23, $0x1  }
0x3e: {  	v34 =	vld [tilespmem:$0x130];
	v12 =	vadd.s32 v31, v12;
	v33 =	vsel vm1, $0x0, v0;
	vm1 =	veq.s32 v25, $0x1  }
0x3f: {  	v36 =	vld [tilespmem:$0x140];
	v12 =	vadd.s32 v33, v12;
	v35 =	vsel vm1, $0x0, v0;
	vm1 =	veq.s32 v27, $0x1  }
0x40: {  	v12 =	vadd.s32 v35, v12;
	v37 =	vsel vm1, $0x0, v0;
	vm1 =	veq.s32 v11, $0x1;
	v11 =	vld [tilespmem:$0x150]  }
0x41: {  	v39 =	vld [tilespmem:$0x160];
	v12 =	vadd.s32 v37, v12;
	v38 =	vsel vm1, $0x0, v1;
	vm1 =	veq.s32 v30, $0x1  }
0x42: {  	v41 =	vld [tilespmem:$0x170];
	v12 =	vadd.s32 v38, v12;
	v40 =	vsel vm1, $0x0, v1;
	vm1 =	veq.s32 v32, $0x1  }
0x43: {  	v43 =	vld [tilespmem:$0x180];
	v12 =	vadd.s32 v40, v12;
	v42 =	vsel vm1, $0x0, v1;
	vm1 =	veq.s32 v34, $0x1  }
0x44: {  	v45 =	vld [tilespmem:$0x190];
	v12 =	vadd.s32 v42, v12;
	v44 =	vsel vm1, $0x0, v1;
	vm1 =	veq.s32 v36, $0x1  }
0x45: {  	v12 =	vadd.s32 v44, v12;
	v46 =	vsel vm1, $0x0, v1;
	vm1 =	veq.s32 v11, $0x1;
	v11 =	vld [tilespmem:$0x1A0]  }
0x46: {  	v48 =	vld [tilespmem:$0x1B0];
	v12 =	vadd.s32 v46, v12;
	v47 =	vsel vm1, $0x0, v1;
	vm1 =	veq.s32 v39, $0x1  }
0x47: {  	v50 =	vld [tilespmem:$0x1C0];
	v12 =	vadd.s32 v47, v12;
	v49 =	vsel vm1, $0x0, v1;
	vm1 =	veq.s32 v41, $0x1  }
0x48: {  	v52 =	vld [tilespmem:$0x1D0];
	v12 =	vadd.s32 v49, v12;
	v51 =	vsel vm1, $0x0, v1;
	vm1 =	veq.s32 v43, $0x1  }
0x49: {  	v54 =	vld [tilespmem:$0x1E0];
	v12 =	vadd.s32 v51, v12;
	v53 =	vsel vm1, $0x0, v1;
	vm1 =	veq.s32 v45, $0x1  }
0x4a: {  	v12 =	vadd.s32 v53, v12;
	v55 =	vsel vm1, $0x0, v1;
	vm1 =	veq.s32 v11, $0x1;
	v11 =	vld [tilespmem:$0x1F0]  }
0x4b: {  	v57 =	vld [tilespmem:$0x200];
	v12 =	vadd.s32 v55, v12;
	v56 =	vsel vm1, $0x0, v1;
	vm1 =	veq.s32 v48, $0x1  }
0x4c: {  	v59 =	vld [tilespmem:$0x210];
	v12 =	vadd.s32 v56, v12;
	v58 =	vsel vm1, $0x0, v1;
	vm1 =	veq.s32 v50, $0x1  }
0x4d: {  	v61 =	vld [tilespmem:$0x220];
	v12 =	vadd.s32 v58, v12;
	v60 =	vsel vm1, $0x0, v1;
	vm1 =	veq.s32 v52, $0x1  }
0x4e: {  	v63 =	vld [tilespmem:$0x230];
	v12 =	vadd.s32 v60, v12;
	v62 =	vsel vm1, $0x0, v1;
	vm1 =	veq.s32 v54, $0x1  }
0x4f: {  	v12 =	vadd.s32 v62, v12;
	v20 =	vsel vm1, $0x0, v1;
	vm1 =	veq.s32 v11, $0x1;
	v11 =	vld [tilespmem:$0x240]  }
0x50: {  	v22 =	vld [tilespmem:$0x250];
	v12 =	vadd.s32 v20, v12;
	v21 =	vsel vm1, $0x0, v1;
	vm1 =	veq.s32 v57, $0x1  }
0x51: {  	v24 =	vld [tilespmem:$0x260];
	v12 =	vadd.s32 v21, v12;
	v23 =	vsel vm1, $0x0, v2;
	vm1 =	veq.s32 v59, $0x1  }
0x52: {  	v26 =	vld [tilespmem:$0x270];
	v12 =	vadd.s32 v23, v12;
	v25 =	vsel vm1, $0x0, v2;
	vm1 =	veq.s32 v61, $0x1  }
0x53: {  	v28 =	vld [tilespmem:$0x280];
	v12 =	vadd.s32 v25, v12;
	v27 =	vsel vm1, $0x0, v2;
	vm1 =	veq.s32 v63, $0x1  }
0x54: {  	v12 =	vadd.s32 v27, v12;
	v29 =	vsel vm1, $0x0, v2;
	vm1 =	veq.s32 v11, $0x1;
	v11 =	vld [tilespmem:$0x290]  }
0x55: {  	v31 =	vld [tilespmem:$0x2A0];
	v12 =	vadd.s32 v29, v12;
	v30 =	vsel vm1, $0x0, v2;
	vm1 =	veq.s32 v22, $0x1  }
0x56: {  	v33 =	vld [tilespmem:$0x2B0];
	v12 =	vadd.s32 v30, v12;
	v32 =	vsel vm1, $0x0, v2;
	vm1 =	veq.s32 v24, $0x1  }
0x57: {  	v35 =	vld [tilespmem:$0x2C0];
	v12 =	vadd.s32 v32, v12;
	v34 =	vsel vm1, $0x0, v2;
	vm1 =	veq.s32 v26, $0x1  }
0x58: {  	v37 =	vld [tilespmem:$0x2D0];
	v12 =	vadd.s32 v34, v12;
	v36 =	vsel vm1, $0x0, v2;
	vm1 =	veq.s32 v28, $0x1  }
0x59: {  	v12 =	vadd.s32 v36, v12;
	v38 =	vsel vm1, $0x0, v2;
	vm1 =	veq.s32 v11, $0x1;
	v11 =	vld [tilespmem:$0x2E0]  }
0x5a: {  	v40 =	vld [tilespmem:$0x2F0];
	v12 =	vadd.s32 v38, v12;
	v39 =	vsel vm1, $0x0, v2;
	vm1 =	veq.s32 v31, $0x1  }
0x5b: {  	v42 =	vld [tilespmem:$0x300];
	v12 =	vadd.s32 v39, v12;
	v41 =	vsel vm1, $0x0, v2;
	vm1 =	veq.s32 v33, $0x1  }
0x5c: {  	v44 =	vld [tilespmem:$0x310];
	v12 =	vadd.s32 v41, v12;
	v43 =	vsel vm1, $0x0, v2;
	vm1 =	veq.s32 v35, $0x1  }
0x5d: {  	v46 =	vld [tilespmem:$0x320];
	v12 =	vadd.s32 v43, v12;
	v45 =	vsel vm1, $0x0, v2;
	vm1 =	veq.s32 v37, $0x1  }
0x5e: {  	v12 =	vadd.s32 v45, v12;
	v47 =	vsel vm1, $0x0, v2;
	vm1 =	veq.s32 v11, $0x1;
	v11 =	vld [tilespmem:$0x330]  }
0x5f: {  	v49 =	vld [tilespmem:$0x340];
	v12 =	vadd.s32 v47, v12;
	v48 =	vsel vm1, $0x0, v2;
	vm1 =	veq.s32 v40, $0x1  }
0x60: {  	v51 =	vld [tilespmem:$0x350];
	v12 =	vadd.s32 v48, v12;
	v50 =	vsel vm1, $0x0, v2;
	vm1 =	veq.s32 v42, $0x1  }
0x61: {  	v53 =	vld [tilespmem:$0x360];
	v12 =	vadd.s32 v50, v12;
	v52 =	vsel vm1, $0x0, v3;
	vm1 =	veq.s32 v44, $0x1  }
0x62: {  	v55 =	vld [tilespmem:$0x370];
	v12 =	vadd.s32 v52, v12;
	v54 =	vsel vm1, $0x0, v3;
	vm1 =	veq.s32 v46, $0x1  }
0x63: {  	v12 =	vadd.s32 v54, v12;
	v56 =	vsel vm1, $0x0, v3;
	vm1 =	veq.s32 v11, $0x1;
	v11 =	vld [tilespmem:$0x380]  }
0x64: {  	v58 =	vld [tilespmem:$0x390];
	v12 =	vadd.s32 v56, v12;
	v57 =	vsel vm1, $0x0, v3;
	vm1 =	veq.s32 v49, $0x1  }
0x65: {  	v60 =	vld [tilespmem:$0x3A0];
	v12 =	vadd.s32 v57, v12;
	v59 =	vsel vm1, $0x0, v3;
	vm1 =	veq.s32 v51, $0x1  }
0x66: {  	v62 =	vld [tilespmem:$0x3B0];
	v12 =	vadd.s32 v59, v12;
	v61 =	vsel vm1, $0x0, v3;
	vm1 =	veq.s32 v53, $0x1  }
0x67: {  	v20 =	vld [tilespmem:$0x3C0];
	v12 =	vadd.s32 v61, v12;
	v63 =	vsel vm1, $0x0, v3;
	vm1 =	veq.s32 v55, $0x1  }
0x68: {  	v12 =	vadd.s32 v63, v12;
	v21 =	vsel vm1, $0x0, v3;
	vm1 =	veq.s32 v11, $0x1;
	v11 =	vld [tilespmem:$0x3D0]  }
0x69: {  	v23 =	vld [tilespmem:$0x3E0];
	v12 =	vadd.s32 v21, v12;
	v22 =	vsel vm1, $0x0, v3;
	vm1 =	veq.s32 v58, $0x1  }
0x6a: {  	v25 =	vld [tilespmem:$0x3F0];
	v12 =	vadd.s32 v22, v12;
	v24 =	vsel vm1, $0x0, v3;
	vm1 =	veq.s32 v60, $0x1  }
0x6b: {  	v27 =	vld [tilespmem:$0x400];
	v12 =	vadd.s32 v24, v12;
	v26 =	vsel vm1, $0x0, v3;
	vm1 =	veq.s32 v62, $0x1  }
0x6c: {  	v29 =	vld [tilespmem:$0x410];
	v12 =	vadd.s32 v26, v12;
	v28 =	vsel vm1, $0x0, v3;
	vm1 =	veq.s32 v20, $0x1  }
0x6d: {  	v12 =	vadd.s32 v28, v12;
	v30 =	vsel vm1, $0x0, v3;
	vm1 =	veq.s32 v11, $0x1;
	v11 =	vld [tilespmem:$0x420]  }
0x6e: {  	v32 =	vld [tilespmem:$0x430];
	v12 =	vadd.s32 v30, v12;
	v31 =	vsel vm1, $0x0, v3;
	vm1 =	veq.s32 v23, $0x1  }
0x6f: {  	v34 =	vld [tilespmem:$0x440];
	v12 =	vadd.s32 v31, v12;
	v33 =	vsel vm1, $0x0, v3;
	vm1 =	veq.s32 v25, $0x1  }
0x70: {  	v36 =	vld [tilespmem:$0x450];
	v12 =	vadd.s32 v33, v12;
	v35 =	vsel vm1, $0x0, v3;
	vm1 =	veq.s32 v27, $0x1  }
0x71: {  	v38 =	vld [tilespmem:$0x460];
	v12 =	vadd.s32 v35, v12;
	v37 =	vsel vm1, $0x0, v4;
	vm1 =	veq.s32 v29, $0x1  }
0x72: {  	v12 =	vadd.s32 v37, v12;
	v39 =	vsel vm1, $0x0, v4;
	vm1 =	veq.s32 v11, $0x1;
	v11 =	vld [tilespmem:$0x470]  }
0x73: {  	v41 =	vld [tilespmem:$0x480];
	v12 =	vadd.s32 v39, v12;
	v40 =	vsel vm1, $0x0, v4;
	vm1 =	veq.s32 v32, $0x1  }
0x74: {  	v43 =	vld [tilespmem:$0x490];
	v12 =	vadd.s32 v40, v12;
	v42 =	vsel vm1, $0x0, v4;
	vm1 =	veq.s32 v34, $0x1  }
0x75: {  	v45 =	vld [tilespmem:$0x4A0];
	v12 =	vadd.s32 v42, v12;
	v44 =	vsel vm1, $0x0, v4;
	vm1 =	veq.s32 v36, $0x1  }
0x76: {  	v47 =	vld [tilespmem:$0x4B0];
	v12 =	vadd.s32 v44, v12;
	v46 =	vsel vm1, $0x0, v4;
	vm1 =	veq.s32 v38, $0x1  }
0x77: {  	v12 =	vadd.s32 v46, v12;
	v48 =	vsel vm1, $0x0, v4;
	vm1 =	veq.s32 v11, $0x1;
	v11 =	vld [tilespmem:$0x4C0]  }
0x78: {  	v50 =	vld [tilespmem:$0x4D0];
	v12 =	vadd.s32 v48, v12;
	v49 =	vsel vm1, $0x0, v4;
	vm1 =	veq.s32 v41, $0x1  }
0x79: {  	v52 =	vld [tilespmem:$0x4E0];
	v12 =	vadd.s32 v49, v12;
	v51 =	vsel vm1, $0x0, v4;
	vm1 =	veq.s32 v43, $0x1  }
0x7a: {  	v54 =	vld [tilespmem:$0x4F0];
	v12 =	vadd.s32 v51, v12;
	v53 =	vsel vm1, $0x0, v4;
	vm1 =	veq.s32 v45, $0x1  }
0x7b: {  	v56 =	vld [tilespmem:$0x500];
	v12 =	vadd.s32 v53, v12;
	v55 =	vsel vm1, $0x0, v4;
	vm1 =	veq.s32 v47, $0x1  }
0x7c: {  	v12 =	vadd.s32 v55, v12;
	v57 =	vsel vm1, $0x0, v4;
	vm1 =	veq.s32 v11, $0x1;
	v11 =	vld [tilespmem:$0x510]  }
0x7d: {  	v59 =	vld [tilespmem:$0x520];
	v12 =	vadd.s32 v57, v12;
	v58 =	vsel vm1, $0x0, v4;
	vm1 =	veq.s32 v50, $0x1  }
0x7e: {  	v61 =	vld [tilespmem:$0x530];
	v12 =	vadd.s32 v58, v12;
	v60 =	vsel vm1, $0x0, v4;
	vm1 =	veq.s32 v52, $0x1  }
0x7f: {  	v63 =	vld [tilespmem:$0x540];
	v12 =	vadd.s32 v60, v12;
	v62 =	vsel vm1, $0x0, v4;
	vm1 =	veq.s32 v54, $0x1  }
0x80: {  	v21 =	vld [tilespmem:$0x550];
	v12 =	vadd.s32 v62, v12;
	v20 =	vsel vm1, $0x0, v4;
	vm1 =	veq.s32 v56, $0x1  }
0x81: {  	v12 =	vadd.s32 v20, v12;
	v22 =	vsel vm1, $0x0, v5;
	vm1 =	veq.s32 v11, $0x1;
	v11 =	vld [tilespmem:$0x560]  }
0x82: {  	v24 =	vld [tilespmem:$0x570];
	v12 =	vadd.s32 v22, v12;
	v23 =	vsel vm1, $0x0, v5;
	vm1 =	veq.s32 v59, $0x1  }
0x83: {  	v26 =	vld [tilespmem:$0x580];
	v12 =	vadd.s32 v23, v12;
	v25 =	vsel vm1, $0x0, v5;
	vm1 =	veq.s32 v61, $0x1  }
0x84: {  	v28 =	vld [tilespmem:$0x590];
	v12 =	vadd.s32 v25, v12;
	v27 =	vsel vm1, $0x0, v5;
	vm1 =	veq.s32 v63, $0x1  }
0x85: {  	v30 =	vld [tilespmem:$0x5A0];
	v12 =	vadd.s32 v27, v12;
	v29 =	vsel vm1, $0x0, v5;
	vm1 =	veq.s32 v21, $0x1  }
0x86: {  	v12 =	vadd.s32 v29, v12;
	v31 =	vsel vm1, $0x0, v5;
	vm1 =	veq.s32 v11, $0x1;
	v11 =	vld [tilespmem:$0x5B0]  }
0x87: {  	v33 =	vld [tilespmem:$0x5C0];
	v12 =	vadd.s32 v31, v12;
	v32 =	vsel vm1, $0x0, v5;
	vm1 =	veq.s32 v24, $0x1  }
0x88: {  	v35 =	vld [tilespmem:$0x5D0];
	v12 =	vadd.s32 v32, v12;
	v34 =	vsel vm1, $0x0, v5;
	vm1 =	veq.s32 v26, $0x1  }
0x89: {  	v37 =	vld [tilespmem:$0x5E0];
	v12 =	vadd.s32 v34, v12;
	v36 =	vsel vm1, $0x0, v5;
	vm1 =	veq.s32 v28, $0x1  }
0x8a: {  	v39 =	vld [tilespmem:$0x5F0];
	v12 =	vadd.s32 v36, v12;
	v38 =	vsel vm1, $0x0, v5;
	vm1 =	veq.s32 v30, $0x1  }
0x8b: {  	v12 =	vadd.s32 v38, v12;
	v40 =	vsel vm1, $0x0, v5;
	vm1 =	veq.s32 v11, $0x1;
	v11 =	vld [tilespmem:$0x600]  }
0x8c: {  	v42 =	vld [tilespmem:$0x610];
	v12 =	vadd.s32 v40, v12;
	v41 =	vsel vm1, $0x0, v5;
	vm1 =	veq.s32 v33, $0x1  }
0x8d: {  	v44 =	vld [tilespmem:$0x620];
	v12 =	vadd.s32 v41, v12;
	v43 =	vsel vm1, $0x0, v5;
	vm1 =	veq.s32 v35, $0x1  }
0x8e: {  	v46 =	vld [tilespmem:$0x630];
	v12 =	vadd.s32 v43, v12;
	v45 =	vsel vm1, $0x0, v5;
	vm1 =	veq.s32 v37, $0x1  }
0x8f: {  	v48 =	vld [tilespmem:$0x640];
	v12 =	vadd.s32 v45, v12;
	v47 =	vsel vm1, $0x0, v5;
	vm1 =	veq.s32 v39, $0x1  }
0x90: {  	v12 =	vadd.s32 v47, v12;
	v49 =	vsel vm1, $0x0, v5;
	vm1 =	veq.s32 v11, $0x1;
	v11 =	vld [tilespmem:$0x650]  }
0x91: {  	v51 =	vld [tilespmem:$0x660];
	v12 =	vadd.s32 v49, v12;
	v50 =	vsel vm1, $0x0, v6;
	vm1 =	veq.s32 v42, $0x1  }
0x92: {  	v53 =	vld [tilespmem:$0x670];
	v12 =	vadd.s32 v50, v12;
	v52 =	vsel vm1, $0x0, v6;
	vm1 =	veq.s32 v44, $0x1  }
0x93: {  	v55 =	vld [tilespmem:$0x680];
	v12 =	vadd.s32 v52, v12;
	v54 =	vsel vm1, $0x0, v6;
	vm1 =	veq.s32 v46, $0x1  }
0x94: {  	v57 =	vld [tilespmem:$0x690];
	v12 =	vadd.s32 v54, v12;
	v56 =	vsel vm1, $0x0, v6;
	vm1 =	veq.s32 v48, $0x1  }
0x95: {  	v12 =	vadd.s32 v56, v12;
	v58 =	vsel vm1, $0x0, v6;
	vm1 =	veq.s32 v11, $0x1;
	v11 =	vld [tilespmem:$0x6A0]  }
0x96: {  	v60 =	vld [tilespmem:$0x6B0];
	v12 =	vadd.s32 v58, v12;
	v59 =	vsel vm1, $0x0, v6;
	vm1 =	veq.s32 v51, $0x1  }
0x97: {  	v62 =	vld [tilespmem:$0x6C0];
	v12 =	vadd.s32 v59, v12;
	v61 =	vsel vm1, $0x0, v6;
	vm1 =	veq.s32 v53, $0x1  }
0x98: {  	v20 =	vld [tilespmem:$0x6D0];
	v12 =	vadd.s32 v61, v12;
	v63 =	vsel vm1, $0x0, v6;
	vm1 =	veq.s32 v55, $0x1  }
0x99: {  	v22 =	vld [tilespmem:$0x6E0];
	v12 =	vadd.s32 v63, v12;
	v21 =	vsel vm1, $0x0, v6;
	vm1 =	veq.s32 v57, $0x1  }
0x9a: {  	v12 =	vadd.s32 v21, v12;
	v23 =	vsel vm1, $0x0, v6;
	vm1 =	veq.s32 v11, $0x1;
	v11 =	vld [tilespmem:$0x6F0]  }
0x9b: {  	vm2 =	veq.s32 v60, $0x1;
	v12 =	vadd.s32 v23, v12;
	v24 =	vsel vm1, $0x0, v6  }
0x9c: {  	v25 =	vsel vm2, $0x0, v6;
	v26 =	vld [tilespmem:$0x800];
	vm1 =	veq.s32 v62, $0x1;
	v12 =	vadd.s32 v24, v12  }
0x9d: {  	vm2 =	veq.s32 v20, $0x1;
	v27 =	vsel vm1, $0x0, v6;
	v12 =	vadd.s32 v25, v12  }
0x9e: {  	v28 =	vsel vm2, $0x0, v6;
	vm1 =	veq.s32 v22, $0x1;
	v12 =	vadd.s32 v27, v12  }
0x9f: {  	v29 =	vsel vm1, $0x0, v6;
	v12 =	vadd.s32 v28, v12;
	vm1 =	veq.s32 v11, $0x1  }
0xa0: {  	v11 =	vadd.s32 v29, v12;
	v30 =	vsel vm1, $0x0, v6  }
0xa1: {  	vm1 =	vne.s32 v26, $0x1;
	v11 =	vadd.s32 v30, v11  }
0xa2: {  	(xrf0) =	vadd.scan.msk.s32 $0xffff, v11;
	v11 =	vsel vm1, $0x1, v7  }
0xa3: {  	(xrf0) =	vadd.scan.msk.s32 $0xffff, v11;
	_ =	sdelay $0x4  }
0xa4: {  	v11, _, _ =	vpop (xrf0)  }
0xa5: {  	(v2sf) =	vpush v11, $0xF;
	v31, _, _ =	vpop (xrf0)  }
0xa6: {  	(v2sf) =	vpush v31, $0xF;
	_ =	sdelay $0x6  }
0xa7: {  	v32 =	vld [tilespmem:$0x810];
	_ =	sdelay $0x1  }
0xa8: {  	v11 =	vadd.s32 $0x1, v11  }
0xa9: {  	v11 =	vbroadcast v11, $0xF;
	_ =	sdelay $0x1  }
0xaa: {  	vm2 =	vne.s32 v32, $0x1;
	v11 =	vadd.s32 v31, v11  }
0xab: {  	v33 =	vsel vm2, $0x1, v7;
	v11 =	vnsel vm1, $0x1, v11  }
0xac: {  	(xrf0) =	vadd.scan.msk.s32 $0xffff, v33;
	v34 =	vshll.u32 v11, $0x3;
	s10 =	spop (v2sf)  }
0xad: {  	v35 =	vand.u32 $0x7, v11;
	v12 =	vand.u32 $0xFFFFFFC0, v34;
	s11 =	spop (v2sf)  }
0xae: {  	v12 =	vor.u32 v35, v12;
	s0 =	sadd.s32 s11, s10  }
0xaf: {  	v37 =	vperm.xlane v12, v8;
	v36 =	vmov s0  }
0xb0: {  	v13 =	vadd.s32 $0x1, v36  }
0xb1: {  	v14 =	vadd.s32 v9, v37;
	v13 =	vbroadcast v13, $0x0  }
0xb2: {  	v38, _, _ =	vpop (xrf0)  }
0xb3: {  	v13 =	vadd.s32 v38, v13  }
0xb4: {  	[tilespmem:$0x18900] =	vst v11;
	v11 =	vnsel vm2, $0x1, v13  }
0xb5: {  	[tilespmem:$0x18910] =	vst v11  }
0xb6: {  	[tilespmem:s31], [sflag:$0x1] =	stream.indirect_vreg.gather [hbm4b:s5+s3], $0x80, v14, vm0, $0xb8;
	[tilespmem:$0x18D00] =	vst v63  }
0xb7: {  	s28 =	simm.s32 $0x1100;
	v11 =	vperm.xlane v12, v10  }
0xb8: {  	[tilespmem:s28], [sflag:$0x1] =	stream.indirect_vreg.gather [hbm4b:s6+s3], $0x80, v14, vm0, $0xb8;
	[tilespmem:$0x18D00] =	vst v63  }
0xb9: {  	s29 =	simm.s32 $0x1900;
	v11 =	vadd.s32 v9, v11  }
0xba: {  	[tilespmem:s29], [sflag:$0x1] =	stream.indirect_vreg.gather [hbm4b:s7+s3], $0x80, v14, vm0, $0xb8;
	[tilespmem:$0x18D00] =	vst v63  }
0xbb: {  	s30 =	simm.s32 $0x2100  }
0xbc: {  	[tilespmem:s30], [sflag:$0x1] =	stream.indirect_vreg.gather [hbm4b:s8+s3], $0x80, v14, vm0, $0xb8;
	[tilespmem:$0x18D00] =	vst v63  }
0xbd: {  	s10 =	simm.s32 $0x2900  }
0xbe: {  	[tilespmem:s10], [sflag:$0x1] =	stream.indirect_vreg.gather [hbm4b:s5+s3], $0x80, v11, vm0, $0xb8;
	[tilespmem:$0x18D00] =	vst v63  }
0xbf: {  	s11 =	simm.s32 $0x3100  }
0xc0: {  	[tilespmem:s11], [sflag:$0x1] =	stream.indirect_vreg.gather [hbm4b:s6+s3], $0x80, v11, vm0, $0xb8;
	[tilespmem:$0x18D00] =	vst v63  }
0xc1: {  	s28 =	simm.s32 $0x3900  }
0xc2: {  	[tilespmem:s28], [sflag:$0x1] =	stream.indirect_vreg.gather [hbm4b:s7+s3], $0x80, v11, vm0, $0xb8;
	[tilespmem:$0x18D00] =	vst v63  }
0xc3: {  	s29 =	simm.s32 $0x4100  }
0xc4: {  	[tilespmem:s29], [sflag:$0x1] =	stream.indirect_vreg.gather [hbm4b:s8+s3], $0x80, v11, vm0, $0xb8;
	[tilespmem:$0x18D00] =	vst v63  }
0xc5: {  	v11 =	vld [tilespmem:$0x18910];
	_ =	sdelay $0x4  }
0xc6: {  	v39 =	vshll.u32 v11, $0x3  }
0xc7: {  	v11 =	vand.u32 $0x7, v11;
	v12 =	vand.u32 $0xFFFFFFC0, v39  }
0xc8: {  	v11 =	vor.u32 v11, v12  }
0xc9: {  	v12 =	vperm.xlane v11, v8;
	_ =	sdelay $0x1  }
0xca: {  	v12 =	vadd.s32 v9, v12;
	_ =	sdelay $0x3  }
0xcb: {  	s30 =	simm.s32 $0x4900  }
0xcc: {  	[tilespmem:s30], [sflag:$0x1] =	stream.indirect_vreg.gather [hbm4b:s5+s3], $0x80, v12, vm0, $0xb8;
	[tilespmem:$0x18D00] =	vst v63  }
0xcd: {  	s10 =	simm.s32 $0x5100;
	v11 =	vperm.xlane v11, v10  }
0xce: {  	[tilespmem:s10], [sflag:$0x1] =	stream.indirect_vreg.gather [hbm4b:s6+s3], $0x80, v12, vm0, $0xb8;
	[tilespmem:$0x18D00] =	vst v63  }
0xcf: {  	s11 =	simm.s32 $0x5900;
	v11 =	vadd.s32 v9, v11  }
0xd0: {  	[tilespmem:s11], [sflag:$0x1] =	stream.indirect_vreg.gather [hbm4b:s7+s3], $0x80, v12, vm0, $0xb8;
	[tilespmem:$0x18D00] =	vst v63  }
0xd1: {  	s30 =	simm.s32 $0x6100  }
0xd2: {  	[tilespmem:s30], [sflag:$0x1] =	stream.indirect_vreg.gather [hbm4b:s8+s3], $0x80, v12, vm0, $0xb8;
	[tilespmem:$0x18D00] =	vst v63  }
0xd3: {  	s10 =	simm.s32 $0x6900  }
0xd4: {  	[tilespmem:s10], [sflag:$0x1] =	stream.indirect_vreg.gather [hbm4b:s5+s3], $0x80, v11, vm0, $0xb8;
	[tilespmem:$0x18D00] =	vst v63  }
0xd5: {  	s11 =	simm.s32 $0x7100  }
0xd6: {  	[tilespmem:s11], [sflag:$0x1] =	stream.indirect_vreg.gather [hbm4b:s6+s3], $0x80, v11, vm0, $0xb8;
	[tilespmem:$0x18D00] =	vst v63  }
0xd7: {  	s30 =	simm.s32 $0x7900  }
0xd8: {  	[tilespmem:s30], [sflag:$0x1] =	stream.indirect_vreg.gather [hbm4b:s7+s3], $0x80, v11, vm0, $0xb8;
	[tilespmem:$0x18D00] =	vst v63  }
0xd9: {  	s10 =	simm.s32 $0x8100  }
0xda: {  	[tilespmem:s10], [sflag:$0x1] =	stream.indirect_vreg.gather [hbm4b:s8+s3], $0x80, v11, vm0, $0xb8;
	[tilespmem:$0x18D00] =	vst v63  }
0xdb: {  	v11 =	vld [tilespmem:$0x820];
	_ =	sdelay $0x4  }
0xdc: {  	(v2sf) =	vpush v38, $0xF;
	vm1 =	vne.s32 v11, $0x1  }
0xdd: {  	v11 =	vsel vm1, $0x1, v7  }
0xde: {  	(xrf0) =	vadd.scan.msk.s32 $0xffff, v11;
	_ =	sdelay $0x5  }
0xdf: {  	v11, _, _ =	vpop (xrf0)  }
0xe0: {  	(v2sf) =	vpush v11, $0xF;
	_ =	sdelay $0x5  }
0xe1: {  	s11 =	spop (v2sf)  }
0xe2: {  	s0 =	sadd.s32 s0, s11;
	v12 =	vld [tilespmem:$0x830]  }
0xe3: {  	v40 =	vmov s0  }
0xe4: {  	v13 =	vadd.s32 $0x1, v40  }
0xe5: {  	v13 =	vbroadcast v13, $0x0;
	_ =	sdelay $0x1  }
0xe6: {  	vm2 =	vne.s32 v12, $0x1;
	v11 =	vadd.s32 v11, v13  }
0xe7: {  	v12 =	vsel vm2, $0x1, v7;
	v11 =	vnsel vm1, $0x1, v11  }
0xe8: {  	(xrf0) =	vadd.scan.msk.s32 $0xffff, v12;
	v41 =	vshll.u32 v11, $0x3  }
0xe9: {  	v42 =	vand.u32 $0x7, v11;
	v12 =	vand.u32 $0xFFFFFFC0, v41;
	s30 =	spop (v2sf)  }
0xea: {  	v12 =	vor.u32 v42, v12;
	s0 =	sadd.s32 s0, s30  }
0xeb: {  	v44 =	vperm.xlane v12, v8;
	v43 =	vmov s0  }
0xec: {  	v13 =	vadd.s32 $0x1, v43  }
0xed: {  	v14 =	vadd.s32 v9, v44;
	v13 =	vbroadcast v13, $0x0  }
0xee: {  	v45, _, _ =	vpop (xrf0)  }
0xef: {  	v13 =	vadd.s32 v45, v13  }
0xf0: {  	[tilespmem:$0x18980] =	vst v11;
	v11 =	vnsel vm2, $0x1, v13  }
0xf1: {  	[tilespmem:$0x18990] =	vst v11  }
0xf2: {  	[tilespmem:s26], [sflag:$0x2] =	stream.indirect_vreg.gather [hbm4b:s5+s3], $0x80, v14, vm0, $0xb8;
	[tilespmem:$0x18D00] =	vst v63  }
0xf3: {  	s10 =	simm.s32 $0x9100;
	v11 =	vperm.xlane v12, v10  }
0xf4: {  	[tilespmem:s10], [sflag:$0x2] =	stream.indirect_vreg.gather [hbm4b:s6+s3], $0x80, v14, vm0, $0xb8;
	[tilespmem:$0x18D00] =	vst v63  }
0xf5: {  	s11 =	simm.s32 $0x9900;
	v11 =	vadd.s32 v9, v11  }
0xf6: {  	[tilespmem:s11], [sflag:$0x2] =	stream.indirect_vreg.gather [hbm4b:s7+s3], $0x80, v14, vm0, $0xb8;
	[tilespmem:$0x18D00] =	vst v63  }
0xf7: {  	s30 =	simm.s32 $0xA100  }
0xf8: {  	[tilespmem:s30], [sflag:$0x2] =	stream.indirect_vreg.gather [hbm4b:s8+s3], $0x80, v14, vm0, $0xb8;
	[tilespmem:$0x18D00] =	vst v63  }
0xf9: {  	s10 =	simm.s32 $0xA900  }
0xfa: {  	[tilespmem:s10], [sflag:$0x2] =	stream.indirect_vreg.gather [hbm4b:s5+s3], $0x80, v11, vm0, $0xb8;
	[tilespmem:$0x18D00] =	vst v63  }
0xfb: {  	s11 =	simm.s32 $0xB100  }
0xfc: {  	[tilespmem:s11], [sflag:$0x2] =	stream.indirect_vreg.gather [hbm4b:s6+s3], $0x80, v11, vm0, $0xb8;
	[tilespmem:$0x18D00] =	vst v63  }
0xfd: {  	s30 =	simm.s32 $0xB900  }
0xfe: {  	[tilespmem:s30], [sflag:$0x2] =	stream.indirect_vreg.gather [hbm4b:s7+s3], $0x80, v11, vm0, $0xb8;
	[tilespmem:$0x18D00] =	vst v63  }
0xff: {  	s10 =	simm.s32 $0xC100  }
0x100: {  	[tilespmem:s10], [sflag:$0x2] =	stream.indirect_vreg.gather [hbm4b:s8+s3], $0x80, v11, vm0, $0xb8;
	[tilespmem:$0x18D00] =	vst v63  }
0x101: {  	v11 =	vld [tilespmem:$0x18990];
	_ =	sdelay $0x4  }
0x102: {  	v46 =	vshll.u32 v11, $0x3  }
0x103: {  	v11 =	vand.u32 $0x7, v11;
	v12 =	vand.u32 $0xFFFFFFC0, v46  }
0x104: {  	v11 =	vor.u32 v11, v12  }
0x105: {  	v12 =	vperm.xlane v11, v8;
	_ =	sdelay $0x1  }
0x106: {  	v12 =	vadd.s32 v9, v12;
	_ =	sdelay $0x3  }
0x107: {  	s11 =	simm.s32 $0xC900  }
0x108: {  	[tilespmem:s11], [sflag:$0x2] =	stream.indirect_vreg.gather [hbm4b:s5+s3], $0x80, v12, vm0, $0xb8;
	[tilespmem:$0x18D00] =	vst v63  }
0x109: {  	s30 =	simm.s32 $0xD100;
	v11 =	vperm.xlane v11, v10  }
0x10a: {  	[tilespmem:s30], [sflag:$0x2] =	stream.indirect_vreg.gather [hbm4b:s6+s3], $0x80, v12, vm0, $0xb8;
	[tilespmem:$0x18D00] =	vst v63  }
0x10b: {  	s10 =	simm.s32 $0xD900;
	v11 =	vadd.s32 v9, v11  }
0x10c: {  	[tilespmem:s10], [sflag:$0x2] =	stream.indirect_vreg.gather [hbm4b:s7+s3], $0x80, v12, vm0, $0xb8;
	[tilespmem:$0x18D00] =	vst v63  }
0x10d: {  	s11 =	simm.s32 $0xE100  }
0x10e: {  	[tilespmem:s11], [sflag:$0x2] =	stream.indirect_vreg.gather [hbm4b:s8+s3], $0x80, v12, vm0, $0xb8;
	[tilespmem:$0x18D00] =	vst v63  }
0x10f: {  	s30 =	simm.s32 $0xE900  }
0x110: {  	[tilespmem:s30], [sflag:$0x2] =	stream.indirect_vreg.gather [hbm4b:s5+s3], $0x80, v11, vm0, $0xb8;
	[tilespmem:$0x18D00] =	vst v63  }
0x111: {  	s10 =	simm.s32 $0xF100  }
0x112: {  	[tilespmem:s10], [sflag:$0x2] =	stream.indirect_vreg.gather [hbm4b:s6+s3], $0x80, v11, vm0, $0xb8;
	[tilespmem:$0x18D00] =	vst v63  }
0x113: {  	s11 =	simm.s32 $0xF900  }
0x114: {  	[tilespmem:s11], [sflag:$0x2] =	stream.indirect_vreg.gather [hbm4b:s7+s3], $0x80, v11, vm0, $0xb8;
	[tilespmem:$0x18D00] =	vst v63  }
0x115: {  	s30 =	simm.s32 $0x10100  }
0x116: {  	[tilespmem:s30], [sflag:$0x2] =	stream.indirect_vreg.gather [hbm4b:s8+s3], $0x80, v11, vm0, $0xb8;
	[tilespmem:$0x18D00] =	vst v63  }
0x117: {  	_ =	swait.ge [sflag:s24], $0x8000  }
0x118: {  	[sflag:s24] =	ssyncset.done $0x0  }
0x119: {  	s10 =	rddreg [dreg:$0xe];
	[sflag:s24] =	ssyncadd.s32 $0xFFFF8000  }
0x11a: {  	[hbm4b:s10+s3] =	stream.linear.scatter [tilespmem:s31], [sflag:$0x4], $0x8000, $0x38;
	[tilespmem:$0x18D00] =	vst v63  }
0x11b: {  	v11 =	vld [tilespmem:$0x840];
	_ =	sdelay $0x4  }
0x11c: {  	(v2sf) =	vpush v45, $0xF;
	vm1 =	vne.s32 v11, $0x1  }
0x11d: {  	v11 =	vsel vm1, $0x1, v7  }
0x11e: {  	(xrf0) =	vadd.scan.msk.s32 $0xffff, v11;
	_ =	sdelay $0x5  }
0x11f: {  	v11, _, _ =	vpop (xrf0)  }
0x120: {  	(v2sf) =	vpush v11, $0xF;
	_ =	sdelay $0x5  }
0x121: {  	s11 =	spop (v2sf)  }
0x122: {  	v47 =	vld [tilespmem:$0x850];
	s0 =	sadd.s32 s0, s11  }
0x123: {  	v48 =	vmov s0  }
0x124: {  	v13 =	vadd.s32 $0x1, v48  }
0x125: {  	v13 =	vbroadcast v13, $0x0;
	_ =	sdelay $0x1  }
0x126: {  	vm2 =	vne.s32 v47, $0x1;
	v11 =	vadd.s32 v11, v13  }
0x127: {  	v12 =	vsel vm2, $0x1, v7;
	v11 =	vnsel vm1, $0x1, v11  }
0x128: {  	(xrf0) =	vadd.scan.msk.s32 $0xffff, v12;
	v49 =	vshll.u32 v11, $0x3  }
0x129: {  	v50 =	vand.u32 $0x7, v11;
	v12 =	vand.u32 $0xFFFFFFC0, v49;
	s30 =	spop (v2sf)  }
0x12a: {  	v12 =	vor.u32 v50, v12;
	s0 =	sadd.s32 s0, s30  }
0x12b: {  	v52 =	vperm.xlane v12, v8;
	v51 =	vmov s0  }
0x12c: {  	v13 =	vadd.s32 $0x1, v51  }
0x12d: {  	v14 =	vadd.s32 v9, v52;
	v13 =	vbroadcast v13, $0x0  }
0x12e: {  	v53, _, _ =	vpop (xrf0)  }
0x12f: {  	v13 =	vadd.s32 v53, v13  }
0x130: {  	[tilespmem:$0x18A00] =	vst v11;
	v11 =	vnsel vm2, $0x1, v13  }
0x131: {  	[tilespmem:$0x18A10] =	vst v11  }
0x132: {  	[tilespmem:s4], [sflag:$0x3] =	stream.indirect_vreg.gather [hbm4b:s5+s3], $0x80, v14, vm0, $0xb8;
	[tilespmem:$0x18D00] =	vst v63  }
0x133: {  	s30 =	simm.s32 $0x11100;
	v11 =	vperm.xlane v12, v10  }
0x134: {  	[tilespmem:s30], [sflag:$0x3] =	stream.indirect_vreg.gather [hbm4b:s6+s3], $0x80, v14, vm0, $0xb8;
	[tilespmem:$0x18D00] =	vst v63  }
0x135: {  	v11 =	vadd.s32 v9, v11  }
0x136: {  	[tilespmem:s9], [sflag:$0x3] =	stream.indirect_vreg.gather [hbm4b:s7+s3], $0x80, v14, vm0, $0xb8;
	[tilespmem:$0x18D00] =	vst v63  }
0x137: {  	s10 =	simm.s32 $0x12100  }
0x138: {  	[tilespmem:s10], [sflag:$0x3] =	stream.indirect_vreg.gather [hbm4b:s8+s3], $0x80, v14, vm0, $0xb8;
	[tilespmem:$0x18D00] =	vst v63  }
0x139: {  	s11 =	simm.s32 $0x12900  }
0x13a: {  	[tilespmem:s11], [sflag:$0x3] =	stream.indirect_vreg.gather [hbm4b:s5+s3], $0x80, v11, vm0, $0xb8;
	[tilespmem:$0x18D00] =	vst v63  }
0x13b: {  	_ = 	snop  }
0x13c: {  	[tilespmem:s12], [sflag:$0x3] =	stream.indirect_vreg.gather [hbm4b:s6+s3], $0x80, v11, vm0, $0xb8;
	[tilespmem:$0x18D00] =	vst v63  }
0x13d: {  	_ = 	snop  }
0x13e: {  	[tilespmem:s13], [sflag:$0x3] =	stream.indirect_vreg.gather [hbm4b:s7+s3], $0x80, v11, vm0, $0xb8;
	[tilespmem:$0x18D00] =	vst v63  }
0x13f: {  	_ = 	snop  }
0x140: {  	[tilespmem:s14], [sflag:$0x3] =	stream.indirect_vreg.gather [hbm4b:s8+s3], $0x80, v11, vm0, $0xb8;
	[tilespmem:$0x18D00] =	vst v63  }
0x141: {  	v11 =	vld [tilespmem:$0x18A10];
	_ =	sdelay $0x4  }
0x142: {  	v54 =	vshll.u32 v11, $0x3  }
0x143: {  	v11 =	vand.u32 $0x7, v11;
	v12 =	vand.u32 $0xFFFFFFC0, v54  }
0x144: {  	v11 =	vor.u32 v11, v12  }
0x145: {  	v12 =	vperm.xlane v11, v8;
	_ =	sdelay $0x1  }
0x146: {  	v12 =	vadd.s32 v9, v12;
	_ =	sdelay $0x4  }
0x147: {  	[tilespmem:s15], [sflag:$0x3] =	stream.indirect_vreg.gather [hbm4b:s5+s3], $0x80, v12, vm0, $0xb8;
	[tilespmem:$0x18D00] =	vst v63  }
0x148: {  	v11 =	vperm.xlane v11, v10  }
0x149: {  	[tilespmem:s16], [sflag:$0x3] =	stream.indirect_vreg.gather [hbm4b:s6+s3], $0x80, v12, vm0, $0xb8;
	[tilespmem:$0x18D00] =	vst v63  }
0x14a: {  	v11 =	vadd.s32 v9, v11  }
0x14b: {  	[tilespmem:s17], [sflag:$0x3] =	stream.indirect_vreg.gather [hbm4b:s7+s3], $0x80, v12, vm0, $0xb8;
	[tilespmem:$0x18D00] =	vst v63  }
0x14c: {  	_ = 	snop  }
0x14d: {  	[tilespmem:s18], [sflag:$0x3] =	stream.indirect_vreg.gather [hbm4b:s8+s3], $0x80, v12, vm0, $0xb8;
	[tilespmem:$0x18D00] =	vst v63  }
0x14e: {  	_ = 	snop  }
0x14f: {  	[tilespmem:s19], [sflag:$0x3] =	stream.indirect_vreg.gather [hbm4b:s5+s3], $0x80, v11, vm0, $0xb8;
	[tilespmem:$0x18D00] =	vst v63  }
0x150: {  	_ = 	snop  }
0x151: {  	[tilespmem:s20], [sflag:$0x3] =	stream.indirect_vreg.gather [hbm4b:s6+s3], $0x80, v11, vm0, $0xb8;
	[tilespmem:$0x18D00] =	vst v63  }
0x152: {  	_ = 	snop  }
0x153: {  	[tilespmem:s21], [sflag:$0x3] =	stream.indirect_vreg.gather [hbm4b:s7+s3], $0x80, v11, vm0, $0xb8;
	[tilespmem:$0x18D00] =	vst v63  }
0x154: {  	_ = 	snop  }
0x155: {  	[tilespmem:s22], [sflag:$0x3] =	stream.indirect_vreg.gather [hbm4b:s8+s3], $0x80, v11, vm0, $0xb8;
	[tilespmem:$0x18D00] =	vst v63  }
0x156: {  	_ =	swait.ge [sflag:s25], $0x8000  }
0x157: {  	[sflag:s25] =	ssyncset.done $0x0  }
0x158: {  	s1 =	rddreg [dreg:$0x6];
	[sflag:s25] =	ssyncadd.s32 $0xFFFF8000  }
0x159: {  	[hbm4b:s1+s3] =	stream.linear.scatter [tilespmem:s26], [sflag:$0x5], $0x8000, $0x38;
	[tilespmem:$0x18D00] =	vst v63  }
0x15a: {  	v11 =	vld [tilespmem:$0x860];
	_ =	sdelay $0x4  }
0x15b: {  	vm1 =	vne.s32 v11, $0x1  }
0x15c: {  	v11 =	vsel vm1, $0x1, v7  }
0x15d: {  	(xrf0) =	vadd.scan.msk.s32 $0xffff, v11  }
0x15e: {  	(v2sf) =	vpush v53, $0xF;
	_ =	sdelay $0x4  }
0x15f: {  	v11, _, _ =	vpop (xrf0)  }
0x160: {  	(v2sf) =	vpush v11, $0xF;
	_ =	sdelay $0x6  }
0x161: {  	v55 =	vld [tilespmem:$0x870];
	_ =	sdelay $0x1  }
0x162: {  	s1 =	spop (v2sf)  }
0x163: {  	s0 =	sadd.s32 s0, s1  }
0x164: {  	v56 =	vmov s0  }
0x165: {  	vm2 =	vne.s32 v55, $0x1;
	v13 =	vadd.s32 $0x1, v56  }
0x166: {  	v58 =	vsel vm2, $0x1, v7;
	v57 =	vbroadcast v13, $0x0  }
0x167: {  	(xrf0) =	vadd.scan.msk.s32 $0xffff, v58  }
0x168: {  	v11 =	vadd.s32 v11, v57;
	s1 =	spop (v2sf)  }
0x169: {  	v11 =	vnsel vm1, $0x1, v11;
	s0 =	sadd.s32 s0, s1  }
0x16a: {  	v60 =	vshll.u32 v11, $0x3;
	v59 =	vmov s0  }
0x16b: {  	v61 =	vand.u32 $0x7, v11;
	v13 =	vand.u32 $0xFFFFFFC0, v60;
	v12 =	vadd.s32 $0x1, v59  }
0x16c: {  	v13 =	vor.u32 v61, v13;
	v12 =	vbroadcast v12, $0x0  }
0x16d: {  	v62, _, _ =	vpop (xrf0);
	v63 =	vperm.xlane v13, v8  }
0x16e: {  	v12 =	vadd.s32 v62, v12  }
0x16f: {  	[tilespmem:$0x18A80] =	vst v11;
	v18 =	vadd.s32 v9, v63;
	v11 =	vnsel vm2, $0x1, v12  }
0x170: {  	[tilespmem:$0x18A90] =	vst v11  }
0x171: {  	_ =	swait.ge [sflag:s23], $0x8000  }
0x172: {  	[sflag:s23] =	ssyncset.done $0x0  }
0x173: {  	[sflag:s23] =	ssyncadd.s32 $0xFFFF8000  }
0x174: {  	[tilespmem:s31], [sflag:$0x1] =	stream.indirect_vreg.gather [hbm4b:s5+s3], $0x80, v18, vm0, $0xb8;
	[tilespmem:$0x18D00] =	vst v63  }
0x175: {  	s2 =	simm.s32 $0x1100;
	v11 =	vperm.xlane v13, v10  }
0x176: {  	[tilespmem:s2], [sflag:$0x1] =	stream.indirect_vreg.gather [hbm4b:s6+s3], $0x80, v18, vm0, $0xb8;
	[tilespmem:$0x18D00] =	vst v63  }
0x177: {  	v11 =	vadd.s32 v9, v11;
	s2 =	simm.s32 $0x1900  }
0x178: {  	[tilespmem:s2], [sflag:$0x1] =	stream.indirect_vreg.gather [hbm4b:s7+s3], $0x80, v18, vm0, $0xb8;
	[tilespmem:$0x18D00] =	vst v63  }
0x179: {  	s2 =	simm.s32 $0x2100  }
0x17a: {  	[tilespmem:s2], [sflag:$0x1] =	stream.indirect_vreg.gather [hbm4b:s8+s3], $0x80, v18, vm0, $0xb8;
	[tilespmem:$0x18D00] =	vst v63  }
0x17b: {  	s2 =	simm.s32 $0x2900  }
0x17c: {  	[tilespmem:s2], [sflag:$0x1] =	stream.indirect_vreg.gather [hbm4b:s5+s3], $0x80, v11, vm0, $0xb8;
	[tilespmem:$0x18D00] =	vst v63  }
0x17d: {  	s2 =	simm.s32 $0x3100  }
0x17e: {  	[tilespmem:s2], [sflag:$0x1] =	stream.indirect_vreg.gather [hbm4b:s6+s3], $0x80, v11, vm0, $0xb8;
	[tilespmem:$0x18D00] =	vst v63  }
0x17f: {  	s2 =	simm.s32 $0x3900  }
0x180: {  	[tilespmem:s2], [sflag:$0x1] =	stream.indirect_vreg.gather [hbm4b:s7+s3], $0x80, v11, vm0, $0xb8;
	[tilespmem:$0x18D00] =	vst v63  }
0x181: {  	s28 =	simm.s32 $0x4100  }
0x182: {  	[tilespmem:s28], [sflag:$0x1] =	stream.indirect_vreg.gather [hbm4b:s8+s3], $0x80, v11, vm0, $0xb8;
	[tilespmem:$0x18D00] =	vst v63  }
0x183: {  	v11 =	vld [tilespmem:$0x18A90];
	_ =	sdelay $0x4  }
0x184: {  	v19 =	vshll.u32 v11, $0x3  }
0x185: {  	v11 =	vand.u32 $0x7, v11;
	v12 =	vand.u32 $0xFFFFFFC0, v19  }
0x186: {  	v11 =	vor.u32 v11, v12  }
0x187: {  	v12 =	vperm.xlane v11, v8;
	_ =	sdelay $0x1  }
0x188: {  	v12 =	vadd.s32 v9, v12;
	_ =	sdelay $0x3  }
0x189: {  	s29 =	simm.s32 $0x4900  }
0x18a: {  	[tilespmem:s29], [sflag:$0x1] =	stream.indirect_vreg.gather [hbm4b:s5+s3], $0x80, v12, vm0, $0xb8;
	[tilespmem:$0x18D00] =	vst v63  }
0x18b: {  	s28 =	simm.s32 $0x5100;
	v11 =	vperm.xlane v11, v10  }
0x18c: {  	[tilespmem:s28], [sflag:$0x1] =	stream.indirect_vreg.gather [hbm4b:s6+s3], $0x80, v12, vm0, $0xb8;
	[tilespmem:$0x18D00] =	vst v63  }
0x18d: {  	v11 =	vadd.s32 v9, v11;
	s29 =	simm.s32 $0x5900  }
0x18e: {  	[tilespmem:s29], [sflag:$0x1] =	stream.indirect_vreg.gather [hbm4b:s7+s3], $0x80, v12, vm0, $0xb8;
	[tilespmem:$0x18D00] =	vst v63  }
0x18f: {  	s2 =	simm.s32 $0x6100  }
0x190: {  	[tilespmem:s2], [sflag:$0x1] =	stream.indirect_vreg.gather [hbm4b:s8+s3], $0x80, v12, vm0, $0xb8;
	[tilespmem:$0x18D00] =	vst v63  }
0x191: {  	s28 =	simm.s32 $0x6900  }
0x192: {  	[tilespmem:s28], [sflag:$0x1] =	stream.indirect_vreg.gather [hbm4b:s5+s3], $0x80, v11, vm0, $0xb8;
	[tilespmem:$0x18D00] =	vst v63  }
0x193: {  	s29 =	simm.s32 $0x7100  }
0x194: {  	[tilespmem:s29], [sflag:$0x1] =	stream.indirect_vreg.gather [hbm4b:s6+s3], $0x80, v11, vm0, $0xb8;
	[tilespmem:$0x18D00] =	vst v63  }
0x195: {  	s2 =	simm.s32 $0x7900  }
0x196: {  	[tilespmem:s2], [sflag:$0x1] =	stream.indirect_vreg.gather [hbm4b:s7+s3], $0x80, v11, vm0, $0xb8;
	[tilespmem:$0x18D00] =	vst v63  }
0x197: {  	s28 =	simm.s32 $0x8100  }
0x198: {  	[tilespmem:s28], [sflag:$0x1] =	stream.indirect_vreg.gather [hbm4b:s8+s3], $0x80, v11, vm0, $0xb8;
	[tilespmem:$0x18D00] =	vst v63  }
0x199: {  	s28 =	simm.s32 $0x3  }
0x19a: {  	_ =	swait.ge [sflag:s28], $0x8000  }
0x19b: {  	[sflag:s28] =	ssyncset.done $0x0  }
0x19c: {  	s29 =	rddreg [dreg:$0x7];
	[sflag:s28] =	ssyncadd.s32 $0xFFFF8000  }
0x19d: {  	[hbm4b:s29+s3] =	stream.linear.scatter [tilespmem:s4], [sflag:$0x6], $0x8000, $0x38;
	[tilespmem:$0x18D00] =	vst v63  }
0x19e: {  	v11 =	vld [tilespmem:$0x880];
	_ =	sdelay $0x4  }
0x19f: {  	vm1 =	vne.s32 v11, $0x1  }
0x1a0: {  	v11 =	vsel vm1, $0x1, v7  }
0x1a1: {  	(xrf0) =	vadd.scan.msk.s32 $0xffff, v11  }
0x1a2: {  	(v2sf) =	vpush v62, $0xF;
	_ =	sdelay $0x4  }
0x1a3: {  	v11, _, _ =	vpop (xrf0)  }
0x1a4: {  	(v2sf) =	vpush v11, $0xF;
	_ =	sdelay $0x6  }
0x1a5: {  	v20 =	vld [tilespmem:$0x890];
	_ =	sdelay $0x1  }
0x1a6: {  	s2 =	spop (v2sf)  }
0x1a7: {  	s0 =	sadd.s32 s0, s2  }
0x1a8: {  	v21 =	vmov s0  }
0x1a9: {  	vm2 =	vne.s32 v20, $0x1;
	v13 =	vadd.s32 $0x1, v21  }
0x1aa: {  	v23 =	vsel vm2, $0x1, v7;
	v22 =	vbroadcast v13, $0x0  }
0x1ab: {  	(xrf0) =	vadd.scan.msk.s32 $0xffff, v23  }
0x1ac: {  	v11 =	vadd.s32 v11, v22;
	s29 =	spop (v2sf)  }
0x1ad: {  	v11 =	vnsel vm1, $0x1, v11;
	s0 =	sadd.s32 s0, s29  }
0x1ae: {  	v25 =	vshll.u32 v11, $0x3;
	v24 =	vmov s0  }
0x1af: {  	v26 =	vand.u32 $0x7, v11;
	v13 =	vand.u32 $0xFFFFFFC0, v25;
	v12 =	vadd.s32 $0x1, v24  }
0x1b0: {  	v13 =	vor.u32 v26, v13;
	v12 =	vbroadcast v12, $0x0  }
0x1b1: {  	v27, _, _ =	vpop (xrf0);
	v28 =	vperm.xlane v13, v8  }
0x1b2: {  	v12 =	vadd.s32 v27, v12  }
0x1b3: {  	[tilespmem:$0x18B00] =	vst v11;
	v29 =	vadd.s32 v9, v28;
	v11 =	vnsel vm2, $0x1, v12  }
0x1b4: {  	s29 =	simm.s32 $0x5;
	[tilespmem:$0x18B10] =	vst v11  }
0x1b5: {  	_ =	swait.ge [sflag:s29], $0x8000  }
0x1b6: {  	[sflag:s29] =	ssyncset.done $0x0  }
0x1b7: {  	[sflag:s29] =	ssyncadd.s32 $0xFFFF8000  }
0x1b8: {  	[tilespmem:s26], [sflag:$0x2] =	stream.indirect_vreg.gather [hbm4b:s5+s3], $0x80, v29, vm0, $0xb8;
	[tilespmem:$0x18D00] =	vst v63  }
0x1b9: {  	s2 =	simm.s32 $0x9100;
	v11 =	vperm.xlane v13, v10  }
0x1ba: {  	[tilespmem:s2], [sflag:$0x2] =	stream.indirect_vreg.gather [hbm4b:s6+s3], $0x80, v29, vm0, $0xb8;
	[tilespmem:$0x18D00] =	vst v63  }
0x1bb: {  	v11 =	vadd.s32 v9, v11;
	s2 =	simm.s32 $0x9900  }
0x1bc: {  	[tilespmem:s2], [sflag:$0x2] =	stream.indirect_vreg.gather [hbm4b:s7+s3], $0x80, v29, vm0, $0xb8;
	[tilespmem:$0x18D00] =	vst v63  }
0x1bd: {  	s2 =	simm.s32 $0xA100  }
0x1be: {  	[tilespmem:s2], [sflag:$0x2] =	stream.indirect_vreg.gather [hbm4b:s8+s3], $0x80, v29, vm0, $0xb8;
	[tilespmem:$0x18D00] =	vst v63  }
0x1bf: {  	s2 =	simm.s32 $0xA900  }
0x1c0: {  	[tilespmem:s2], [sflag:$0x2] =	stream.indirect_vreg.gather [hbm4b:s5+s3], $0x80, v11, vm0, $0xb8;
	[tilespmem:$0x18D00] =	vst v63  }
0x1c1: {  	s2 =	simm.s32 $0xB100  }
0x1c2: {  	[tilespmem:s2], [sflag:$0x2] =	stream.indirect_vreg.gather [hbm4b:s6+s3], $0x80, v11, vm0, $0xb8;
	[tilespmem:$0x18D00] =	vst v63  }
0x1c3: {  	s2 =	simm.s32 $0xB900  }
0x1c4: {  	[tilespmem:s2], [sflag:$0x2] =	stream.indirect_vreg.gather [hbm4b:s7+s3], $0x80, v11, vm0, $0xb8;
	[tilespmem:$0x18D00] =	vst v63  }
0x1c5: {  	s2 =	simm.s32 $0xC100  }
0x1c6: {  	[tilespmem:s2], [sflag:$0x2] =	stream.indirect_vreg.gather [hbm4b:s8+s3], $0x80, v11, vm0, $0xb8;
	[tilespmem:$0x18D00] =	vst v63  }
0x1c7: {  	v11 =	vld [tilespmem:$0x18B10];
	_ =	sdelay $0x4  }
0x1c8: {  	v30 =	vshll.u32 v11, $0x3  }
0x1c9: {  	v11 =	vand.u32 $0x7, v11;
	v12 =	vand.u32 $0xFFFFFFC0, v30  }
0x1ca: {  	v11 =	vor.u32 v11, v12  }
0x1cb: {  	v12 =	vperm.xlane v11, v8;
	_ =	sdelay $0x1  }
0x1cc: {  	v12 =	vadd.s32 v9, v12;
	_ =	sdelay $0x3  }
0x1cd: {  	s2 =	simm.s32 $0xC900  }
0x1ce: {  	[tilespmem:s2], [sflag:$0x2] =	stream.indirect_vreg.gather [hbm4b:s5+s3], $0x80, v12, vm0, $0xb8;
	[tilespmem:$0x18D00] =	vst v63  }
0x1cf: {  	v11 =	vperm.xlane v11, v10;
	s2 =	simm.s32 $0xD100  }
0x1d0: {  	[tilespmem:s2], [sflag:$0x2] =	stream.indirect_vreg.gather [hbm4b:s6+s3], $0x80, v12, vm0, $0xb8;
	[tilespmem:$0x18D00] =	vst v63  }
0x1d1: {  	v11 =	vadd.s32 v9, v11;
	s2 =	simm.s32 $0xD900  }
0x1d2: {  	[tilespmem:s2], [sflag:$0x2] =	stream.indirect_vreg.gather [hbm4b:s7+s3], $0x80, v12, vm0, $0xb8;
	[tilespmem:$0x18D00] =	vst v63  }
0x1d3: {  	s2 =	simm.s32 $0xE100  }
0x1d4: {  	[tilespmem:s2], [sflag:$0x2] =	stream.indirect_vreg.gather [hbm4b:s8+s3], $0x80, v12, vm0, $0xb8;
	[tilespmem:$0x18D00] =	vst v63  }
0x1d5: {  	s2 =	simm.s32 $0xE900  }
0x1d6: {  	[tilespmem:s2], [sflag:$0x2] =	stream.indirect_vreg.gather [hbm4b:s5+s3], $0x80, v11, vm0, $0xb8;
	[tilespmem:$0x18D00] =	vst v63  }
0x1d7: {  	s2 =	simm.s32 $0xF100  }
0x1d8: {  	[tilespmem:s2], [sflag:$0x2] =	stream.indirect_vreg.gather [hbm4b:s6+s3], $0x80, v11, vm0, $0xb8;
	[tilespmem:$0x18D00] =	vst v63  }
0x1d9: {  	s2 =	simm.s32 $0xF900  }
0x1da: {  	[tilespmem:s2], [sflag:$0x2] =	stream.indirect_vreg.gather [hbm4b:s7+s3], $0x80, v11, vm0, $0xb8;
	[tilespmem:$0x18D00] =	vst v63  }
0x1db: {  	s2 =	simm.s32 $0x10100  }
0x1dc: {  	[tilespmem:s2], [sflag:$0x2] =	stream.indirect_vreg.gather [hbm4b:s8+s3], $0x80, v11, vm0, $0xb8;
	[tilespmem:$0x18D00] =	vst v63  }
0x1dd: {  	_ =	swait.ge [sflag:s24], $0x8000  }
0x1de: {  	[sflag:s24] =	ssyncset.done $0x0  }
0x1df: {  	s2 =	rddreg [dreg:$0x8];
	[sflag:s24] =	ssyncadd.s32 $0xFFFF8000  }
0x1e0: {  	[hbm4b:s2+s3] =	stream.linear.scatter [tilespmem:s31], [sflag:$0x4], $0x8000, $0x38;
	[tilespmem:$0x18D00] =	vst v63  }
0x1e1: {  	v11 =	vld [tilespmem:$0x8A0];
	_ =	sdelay $0x4  }
0x1e2: {  	vm1 =	vne.s32 v11, $0x1  }
0x1e3: {  	v11 =	vsel vm1, $0x1, v7  }
0x1e4: {  	(xrf0) =	vadd.scan.msk.s32 $0xffff, v11  }
0x1e5: {  	(v2sf) =	vpush v27, $0xF;
	_ =	sdelay $0x4  }
0x1e6: {  	v11, _, _ =	vpop (xrf0)  }
0x1e7: {  	(v2sf) =	vpush v11, $0xF;
	_ =	sdelay $0x6  }
0x1e8: {  	v31 =	vld [tilespmem:$0x8B0];
	_ =	sdelay $0x1  }
0x1e9: {  	s2 =	spop (v2sf)  }
0x1ea: {  	s0 =	sadd.s32 s0, s2  }
0x1eb: {  	v32 =	vmov s0  }
0x1ec: {  	vm2 =	vne.s32 v31, $0x1;
	v13 =	vadd.s32 $0x1, v32  }
0x1ed: {  	v34 =	vsel vm2, $0x1, v7;
	v33 =	vbroadcast v13, $0x0  }
0x1ee: {  	(xrf0) =	vadd.scan.msk.s32 $0xffff, v34  }
0x1ef: {  	v11 =	vadd.s32 v11, v33;
	s2 =	spop (v2sf)  }
0x1f0: {  	v11 =	vnsel vm1, $0x1, v11;
	s0 =	sadd.s32 s0, s2  }
0x1f1: {  	v36 =	vshll.u32 v11, $0x3;
	v35 =	vmov s0  }
0x1f2: {  	v37 =	vand.u32 $0x7, v11;
	v13 =	vand.u32 $0xFFFFFFC0, v36;
	v12 =	vadd.s32 $0x1, v35  }
0x1f3: {  	v13 =	vor.u32 v37, v13;
	v12 =	vbroadcast v12, $0x0  }
0x1f4: {  	v38, _, _ =	vpop (xrf0);
	v39 =	vperm.xlane v13, v8  }
0x1f5: {  	v12 =	vadd.s32 v38, v12  }
0x1f6: {  	[tilespmem:$0x18B80] =	vst v11;
	v40 =	vadd.s32 v9, v39;
	v11 =	vnsel vm2, $0x1, v12  }
0x1f7: {  	s2 =	simm.s32 $0x6;
	[tilespmem:$0x18B90] =	vst v11  }
0x1f8: {  	_ =	swait.ge [sflag:s2], $0x8000  }
0x1f9: {  	[sflag:s2] =	ssyncset.done $0x0  }
0x1fa: {  	[sflag:s2] =	ssyncadd.s32 $0xFFFF8000  }
0x1fb: {  	[tilespmem:s4], [sflag:$0x3] =	stream.indirect_vreg.gather [hbm4b:s5+s3], $0x80, v40, vm0, $0xb8;
	[tilespmem:$0x18D00] =	vst v63  }
0x1fc: {  	v11 =	vperm.xlane v13, v10  }
0x1fd: {  	[tilespmem:s30], [sflag:$0x3] =	stream.indirect_vreg.gather [hbm4b:s6+s3], $0x80, v40, vm0, $0xb8;
	[tilespmem:$0x18D00] =	vst v63  }
0x1fe: {  	v11 =	vadd.s32 v9, v11  }
0x1ff: {  	[tilespmem:s9], [sflag:$0x3] =	stream.indirect_vreg.gather [hbm4b:s7+s3], $0x80, v40, vm0, $0xb8;
	[tilespmem:$0x18D00] =	vst v63  }
0x200: {  	_ = 	snop  }
0x201: {  	[tilespmem:s10], [sflag:$0x3] =	stream.indirect_vreg.gather [hbm4b:s8+s3], $0x80, v40, vm0, $0xb8;
	[tilespmem:$0x18D00] =	vst v63  }
0x202: {  	_ = 	snop  }
0x203: {  	[tilespmem:s11], [sflag:$0x3] =	stream.indirect_vreg.gather [hbm4b:s5+s3], $0x80, v11, vm0, $0xb8;
	[tilespmem:$0x18D00] =	vst v63  }
0x204: {  	_ = 	snop  }
0x205: {  	[tilespmem:s12], [sflag:$0x3] =	stream.indirect_vreg.gather [hbm4b:s6+s3], $0x80, v11, vm0, $0xb8;
	[tilespmem:$0x18D00] =	vst v63  }
0x206: {  	_ = 	snop  }
0x207: {  	[tilespmem:s13], [sflag:$0x3] =	stream.indirect_vreg.gather [hbm4b:s7+s3], $0x80, v11, vm0, $0xb8;
	[tilespmem:$0x18D00] =	vst v63  }
0x208: {  	_ = 	snop  }
0x209: {  	[tilespmem:s14], [sflag:$0x3] =	stream.indirect_vreg.gather [hbm4b:s8+s3], $0x80, v11, vm0, $0xb8;
	[tilespmem:$0x18D00] =	vst v63  }
0x20a: {  	v11 =	vld [tilespmem:$0x18B90];
	_ =	sdelay $0x4  }
0x20b: {  	v41 =	vshll.u32 v11, $0x3  }
0x20c: {  	v11 =	vand.u32 $0x7, v11;
	v12 =	vand.u32 $0xFFFFFFC0, v41  }
0x20d: {  	v11 =	vor.u32 v11, v12  }
0x20e: {  	v12 =	vperm.xlane v11, v8;
	_ =	sdelay $0x1  }
0x20f: {  	v12 =	vadd.s32 v9, v12;
	_ =	sdelay $0x4  }
0x210: {  	[tilespmem:s15], [sflag:$0x3] =	stream.indirect_vreg.gather [hbm4b:s5+s3], $0x80, v12, vm0, $0xb8;
	[tilespmem:$0x18D00] =	vst v63  }
0x211: {  	v11 =	vperm.xlane v11, v10  }
0x212: {  	[tilespmem:s16], [sflag:$0x3] =	stream.indirect_vreg.gather [hbm4b:s6+s3], $0x80, v12, vm0, $0xb8;
	[tilespmem:$0x18D00] =	vst v63  }
0x213: {  	v11 =	vadd.s32 v9, v11  }
0x214: {  	[tilespmem:s17], [sflag:$0x3] =	stream.indirect_vreg.gather [hbm4b:s7+s3], $0x80, v12, vm0, $0xb8;
	[tilespmem:$0x18D00] =	vst v63  }
0x215: {  	_ = 	snop  }
0x216: {  	[tilespmem:s18], [sflag:$0x3] =	stream.indirect_vreg.gather [hbm4b:s8+s3], $0x80, v12, vm0, $0xb8;
	[tilespmem:$0x18D00] =	vst v63  }
0x217: {  	_ = 	snop  }
0x218: {  	[tilespmem:s19], [sflag:$0x3] =	stream.indirect_vreg.gather [hbm4b:s5+s3], $0x80, v11, vm0, $0xb8;
	[tilespmem:$0x18D00] =	vst v63  }
0x219: {  	_ = 	snop  }
0x21a: {  	[tilespmem:s20], [sflag:$0x3] =	stream.indirect_vreg.gather [hbm4b:s6+s3], $0x80, v11, vm0, $0xb8;
	[tilespmem:$0x18D00] =	vst v63  }
0x21b: {  	_ = 	snop  }
0x21c: {  	[tilespmem:s21], [sflag:$0x3] =	stream.indirect_vreg.gather [hbm4b:s7+s3], $0x80, v11, vm0, $0xb8;
	[tilespmem:$0x18D00] =	vst v63  }
0x21d: {  	_ = 	snop  }
0x21e: {  	[tilespmem:s22], [sflag:$0x3] =	stream.indirect_vreg.gather [hbm4b:s8+s3], $0x80, v11, vm0, $0xb8;
	[tilespmem:$0x18D00] =	vst v63  }
0x21f: {  	_ =	swait.ge [sflag:s25], $0x8000  }
0x220: {  	[sflag:s25] =	ssyncset.done $0x0  }
0x221: {  	s10 =	rddreg [dreg:$0x9];
	[sflag:s25] =	ssyncadd.s32 $0xFFFF8000  }
0x222: {  	[hbm4b:s10+s3] =	stream.linear.scatter [tilespmem:s26], [sflag:$0x5], $0x8000, $0x38;
	[tilespmem:$0x18D00] =	vst v63  }
0x223: {  	v11 =	vld [tilespmem:$0x8C0];
	_ =	sdelay $0x4  }
0x224: {  	vm1 =	vne.s32 v11, $0x1  }
0x225: {  	v11 =	vsel vm1, $0x1, v7  }
0x226: {  	(xrf0) =	vadd.scan.msk.s32 $0xffff, v11  }
0x227: {  	(v2sf) =	vpush v38, $0xF;
	_ =	sdelay $0x4  }
0x228: {  	v11, _, _ =	vpop (xrf0)  }
0x229: {  	(v2sf) =	vpush v11, $0xF;
	_ =	sdelay $0x6  }
0x22a: {  	v42 =	vld [tilespmem:$0x8D0];
	_ =	sdelay $0x1  }
0x22b: {  	s11 =	spop (v2sf)  }
0x22c: {  	s0 =	sadd.s32 s0, s11  }
0x22d: {  	v43 =	vmov s0  }
0x22e: {  	vm2 =	vne.s32 v42, $0x1;
	v13 =	vadd.s32 $0x1, v43  }
0x22f: {  	v45 =	vsel vm2, $0x1, v7;
	v44 =	vbroadcast v13, $0x0  }
0x230: {  	(xrf0) =	vadd.scan.msk.s32 $0xffff, v45  }
0x231: {  	v11 =	vadd.s32 v11, v44;
	s30 =	spop (v2sf)  }
0x232: {  	v11 =	vnsel vm1, $0x1, v11;
	s0 =	sadd.s32 s0, s30  }
0x233: {  	v47 =	vshll.u32 v11, $0x3;
	v46 =	vmov s0  }
0x234: {  	v48 =	vand.u32 $0x7, v11;
	v13 =	vand.u32 $0xFFFFFFC0, v47;
	v12 =	vadd.s32 $0x1, v46  }
0x235: {  	v13 =	vor.u32 v48, v13;
	v12 =	vbroadcast v12, $0x0  }
0x236: {  	v49, _, _ =	vpop (xrf0);
	v50 =	vperm.xlane v13, v8  }
0x237: {  	v12 =	vadd.s32 v49, v12  }
0x238: {  	[tilespmem:$0x18C00] =	vst v11;
	v51 =	vadd.s32 v9, v50;
	v11 =	vnsel vm2, $0x1, v12  }
0x239: {  	[tilespmem:$0x18C10] =	vst v11  }
0x23a: {  	_ =	swait.ge [sflag:s23], $0x8000  }
0x23b: {  	[sflag:s23] =	ssyncset.done $0x0  }
0x23c: {  	[sflag:s23] =	ssyncadd.s32 $0xFFFF8000  }
0x23d: {  	[tilespmem:s31], [sflag:$0x1] =	stream.indirect_vreg.gather [hbm4b:s5+s3], $0x80, v51, vm0, $0xb8;
	[tilespmem:$0x18D00] =	vst v63  }
0x23e: {  	s10 =	simm.s32 $0x1100;
	v11 =	vperm.xlane v13, v10  }
0x23f: {  	[tilespmem:s10], [sflag:$0x1] =	stream.indirect_vreg.gather [hbm4b:s6+s3], $0x80, v51, vm0, $0xb8;
	[tilespmem:$0x18D00] =	vst v63  }
0x240: {  	s11 =	simm.s32 $0x1900;
	v11 =	vadd.s32 v9, v11  }
0x241: {  	[tilespmem:s11], [sflag:$0x1] =	stream.indirect_vreg.gather [hbm4b:s7+s3], $0x80, v51, vm0, $0xb8;
	[tilespmem:$0x18D00] =	vst v63  }
0x242: {  	s30 =	simm.s32 $0x2100  }
0x243: {  	[tilespmem:s30], [sflag:$0x1] =	stream.indirect_vreg.gather [hbm4b:s8+s3], $0x80, v51, vm0, $0xb8;
	[tilespmem:$0x18D00] =	vst v63  }
0x244: {  	s10 =	simm.s32 $0x2900  }
0x245: {  	[tilespmem:s10], [sflag:$0x1] =	stream.indirect_vreg.gather [hbm4b:s5+s3], $0x80, v11, vm0, $0xb8;
	[tilespmem:$0x18D00] =	vst v63  }
0x246: {  	s11 =	simm.s32 $0x3100  }
0x247: {  	[tilespmem:s11], [sflag:$0x1] =	stream.indirect_vreg.gather [hbm4b:s6+s3], $0x80, v11, vm0, $0xb8;
	[tilespmem:$0x18D00] =	vst v63  }
0x248: {  	s30 =	simm.s32 $0x3900  }
0x249: {  	[tilespmem:s30], [sflag:$0x1] =	stream.indirect_vreg.gather [hbm4b:s7+s3], $0x80, v11, vm0, $0xb8;
	[tilespmem:$0x18D00] =	vst v63  }
0x24a: {  	s10 =	simm.s32 $0x4100  }
0x24b: {  	[tilespmem:s10], [sflag:$0x1] =	stream.indirect_vreg.gather [hbm4b:s8+s3], $0x80, v11, vm0, $0xb8;
	[tilespmem:$0x18D00] =	vst v63  }
0x24c: {  	v11 =	vld [tilespmem:$0x18C10];
	_ =	sdelay $0x4  }
0x24d: {  	v52 =	vshll.u32 v11, $0x3  }
0x24e: {  	v11 =	vand.u32 $0x7, v11;
	v12 =	vand.u32 $0xFFFFFFC0, v52  }
0x24f: {  	v11 =	vor.u32 v11, v12  }
0x250: {  	v12 =	vperm.xlane v11, v8;
	_ =	sdelay $0x1  }
0x251: {  	v12 =	vadd.s32 v9, v12;
	_ =	sdelay $0x3  }
0x252: {  	s11 =	simm.s32 $0x4900  }
0x253: {  	[tilespmem:s11], [sflag:$0x1] =	stream.indirect_vreg.gather [hbm4b:s5+s3], $0x80, v12, vm0, $0xb8;
	[tilespmem:$0x18D00] =	vst v63  }
0x254: {  	s30 =	simm.s32 $0x5100;
	v11 =	vperm.xlane v11, v10  }
0x255: {  	[tilespmem:s30], [sflag:$0x1] =	stream.indirect_vreg.gather [hbm4b:s6+s3], $0x80, v12, vm0, $0xb8;
	[tilespmem:$0x18D00] =	vst v63  }
0x256: {  	s10 =	simm.s32 $0x5900;
	v11 =	vadd.s32 v9, v11  }
0x257: {  	[tilespmem:s10], [sflag:$0x1] =	stream.indirect_vreg.gather [hbm4b:s7+s3], $0x80, v12, vm0, $0xb8;
	[tilespmem:$0x18D00] =	vst v63  }
0x258: {  	s11 =	simm.s32 $0x6100  }
0x259: {  	[tilespmem:s11], [sflag:$0x1] =	stream.indirect_vreg.gather [hbm4b:s8+s3], $0x80, v12, vm0, $0xb8;
	[tilespmem:$0x18D00] =	vst v63  }
0x25a: {  	s30 =	simm.s32 $0x6900  }
0x25b: {  	[tilespmem:s30], [sflag:$0x1] =	stream.indirect_vreg.gather [hbm4b:s5+s3], $0x80, v11, vm0, $0xb8;
	[tilespmem:$0x18D00] =	vst v63  }
0x25c: {  	s10 =	simm.s32 $0x7100  }
0x25d: {  	[tilespmem:s10], [sflag:$0x1] =	stream.indirect_vreg.gather [hbm4b:s6+s3], $0x80, v11, vm0, $0xb8;
	[tilespmem:$0x18D00] =	vst v63  }
0x25e: {  	s11 =	simm.s32 $0x7900  }
0x25f: {  	[tilespmem:s11], [sflag:$0x1] =	stream.indirect_vreg.gather [hbm4b:s7+s3], $0x80, v11, vm0, $0xb8;
	[tilespmem:$0x18D00] =	vst v63  }
0x260: {  	s30 =	simm.s32 $0x8100  }
0x261: {  	[tilespmem:s30], [sflag:$0x1] =	stream.indirect_vreg.gather [hbm4b:s8+s3], $0x80, v11, vm0, $0xb8;
	[tilespmem:$0x18D00] =	vst v63  }
0x262: {  	_ =	swait.ge [sflag:s28], $0x8000  }
0x263: {  	[sflag:s28] =	ssyncset.done $0x0  }
0x264: {  	s10 =	rddreg [dreg:$0xa];
	[sflag:s28] =	ssyncadd.s32 $0xFFFF8000  }
0x265: {  	[hbm4b:s10+s3] =	stream.linear.scatter [tilespmem:s4], [sflag:$0x6], $0x8000, $0x38;
	[tilespmem:$0x18D00] =	vst v63  }
0x266: {  	v11 =	vld [tilespmem:$0x8E0];
	_ =	sdelay $0x4  }
0x267: {  	vm1 =	vne.s32 v11, $0x1  }
0x268: {  	v11 =	vsel vm1, $0x1, v7  }
0x269: {  	(xrf0) =	vadd.scan.msk.s32 $0xffff, v11  }
0x26a: {  	(v2sf) =	vpush v49, $0xF;
	_ =	sdelay $0x4  }
0x26b: {  	v11, _, _ =	vpop (xrf0)  }
0x26c: {  	(v2sf) =	vpush v11, $0xF;
	_ =	sdelay $0x6  }
0x26d: {  	v53 =	vld [tilespmem:$0x8F0];
	_ =	sdelay $0x1  }
0x26e: {  	s11 =	spop (v2sf)  }
0x26f: {  	s0 =	sadd.s32 s0, s11  }
0x270: {  	v54 =	vmov s0  }
0x271: {  	vm2 =	vne.s32 v53, $0x1;
	v13 =	vadd.s32 $0x1, v54  }
0x272: {  	v56 =	vsel vm2, $0x1, v7;
	v55 =	vbroadcast v13, $0x0  }
0x273: {  	(xrf0) =	vadd.scan.msk.s32 $0xffff, v56  }
0x274: {  	v11 =	vadd.s32 v11, v55;
	s28 =	spop (v2sf)  }
0x275: {  	v11 =	vnsel vm1, $0x1, v11;
	s0 =	sadd.s32 s0, s28  }
0x276: {  	v58 =	vshll.u32 v11, $0x3;
	v57 =	vmov s0  }
0x277: {  	v59 =	vand.u32 $0x7, v11;
	v13 =	vand.u32 $0xFFFFFFC0, v58;
	v12 =	vadd.s32 $0x1, v57  }
0x278: {  	v13 =	vor.u32 v59, v13;
	v12 =	vbroadcast v12, $0x0  }
0x279: {  	v60, _, _ =	vpop (xrf0);
	v61 =	vperm.xlane v13, v8  }
0x27a: {  	v12 =	vadd.s32 v60, v12  }
0x27b: {  	[tilespmem:$0x18C80] =	vst v11;
	v62 =	vadd.s32 v9, v61;
	v11 =	vnsel vm2, $0x1, v12  }
0x27c: {  	[tilespmem:$0x18C90] =	vst v11  }
0x27d: {  	s1 =	rddreg [dreg:$0xf];
	_ =	swait.ge [sflag:s29], $0x8000  }
0x27e: {  	[sflag:s29] =	ssyncset.done $0x0  }
0x27f: {  	[sflag:s29] =	ssyncadd.s32 $0xFFFF8000  }
0x280: {  	[tilespmem:s26], [sflag:$0x2] =	stream.indirect_vreg.gather [hbm4b:s5+s3], $0x80, v62, vm0, $0xb8;
	[tilespmem:$0x18D00] =	vst v63  }
0x281: {  	s30 =	simm.s32 $0x9100;
	v11 =	vperm.xlane v13, v10  }
0x282: {  	[tilespmem:s30], [sflag:$0x2] =	stream.indirect_vreg.gather [hbm4b:s6+s3], $0x80, v62, vm0, $0xb8;
	[tilespmem:$0x18D00] =	vst v63  }
0x283: {  	s10 =	simm.s32 $0x9900;
	v11 =	vadd.s32 v9, v11  }
0x284: {  	[tilespmem:s10], [sflag:$0x2] =	stream.indirect_vreg.gather [hbm4b:s7+s3], $0x80, v62, vm0, $0xb8;
	[tilespmem:$0x18D00] =	vst v63  }
0x285: {  	s11 =	simm.s32 $0xA100  }
0x286: {  	[tilespmem:s11], [sflag:$0x2] =	stream.indirect_vreg.gather [hbm4b:s8+s3], $0x80, v62, vm0, $0xb8;
	[tilespmem:$0x18D00] =	vst v63  }
0x287: {  	s28 =	simm.s32 $0xA900  }
0x288: {  	[tilespmem:s28], [sflag:$0x2] =	stream.indirect_vreg.gather [hbm4b:s5+s3], $0x80, v11, vm0, $0xb8;
	[tilespmem:$0x18D00] =	vst v63  }
0x289: {  	s30 =	simm.s32 $0xB100  }
0x28a: {  	[tilespmem:s30], [sflag:$0x2] =	stream.indirect_vreg.gather [hbm4b:s6+s3], $0x80, v11, vm0, $0xb8;
	[tilespmem:$0x18D00] =	vst v63  }
0x28b: {  	s10 =	simm.s32 $0xB900  }
0x28c: {  	[tilespmem:s10], [sflag:$0x2] =	stream.indirect_vreg.gather [hbm4b:s7+s3], $0x80, v11, vm0, $0xb8;
	[tilespmem:$0x18D00] =	vst v63  }
0x28d: {  	s11 =	simm.s32 $0xC100  }
0x28e: {  	[tilespmem:s11], [sflag:$0x2] =	stream.indirect_vreg.gather [hbm4b:s8+s3], $0x80, v11, vm0, $0xb8;
	[tilespmem:$0x18D00] =	vst v63  }
0x28f: {  	v11 =	vld [tilespmem:$0x18C90];
	_ =	sdelay $0x4  }
0x290: {  	v63 =	vshll.u32 v11, $0x3  }
0x291: {  	v11 =	vand.u32 $0x7, v11;
	v12 =	vand.u32 $0xFFFFFFC0, v63  }
0x292: {  	v11 =	vor.u32 v11, v12  }
0x293: {  	v12 =	vperm.xlane v11, v8;
	_ =	sdelay $0x1  }
0x294: {  	v12 =	vadd.s32 v9, v12;
	_ =	sdelay $0x3  }
0x295: {  	s28 =	simm.s32 $0xC900  }
0x296: {  	[tilespmem:s28], [sflag:$0x2] =	stream.indirect_vreg.gather [hbm4b:s5+s3], $0x80, v12, vm0, $0xb8;
	[tilespmem:$0x18D00] =	vst v63  }
0x297: {  	s30 =	simm.s32 $0xD100;
	v11 =	vperm.xlane v11, v10  }
0x298: {  	[tilespmem:s30], [sflag:$0x2] =	stream.indirect_vreg.gather [hbm4b:s6+s3], $0x80, v12, vm0, $0xb8;
	[tilespmem:$0x18D00] =	vst v63  }
0x299: {  	s10 =	simm.s32 $0xD900;
	v11 =	vadd.s32 v9, v11  }
0x29a: {  	[tilespmem:s10], [sflag:$0x2] =	stream.indirect_vreg.gather [hbm4b:s7+s3], $0x80, v12, vm0, $0xb8;
	[tilespmem:$0x18D00] =	vst v63  }
0x29b: {  	s11 =	simm.s32 $0xE100  }
0x29c: {  	[tilespmem:s11], [sflag:$0x2] =	stream.indirect_vreg.gather [hbm4b:s8+s3], $0x80, v12, vm0, $0xb8;
	[tilespmem:$0x18D00] =	vst v63  }
0x29d: {  	s28 =	simm.s32 $0xE900  }
0x29e: {  	[tilespmem:s28], [sflag:$0x2] =	stream.indirect_vreg.gather [hbm4b:s5+s3], $0x80, v11, vm0, $0xb8;
	[tilespmem:$0x18D00] =	vst v63  }
0x29f: {  	s30 =	simm.s32 $0xF100  }
0x2a0: {  	[tilespmem:s30], [sflag:$0x2] =	stream.indirect_vreg.gather [hbm4b:s6+s3], $0x80, v11, vm0, $0xb8;
	[tilespmem:$0x18D00] =	vst v63  }
0x2a1: {  	s10 =	simm.s32 $0xF900  }
0x2a2: {  	[tilespmem:s10], [sflag:$0x2] =	stream.indirect_vreg.gather [hbm4b:s7+s3], $0x80, v11, vm0, $0xb8;
	[tilespmem:$0x18D00] =	vst v63  }
0x2a3: {  	s11 =	simm.s32 $0x10100  }
0x2a4: {  	[tilespmem:s11], [sflag:$0x2] =	stream.indirect_vreg.gather [hbm4b:s8+s3], $0x80, v11, vm0, $0xb8;
	[tilespmem:$0x18D00] =	vst v63  }
0x2a5: {  	_ =	swait.ge [sflag:s24], $0x8000  }
0x2a6: {  	[sflag:s24] =	ssyncset.done $0x0  }
0x2a7: {  	s28 =	rddreg [dreg:$0xb];
	[sflag:s24] =	ssyncadd.s32 $0xFFFF8000  }
0x2a8: {  	[hbm4b:s28+s3] =	stream.linear.scatter [tilespmem:s31], [sflag:$0x4], $0x8000, $0x38;
	[tilespmem:$0x18D00] =	vst v63  }
0x2a9: {  	_ =	swait.ge [sflag:s25], $0x8000  }
0x2aa: {  	[sflag:s25] =	ssyncset.done $0x0  }
0x2ab: {  	s30 =	rddreg [dreg:$0xc];
	[sflag:s25] =	ssyncadd.s32 $0xFFFF8000  }
0x2ac: {  	[hbm4b:s30+s3] =	stream.linear.scatter [tilespmem:s26], [sflag:$0x5], $0x8000, $0x38;
	[tilespmem:$0x18D00] =	vst v63  }
0x2ad: {  	_ =	swait.ge [sflag:s2], $0x8000  }
0x2ae: {  	[sflag:s2] =	ssyncset.done $0x0  }
0x2af: {  	[sflag:s2] =	ssyncadd.s32 $0xFFFF8000  }
0x2b0: {  	p0 =	sne.s32 s1, $0x1;
	_ =	swait.ge [sflag:s23], $0x8000  }
.Ltmp0:
0x2b1: {  	[sflag:s23] =	ssyncset.done $0x0;
	(pc) =	sbr.rel @p0 .LBB2_1-.Ltmp0, $4  }
0x2b2: {  	[sflag:s23] =	ssyncadd.s32 $0xFFFF8000  }
0x2b3: {  	_ =	swait.ge [sflag:s29], $0x8000  }
0x2b4: {  	[sflag:s29] =	ssyncset.done $0x0  }
0x2b5: {  	s1 =	sadd.s32 $0xFFFFFFFF, s1;
	[sflag:s29] =	ssyncadd.s32 $0xFFFF8000  }
0x2b6: {  	_ =	sfence.sel $0x180000  }
0x2b7: {  	[bflag:$0x0] =	sbarrier.arrive $0xFFFF  }
0x2b8: {  	_ =	strace $0x90000047  }
0x2b9: {  	s0 =	stileid.u32;
	[bflag:$0x2] =	sbarrier.arrive $0xFFFF  }
0x2ba: {  	p0 =	sne.s32 s0, $0x0;
	s0 =	rddreg [dreg:$0x3]  }
0x2bb: {  	s0 =	sadd.s32 @!p0 $0x100000, s0  }
0x2bc: {  	[sflag:s0] =	ssyncadd.tile.s32 @!p0 $0x1;
	_ =	shalt  }
.Lfunc_end2:
_tile_overlayer_lowered:
.L_overlay_start_2:
0x2bd: {  	(tag) =	ssettag $0x2  }
0x2be: {  	s0 =	rddreg [dreg:$0x0];
	s2 =	stileid.u32  }
0x2bf: {  	s1 =	rddreg [dreg:$0x1];
	p0 =	sne.s32 s2, $0x0  }
0x2c0: {  	s3 =	rddreg [dreg:$0x2];
	[bflag:$0x3] =	sbarrier.arrive $0xFFFF;
	s2 =	simm.s32 @!p0 $0x1C09  }
0x2c1: {  	[timem:s3], [sflag:s2] =	dma.local @!p0 [hbm:s0], s1  }
0x2c2: {  	s0 =	simm.s32 @!p0 $0x9  }
0x2c3: {  	_ =	swait.ge @!p0 [sflag:s0], s1  }
0x2c4: {  	s1 =	ssub.s32 @!p0 $0x0, s1;
	[sflag:s0] =	ssyncset.done @!p0 $0x0  }
0x2c5: {  	[sflag:s0] =	ssyncadd.s32 @!p0 s1  }
0x2c6: {  	[bflag:$0x3] =	sbarrier.arrive $0xFFFF  }
0x2c7: {  	_ =	shalt  }

</sc_bundles>
